<compile_context>
chip_gen: v7x
topology: tpu7x:2x2x1
jax: 0.10.2.dev20260603
libtpu: 0.0.44.dev20260713+nightly
codegen_flags: <defaults>
</compile_context>

<pallas_src>
import jax
import jax.numpy as jnp
from jax import lax
from jax.experimental import pallas as pl
from jax.experimental.pallas import tpu as pltpu
from jax.experimental.pallas import tpu_sc as plsc

N = 10000
NP = 10240
E = 320000
D = 128
R = 2
HALF = 64
NC = 2
NS = 16
L = 16
CH = 128
NCH = 160
ET = NCH * CH
EPAD = NS * ET
NCH32 = EPAD // (2 * NS) // CH
NSEG = 4
CHD = 64
NCHD = EPAD // (2 * NS) // CHD
SEGC = NCH // NSEG
SEGE = SEGC * CH


def _mesh():
    return plsc.VectorSubcoreMesh(
        core_axis_name="c", subcore_axis_name="s", num_cores=NC, num_subcores=NS
    )


def _deg_body(x3_hbm, y3_hbm, z_hbm, out_hbm,
              hist, Xb, Cb, ones, sa0, sb0, sa1, sb1):
    cid = lax.axis_index("c")
    sid = lax.axis_index("s")
    wid = cid * NS + sid
    for j in range(CH // L):
        ones[pl.ds(j * L, L)] = jnp.ones((L,), jnp.float32)

    zsl = pl.ds(sid * (4 * NP // NS), 4 * NP // NS)
    pltpu.sync_copy(z_hbm.at[zsl], hist.at[zsl])

    et32 = NCH32 * CH
    pltpu.sync_copy(x3_hbm.at[pl.ds(wid * et32, et32)], Xb)
    pltpu.sync_copy(y3_hbm.at[pl.ds(wid * et32, et32)], Cb)

    def cc(kk, carry):
        osl = pl.ds(kk * L, L)
        Cb[osl] = Cb[osl] + 2 * NP
        return carry

    lax.fori_loop(0, et32 // L, cc, 0)
    plsc.subcore_barrier()

    sa = (sa0, sa1)
    sb = (sb0, sb1)

    def pair(i2, carry):
        for b in range(2):
            c = i2 * 2 + b

            @pl.when(i2 >= 1)
            def _():
                pltpu.make_async_copy(
                    ones, hist.at[Xb.at[pl.ds((c - 2) * CH, CH)]], sa[b]).wait()
                pltpu.make_async_copy(
                    ones, hist.at[Cb.at[pl.ds((c - 2) * CH, CH)]], sb[b]).wait()

            pltpu.async_copy(ones, hist.at[Xb.at[pl.ds(c * CH, CH)]], sa[b],
                             add=True)
            pltpu.async_copy(ones, hist.at[Cb.at[pl.ds(c * CH, CH)]], sb[b],
                             add=True)
        return carry

    lax.fori_loop(0, NCH32 // 2, pair, 0)
    for b in range(2):
        c = NCH32 - 2 + b
        pltpu.make_async_copy(ones, hist.at[Xb.at[pl.ds(c * CH, CH)]],
                              sa[b]).wait()
        pltpu.make_async_copy(ones, hist.at[Cb.at[pl.ds(c * CH, CH)]],
                              sb[b]).wait()
    plsc.subcore_barrier()
    pltpu.sync_copy(hist.at[zsl],
                    out_hbm.at[pl.ds(cid * 4 * NP + sid * (4 * NP // NS),
                                     4 * NP // NS)])


def _deg_call(x, y):
    k = pl.kernel(
        _deg_body,
        out_type=jax.ShapeDtypeStruct((NC * 4 * NP,), jnp.float32),
        mesh=_mesh(),
        compiler_params=pltpu.CompilerParams(use_tc_tiling_on_sc=False),
        scratch_types=[
            pltpu.VMEM_SHARED((4 * NP,), jnp.float32),
            pltpu.VMEM((NCH32 * CH,), jnp.int32),
            pltpu.VMEM((NCH32 * CH,), jnp.int32),
            pltpu.VMEM((CH,), jnp.float32),
            pltpu.SemaphoreType.DMA,
            pltpu.SemaphoreType.DMA,
            pltpu.SemaphoreType.DMA,
            pltpu.SemaphoreType.DMA,
        ],
    )
    z = jnp.zeros((4 * NP,), jnp.float32)
    return k(x, y, z).reshape(NC, 4 * NP)


_TB = 256


def _table_body(feat_ref, w_ref, deg_ref, tab_ref, inv_ref):
    f = feat_ref[...]
    for r in range(R):
        d = deg_ref[r] + deg_ref[R + r]
        inv = lax.rsqrt(jnp.maximum(d, 1.0))
        inv_ref[r] = inv
        res = jnp.dot(f, w_ref[r], preferred_element_type=jnp.float32)
        res = res * inv[:, None]
        tab_ref[0, r] = res[:, :HALF]
        tab_ref[1, r] = res[:, HALF:]


def _table_call(feat_p, w, deg4):
    return pl.pallas_call(
        _table_body,
        grid=(NP // _TB,),
        in_specs=[
            pl.BlockSpec((_TB, D), lambda nb: (nb, 0)),
            pl.BlockSpec((R, D, D), lambda nb: (0, 0, 0)),
            pl.BlockSpec((2 * R, _TB), lambda nb: (0, nb)),
        ],
        out_specs=[
            pl.BlockSpec((2, R, _TB, HALF), lambda nb: (0, 0, nb, 0)),
            pl.BlockSpec((R, _TB), lambda nb: (0, nb)),
        ],
        out_shape=[
            jax.ShapeDtypeStruct((2, R, NP, HALF), jnp.float32),
            jax.ShapeDtypeStruct((R, NP), jnp.float32),
        ],
    )(feat_p, w, deg4)


def _agg_body(tc_hbm, tg_hbm, x_hbm, y_hbm, z_hbm, aggc_hbm, aggg_hbm,
              A, Zb, Sb2, rows0, rows1, rows2, rows3,
              gs0, gs1, gs2, gs3, ss0, ss1, ss2, ss3):
    cid = lax.axis_index("c")
    sid = lax.axis_index("s")
    tpw = 2 * NP // NS

    def zero_a():
        zsl = pl.ds(sid * tpw, tpw)
        pltpu.sync_copy(z_hbm.at[zsl], A.at[zsl])

    rowsb = (rows0, rows1, rows2, rows3)
    gsem = (gs0, gs1, gs2, gs3)
    ssem = (ss0, ss1, ss2, ss3)

    def run_phase(tab_hbm, g_hbm, s_hbm, out_hbm):
        def seg(s, carry):
            soff = sid * ET + s * SEGE
            pltpu.sync_copy(g_hbm.at[pl.ds(soff, SEGE)], Zb)
            pltpu.sync_copy(s_hbm.at[pl.ds(soff, SEGE)], Sb2)

            def cz(kk, c2):
                osl = pl.ds(kk * L, L)
                Zb[osl] = Zb[osl] + cid * (2 * NP)
                return c2

            lax.fori_loop(0, SEGE // L, cz, 0)

            for b in range(4):
                pltpu.async_copy(tab_hbm.at[Zb.at[pl.ds(b * CH, CH)]],
                                 rowsb[b], gsem[b])

            def quad(i4, c2):
                c0 = i4 * 4
                for b in range(4):
                    c = c0 + b
                    pltpu.make_async_copy(tab_hbm.at[Zb.at[pl.ds(c * CH, CH)]],
                                          rowsb[b], gsem[b]).wait()
                    pltpu.async_copy(rowsb[b], A.at[Sb2.at[pl.ds(c * CH, CH)]],
                                     ssem[b], add=True)

                @pl.when(i4 + 1 < SEGC // 4)
                def _():
                    for b in range(4):
                        c = c0 + b
                        pltpu.make_async_copy(
                            rowsb[b], A.at[Sb2.at[pl.ds(c * CH, CH)]],
                            ssem[b]).wait()
                        pltpu.async_copy(
                            tab_hbm.at[Zb.at[pl.ds((c + 4) * CH, CH)]],
                            rowsb[b], gsem[b])

                return c2

            lax.fori_loop(0, SEGC // 4, quad, 0)
            for b in range(4):
                c = SEGC - 4 + b
                pltpu.make_async_copy(rowsb[b],
                                      A.at[Sb2.at[pl.ds(c * CH, CH)]],
                                      ssem[b]).wait()
            return carry

        lax.fori_loop(0, NSEG, seg, 0)
        plsc.subcore_barrier()
        roff = sid * tpw
        pltpu.sync_copy(A.at[pl.ds(roff, tpw)],
                        out_hbm.at[pl.ds(cid * 2 * NP + roff, tpw)])
        plsc.subcore_barrier()

    zero_a()
    plsc.subcore_barrier()
    run_phase(tc_hbm, x_hbm, y_hbm, aggc_hbm)
    zero_a()
    plsc.subcore_barrier()
    run_phase(tg_hbm, y_hbm, x_hbm, aggg_hbm)


def _agg_call(tabc, tabg, x, y):
    out = jax.ShapeDtypeStruct((NC * 2 * NP, HALF), jnp.float32)
    k = pl.kernel(
        _agg_body,
        out_type=(out, out),
        mesh=_mesh(),
        compiler_params=pltpu.CompilerParams(use_tc_tiling_on_sc=False),
        scratch_types=[
            pltpu.VMEM_SHARED((2 * NP, HALF), jnp.float32),
            pltpu.VMEM((SEGE,), jnp.int32),
            pltpu.VMEM((SEGE,), jnp.int32),
            pltpu.VMEM((CH, HALF), jnp.float32),
            pltpu.VMEM((CH, HALF), jnp.float32),
            pltpu.VMEM((CH, HALF), jnp.float32),
            pltpu.VMEM((CH, HALF), jnp.float32),
            pltpu.SemaphoreType.DMA,
            pltpu.SemaphoreType.DMA,
            pltpu.SemaphoreType.DMA,
            pltpu.SemaphoreType.DMA,
            pltpu.SemaphoreType.DMA,
            pltpu.SemaphoreType.DMA,
            pltpu.SemaphoreType.DMA,
            pltpu.SemaphoreType.DMA,
        ],
    )
    z = jnp.zeros((2 * NP, HALF), jnp.float32)
    aggc, aggg = k(tabc, tabg, x, y, z)
    return (aggc.reshape(NC, R, NP, HALF), aggg.reshape(NC, R, NP, HALF))


def _proj_body(agg_ref, inv_ref, w_ref, b_ref, out_ref):
    parts = []
    for r in range(R):
        iv = inv_ref[r][:, None]
        for h in range(2):
            parts.append(jnp.maximum(agg_ref[h, r], 0.0) * iv)
    a = jnp.concatenate(parts, axis=1)
    acc = jnp.dot(a, w_ref[...], preferred_element_type=jnp.float32)
    out_ref[...] = jnp.maximum(acc + b_ref[...], 0.0)


def _proj_call(agg4, inv, wfc, bfc):
    return pl.pallas_call(
        _proj_body,
        grid=(NP // _TB,),
        in_specs=[
            pl.BlockSpec((2, R, _TB, HALF), lambda nb: (0, 0, nb, 0)),
            pl.BlockSpec((R, _TB), lambda nb: (0, nb)),
            pl.BlockSpec((R * D, D), lambda nb: (0, 0)),
            pl.BlockSpec((1, D), lambda nb: (0, 0)),
        ],
        out_specs=pl.BlockSpec((_TB, D), lambda nb: (nb, 0)),
        out_shape=jax.ShapeDtypeStruct((NP, D), jnp.float32),
    )(agg4, inv, wfc, bfc.reshape(1, D))


def _dec_body(g_hbm, c_hbm, s2_hbm, d2_hbm, out_hbm,
              Sb, Db, g0, g1, c0b, c1b, P, p0, p1, sg0, sg1, sc0, sc1, sw0, sw1):
    cid = lax.axis_index("c")
    sid = lax.axis_index("s")
    wid = cid * NS + sid
    base = wid * (NCHD * CHD)
    lanes = lax.broadcasted_iota(jnp.int32, (L,), 0)

    pltpu.sync_copy(s2_hbm.at[pl.ds(2 * base, 2 * NCHD * CHD)], Sb)
    pltpu.sync_copy(d2_hbm.at[pl.ds(2 * base, 2 * NCHD * CHD)], Db)

    gbuf = (g0, g1)
    cbuf = (c0b, c1b)
    pbuf = (p0, p1)
    sg = (sg0, sg1)
    sc = (sc0, sc1)
    sw = (sw0, sw1)
    ipc = 2 * CHD

    pltpu.async_copy(g_hbm.at[Sb.at[pl.ds(0, ipc)]], gbuf[0], sg[0])
    pltpu.async_copy(c_hbm.at[Db.at[pl.ds(0, ipc)]], cbuf[0], sc[0])
    pltpu.async_copy(g_hbm.at[Sb.at[pl.ds(ipc, ipc)]], gbuf[1], sg[1])
    pltpu.async_copy(c_hbm.at[Db.at[pl.ds(ipc, ipc)]], cbuf[1], sc[1])

    def pair(i2, carry):
        for b in range(2):
            c = i2 * 2 + b
            pltpu.make_async_copy(g_hbm.at[Sb.at[pl.ds(c * ipc, ipc)]],
                                  gbuf[b], sg[b]).wait()
            pltpu.make_async_copy(c_hbm.at[Db.at[pl.ds(c * ipc, ipc)]],
                                  cbuf[b], sc[b]).wait()

            def edot(e, carry2):
                acc = jnp.zeros((L,), jnp.float32)
                for h in range(2):
                    for j in range(HALF // L):
                        acc = acc + (gbuf[b][2 * e + h, pl.ds(j * L, L)]
                                     * cbuf[b][2 * e + h, pl.ds(j * L, L)])
                P[pl.ds(e * L, L)] = acc
                return carry2

            lax.fori_loop(0, CHD, edot, 0)

            @pl.when(i2 >= 1)
            def _():
                pltpu.make_async_copy(
                    pbuf[b], out_hbm.at[pl.ds(base + (c - 2) * CHD, CHD)],
                    sw[b]).wait()

            def red(g, carry2):
                acc = jnp.zeros((L,), jnp.float32)
                rowbase = (g * L + lanes) * L
                for j in range(L):
                    acc = acc + plsc.load_gather(P, [rowbase + j])
                pbuf[b][pl.ds(g * L, L)] = acc
                return carry2

            lax.fori_loop(0, CHD // L, red, 0)
            pltpu.async_copy(pbuf[b], out_hbm.at[pl.ds(base + c * CHD, CHD)],
                             sw[b])

            @pl.when(i2 + 1 < NCHD // 2)
            def _():
                pltpu.async_copy(g_hbm.at[Sb.at[pl.ds((c + 2) * ipc, ipc)]],
                                 gbuf[b], sg[b])
                pltpu.async_copy(c_hbm.at[Db.at[pl.ds((c + 2) * ipc, ipc)]],
                                 cbuf[b], sc[b])

        return carry

    lax.fori_loop(0, NCHD // 2, pair, 0)
    for b in range(2):
        c = NCHD - 2 + b
        pltpu.make_async_copy(pbuf[b], out_hbm.at[pl.ds(base + c * CHD, CHD)],
                              sw[b]).wait()


def _dec_call(gout, cout, ds2, dd2):
    k = pl.kernel(
        _dec_body,
        out_type=jax.ShapeDtypeStruct((EPAD,), jnp.float32),
        mesh=_mesh(),
        compiler_params=pltpu.CompilerParams(
            use_tc_tiling_on_sc=False, needs_layout_passes=False),
        scratch_types=[
            pltpu.VMEM((2 * NCHD * CHD,), jnp.int32),
            pltpu.VMEM((2 * NCHD * CHD,), jnp.int32),
            pltpu.VMEM((2 * CHD, HALF), jnp.float32),
            pltpu.VMEM((2 * CHD, HALF), jnp.float32),
            pltpu.VMEM((2 * CHD, HALF), jnp.float32),
            pltpu.VMEM((2 * CHD, HALF), jnp.float32),
            pltpu.VMEM((CHD * L,), jnp.float32),
            pltpu.VMEM((CHD,), jnp.float32),
            pltpu.VMEM((CHD,), jnp.float32),
            pltpu.SemaphoreType.DMA,
            pltpu.SemaphoreType.DMA,
            pltpu.SemaphoreType.DMA,
            pltpu.SemaphoreType.DMA,
            pltpu.SemaphoreType.DMA,
            pltpu.SemaphoreType.DMA,
        ],
    )
    g2 = gout.reshape(2 * NP, HALF)
    c2 = cout.reshape(2 * NP, HALF)
    return k(g2, c2, ds2, dd2)


def kernel(ufeat, ifeat, enc_edge_index, enc_edge_type, dec_edge_index,
           W_u, W_i, Wfc_u, bfc_u, Wfc_i, bfc_i):
    src = enc_edge_index[0].astype(jnp.int32)
    dst = enc_edge_index[1].astype(jnp.int32)
    typ = enc_edge_type.astype(jnp.int32)

    pad = jnp.full((EPAD - E,), N, jnp.int32)
    x = jnp.concatenate([typ * NP + src, pad])
    y = jnp.concatenate([typ * NP + dst, pad])

    degp = _deg_call(x, y)
    gdeg = degp[:, :2 * NP].reshape(2 * R, NP)
    cdeg = degp[:, 2 * NP:].reshape(2 * R, NP)

    ufp = jnp.pad(ufeat, ((0, NP - N), (0, 0)))
    ifp = jnp.pad(ifeat, ((0, NP - N), (0, 0)))

    tabc4, invg = _table_call(ufp, W_u, gdeg)
    tabg4, invc = _table_call(ifp, W_i, cdeg)

    aggc, aggg = _agg_call(tabc4.reshape(2 * R * NP, HALF),
                           tabg4.reshape(2 * R * NP, HALF), x, y)

    gene_out_p = _proj_call(aggg, invg, Wfc_u, bfc_u)
    cell_out_p = _proj_call(aggc, invc, Wfc_i, bfc_i)

    dsrcp = jnp.concatenate([dec_edge_index[0].astype(jnp.int32), pad])
    ddstp = jnp.concatenate([dec_edge_index[1].astype(jnp.int32), pad])
    ds2 = (2 * dsrcp[:, None] + jnp.arange(2, dtype=jnp.int32)).reshape(-1)
    dd2 = (2 * ddstp[:, None] + jnp.arange(2, dtype=jnp.int32)).reshape(-1)
    pred = _dec_call(gene_out_p, cell_out_p, ds2, dd2)

    return (pred[:E], gene_out_p[:N], cell_out_p[:N])

# --- scband reference (transcript-rebuilt; emitter-appended) ---
"""Pipeline reference for scband-net-35467839930973 (READ-ONLY COPY).

The authoritative reference and input builder live on the scoring server;
editing this copy changes nothing except your own understanding.
"""

import jax, jax.numpy as jnp
import numpy as np

N_GENE = 10000
N_CELL = 10000
E_ENC = 320000
E_DEC = 320000
D_IN = 128
R = 2
AGG = 256
D_OUT = 128
MSG = AGG // R


def setup_inputs(seed: int = 0) -> dict:
    key = jax.random.key(seed)
    ks = jax.random.split(key, 12)
    ufeat = jax.random.normal(ks[0], (N_GENE, D_IN), dtype=jnp.float32)
    ifeat = jax.random.normal(ks[1], (N_CELL, D_IN), dtype=jnp.float32)
    enc_edge_index = jax.random.randint(ks[2], (2, E_ENC), 0, N_GENE, dtype=jnp.int64 if jax.config.jax_enable_x64 else jnp.int32)
    enc_edge_type = jax.random.randint(ks[3], (E_ENC,), 0, R)
    dec_edge_index = jax.random.randint(ks[4], (2, E_DEC), 0, N_GENE, dtype=jnp.int64 if jax.config.jax_enable_x64 else jnp.int32)
    W_u = jax.random.normal(ks[5], (R, D_IN, MSG), dtype=jnp.float32) * 0.05
    W_i = jax.random.normal(ks[6], (R, D_IN, MSG), dtype=jnp.float32) * 0.05
    Wfc_u = jax.random.normal(ks[7], (AGG, D_OUT), dtype=jnp.float32) * 0.05
    bfc_u = jnp.zeros((D_OUT,), dtype=jnp.float32)
    Wfc_i = jax.random.normal(ks[8], (AGG, D_OUT), dtype=jnp.float32) * 0.05
    bfc_i = jnp.zeros((D_OUT,), dtype=jnp.float32)
    return {"ufeat": ufeat, "ifeat": ifeat, "enc_edge_index": enc_edge_index,
            "enc_edge_type": enc_edge_type, "dec_edge_index": dec_edge_index,
            "W_u": W_u, "W_i": W_i, "Wfc_u": Wfc_u, "bfc_u": bfc_u,
            "Wfc_i": Wfc_i, "bfc_i": bfc_i}


def reference(ufeat, ifeat, enc_edge_index, enc_edge_type, dec_edge_index,
              W_u, W_i, Wfc_u, bfc_u, Wfc_i, bfc_i):
    # GCMC encoder: per-rating-type graph conv on bipartite gene<->cell graph,
    # 'stack' aggregation across rating types, then dense projection.
    src = enc_edge_index[0]
    dst = enc_edge_index[1]
    agg_cell = []
    agg_gene = []
    feat_src = ufeat[src]  # gather [E, D_IN]
    feat_dst = ifeat[dst]  # gather [E, D_IN]
    for r in range(R):
        mask = (enc_edge_type == r).astype(jnp.float32)
        deg_g = jnp.zeros((N_GENE,), jnp.float32).at[src].add(mask)
        deg_c = jnp.zeros((N_CELL,), jnp.float32).at[dst].add(mask)
        norm = 1.0 / jnp.sqrt(jnp.clip(deg_g, 1.0)[src] * jnp.clip(deg_c, 1.0)[dst])
        coef = (norm * mask)[:, None]
        # gene -> cell messages
        msg_gc = feat_src @ W_u[r]
        agg_cell.append(jnp.zeros((N_CELL, MSG), jnp.float32).at[dst].add(msg_gc * coef))
        # cell -> gene messages (reverse direction)
        msg_cg = feat_dst @ W_i[r]
        agg_gene.append(jnp.zeros((N_GENE, MSG), jnp.float32).at[src].add(msg_cg * coef))
    cell_h = jax.nn.relu(jnp.concatenate(agg_cell, axis=1))
    gene_h = jax.nn.relu(jnp.concatenate(agg_gene, axis=1))
    gene_out = jax.nn.relu(gene_h @ Wfc_u + bfc_u)
    cell_out = jax.nn.relu(cell_h @ Wfc_i + bfc_i)
    # Decoder: per-edge dot product on the decode graph (dropout is identity in eval)
    dsrc = dec_edge_index[0]
    ddst = dec_edge_index[1]
    pred_ratings = jnp.sum(gene_out[dsrc] * cell_out[ddst], axis=1)
    return (pred_ratings, gene_out, cell_out)

if __name__ == "__main__":
    import jax
    _d = setup_inputs()
    print(jax.jit(kernel)(*tuple(_d.values())))

</pallas_src>

<mosaic_0001>
#map = affine_map<(d0, d1) -> (0, 0)>
#map1 = affine_map<(d0, d1) -> (0)>
module attributes {stable_mosaic.version = 14 : i64} {
  func.func @_dec_body(%arg0: i32, %arg1: i32, %arg2: memref<20480x64xf32, #tpu.memory_space<hbm>>, %arg3: memref<20480x64xf32, #tpu.memory_space<hbm>>, %arg4: memref<655360xi32, #tpu.memory_space<hbm>>, %arg5: memref<655360xi32, #tpu.memory_space<hbm>>, %arg6: memref<327680xf32, #tpu.memory_space<hbm>>, %arg7: memref<20480xi32, #tpu.memory_space<vmem>>, %arg8: memref<20480xi32, #tpu.memory_space<vmem>>, %arg9: memref<128x64xf32, #tpu.memory_space<vmem>>, %arg10: memref<128x64xf32, #tpu.memory_space<vmem>>, %arg11: memref<128x64xf32, #tpu.memory_space<vmem>>, %arg12: memref<128x64xf32, #tpu.memory_space<vmem>>, %arg13: memref<1024xf32, #tpu.memory_space<vmem>>, %arg14: memref<64xf32, #tpu.memory_space<vmem>>, %arg15: memref<64xf32, #tpu.memory_space<vmem>>, %arg16: memref<!tpu.dma_semaphore, #tpu.memory_space<semaphore_mem>>, %arg17: memref<!tpu.dma_semaphore, #tpu.memory_space<semaphore_mem>>, %arg18: memref<!tpu.dma_semaphore, #tpu.memory_space<semaphore_mem>>, %arg19: memref<!tpu.dma_semaphore, #tpu.memory_space<semaphore_mem>>, %arg20: memref<!tpu.dma_semaphore, #tpu.memory_space<semaphore_mem>>, %arg21: memref<!tpu.dma_semaphore, #tpu.memory_space<semaphore_mem>>) attributes {dimension_semantics = [#tpu.dimension_semantics<core_parallel>, #tpu.dimension_semantics<subcore_parallel>], iteration_bounds = array<i64: 2, 16>, scalar_prefetch = 0 : i64, scratch_operands = 15 : i64, tpu.core_type = #tpu.core_type<sc_vector_subcore>, window_params = [{transform_indices = #map}, {transform_indices = #map}, {transform_indices = #map1}, {transform_indices = #map1}, {transform_indices = #map1}]} {
    %mul3A = arith.constant 16 : i32
    %mul3A_0 = arith.muli %arg0, %mul3A : i32
    %add3A = arith.addi %mul3A_0, %arg1 : i32
    %mul3A_1 = arith.constant 10240 : i32
    %mul3A_2 = arith.muli %add3A, %mul3A_1 : i32
    %iota3A = tpu.iota {dimensions = array<i32: 0>} : vector<16xi32>
    %mul3A_3 = arith.constant 2 : i32
    %mul3A_4 = arith.muli %mul3A_3, %mul3A_2 : i32
    "tpu.region"() ({
      %run_scoped3A = tpu.sem_alloc : memref<!tpu.dma_semaphore, #tpu.memory_space<semaphore_mem>>
      %dma_start3A_38 = tpu.memref_slice %arg4[%mul3A_4] : memref<655360xi32, #tpu.memory_space<hbm>> -> memref<20480xi32, #tpu.memory_space<hbm>>
      %dma_start3A_39 = tpu.memref_slice %arg4[%mul3A_4] : memref<655360xi32, #tpu.memory_space<hbm>> -> memref<20480xi32, #tpu.memory_space<hbm>>
      tpu.enqueue_dma source(%dma_start3A_39 : memref<20480xi32, #tpu.memory_space<hbm>>) target(%arg7 : memref<20480xi32, #tpu.memory_space<vmem>>) target_semaphore(%run_scoped3A : memref<!tpu.dma_semaphore, #tpu.memory_space<semaphore_mem>>)
      %dma_wait3A_40 = tpu.memref_slice %arg4[%mul3A_4] : memref<655360xi32, #tpu.memory_space<hbm>> -> memref<20480xi32, #tpu.memory_space<hbm>>
      %dma_wait3A_41 = tpu.memref_slice %arg4[%mul3A_4] : memref<655360xi32, #tpu.memory_space<hbm>> -> memref<20480xi32, #tpu.memory_space<hbm>>
      tpu.wait_dma2 semaphore(%run_scoped3A : memref<!tpu.dma_semaphore, #tpu.memory_space<semaphore_mem>>) src(%dma_wait3A_41 : memref<20480xi32, #tpu.memory_space<hbm>>) dst(%arg7 : memref<20480xi32, #tpu.memory_space<vmem>>)
      tpu.yield
    }) : () -> ()
    %mul3A_5 = arith.constant 2 : i32
    %mul3A_6 = arith.muli %mul3A_5, %mul3A_2 : i32
    "tpu.region"() ({
      %run_scoped3A = tpu.sem_alloc : memref<!tpu.dma_semaphore, #tpu.memory_space<semaphore_mem>>
      %dma_start3A_38 = tpu.memref_slice %arg5[%mul3A_6] : memref<655360xi32, #tpu.memory_space<hbm>> -> memref<20480xi32, #tpu.memory_space<hbm>>
      %dma_start3A_39 = tpu.memref_slice %arg5[%mul3A_6] : memref<655360xi32, #tpu.memory_space<hbm>> -> memref<20480xi32, #tpu.memory_space<hbm>>
      tpu.enqueue_dma source(%dma_start3A_39 : memref<20480xi32, #tpu.memory_space<hbm>>) target(%arg8 : memref<20480xi32, #tpu.memory_space<vmem>>) target_semaphore(%run_scoped3A : memref<!tpu.dma_semaphore, #tpu.memory_space<semaphore_mem>>)
      %dma_wait3A_40 = tpu.memref_slice %arg5[%mul3A_6] : memref<655360xi32, #tpu.memory_space<hbm>> -> memref<20480xi32, #tpu.memory_space<hbm>>
      %dma_wait3A_41 = tpu.memref_slice %arg5[%mul3A_6] : memref<655360xi32, #tpu.memory_space<hbm>> -> memref<20480xi32, #tpu.memory_space<hbm>>
      tpu.wait_dma2 semaphore(%run_scoped3A : memref<!tpu.dma_semaphore, #tpu.memory_space<semaphore_mem>>) src(%dma_wait3A_41 : memref<20480xi32, #tpu.memory_space<hbm>>) dst(%arg8 : memref<20480xi32, #tpu.memory_space<vmem>>)
      tpu.yield
    }) : () -> ()
    %dma_start3A = arith.constant 0 : i32
    %dma_start3A_7 = tpu.memref_slice %arg7[%dma_start3A] : memref<20480xi32, #tpu.memory_space<vmem>> -> memref<128xi32, #tpu.memory_space<vmem>>
    %dma_start3A_8 = arith.constant 0 : i32
    %dma_start3A_9 = arith.constant 0 : i32
    %dma_start3A_10 = tpu.memref_slice %arg2[%dma_start3A_8, %dma_start3A_9] : memref<20480x64xf32, #tpu.memory_space<hbm>> -> memref<20480x64xf32, #tpu.memory_space<hbm>>
    tpu.enqueue_indirect_dma source(%dma_start3A_10 : memref<20480x64xf32, #tpu.memory_space<hbm>>) target(%arg9 : memref<128x64xf32, #tpu.memory_space<vmem>>) offsets(%dma_start3A_7 : memref<128xi32, #tpu.memory_space<vmem>>) semaphore(%arg16 : memref<!tpu.dma_semaphore, #tpu.memory_space<semaphore_mem>>)
    %dma_start3A_11 = arith.constant 0 : i32
    %dma_start3A_12 = tpu.memref_slice %arg8[%dma_start3A_11] : memref<20480xi32, #tpu.memory_space<vmem>> -> memref<128xi32, #tpu.memory_space<vmem>>
    %dma_start3A_13 = arith.constant 0 : i32
    %dma_start3A_14 = arith.constant 0 : i32
    %dma_start3A_15 = tpu.memref_slice %arg3[%dma_start3A_13, %dma_start3A_14] : memref<20480x64xf32, #tpu.memory_space<hbm>> -> memref<20480x64xf32, #tpu.memory_space<hbm>>
    tpu.enqueue_indirect_dma source(%dma_start3A_15 : memref<20480x64xf32, #tpu.memory_space<hbm>>) target(%arg11 : memref<128x64xf32, #tpu.memory_space<vmem>>) offsets(%dma_start3A_12 : memref<128xi32, #tpu.memory_space<vmem>>) semaphore(%arg18 : memref<!tpu.dma_semaphore, #tpu.memory_space<semaphore_mem>>)
    %dma_start3A_16 = arith.constant 128 : i32
    %dma_start3A_17 = tpu.memref_slice %arg7[%dma_start3A_16] : memref<20480xi32, #tpu.memory_space<vmem>> -> memref<128xi32, #tpu.memory_space<vmem>>
    %dma_start3A_18 = arith.constant 0 : i32
    %dma_start3A_19 = arith.constant 0 : i32
    %dma_start3A_20 = tpu.memref_slice %arg2[%dma_start3A_18, %dma_start3A_19] : memref<20480x64xf32, #tpu.memory_space<hbm>> -> memref<20480x64xf32, #tpu.memory_space<hbm>>
    tpu.enqueue_indirect_dma source(%dma_start3A_20 : memref<20480x64xf32, #tpu.memory_space<hbm>>) target(%arg10 : memref<128x64xf32, #tpu.memory_space<vmem>>) offsets(%dma_start3A_17 : memref<128xi32, #tpu.memory_space<vmem>>) semaphore(%arg17 : memref<!tpu.dma_semaphore, #tpu.memory_space<semaphore_mem>>)
    %dma_start3A_21 = arith.constant 128 : i32
    %dma_start3A_22 = tpu.memref_slice %arg8[%dma_start3A_21] : memref<20480xi32, #tpu.memory_space<vmem>> -> memref<128xi32, #tpu.memory_space<vmem>>
    %dma_start3A_23 = arith.constant 0 : i32
    %dma_start3A_24 = arith.constant 0 : i32
    %dma_start3A_25 = tpu.memref_slice %arg3[%dma_start3A_23, %dma_start3A_24] : memref<20480x64xf32, #tpu.memory_space<hbm>> -> memref<20480x64xf32, #tpu.memory_space<hbm>>
    tpu.enqueue_indirect_dma source(%dma_start3A_25 : memref<20480x64xf32, #tpu.memory_space<hbm>>) target(%arg12 : memref<128x64xf32, #tpu.memory_space<vmem>>) offsets(%dma_start3A_22 : memref<128xi32, #tpu.memory_space<vmem>>) semaphore(%arg19 : memref<!tpu.dma_semaphore, #tpu.memory_space<semaphore_mem>>)
    %scan3A = arith.constant 0 : i32
    %scan3A_26 = arith.constant 0 : i32
    %scan3A_27 = arith.constant 80 : i32
    %scan3A_28 = arith.addi %scan3A_26, %scan3A_27 : i32
    %scan3A_29 = arith.constant 1 : i32
    scf.for %scan3A_38 = %scan3A_26 to %scan3A_28 step %scan3A_29  : i32 {
      %mul3A_39 = arith.constant 2 : i32
      %mul3A_40 = arith.muli %scan3A_38, %mul3A_39 : i32
      %add3A_41 = arith.constant 0 : i32
      %add3A_42 = arith.addi %mul3A_40, %add3A_41 : i32
      %mul3A_43 = arith.constant 128 : i32
      %mul3A_44 = arith.muli %add3A_42, %mul3A_43 : i32
      %dma_wait3A_45 = tpu.memref_slice %arg7[%mul3A_44] : memref<20480xi32, #tpu.memory_space<vmem>> -> memref<128xi32, #tpu.memory_space<vmem>>
      %dma_wait3A_46 = arith.constant 0 : i32
      %dma_wait3A_47 = arith.constant 0 : i32
      %dma_wait3A_48 = tpu.memref_slice %arg2[%dma_wait3A_46, %dma_wait3A_47] : memref<20480x64xf32, #tpu.memory_space<hbm>> -> memref<20480x64xf32, #tpu.memory_space<hbm>>
      tpu.wait_indirect_dma semaphore(%arg16 : memref<!tpu.dma_semaphore, #tpu.memory_space<semaphore_mem>>) src(%dma_wait3A_48 : memref<20480x64xf32, #tpu.memory_space<hbm>>) dst(%arg9 : memref<128x64xf32, #tpu.memory_space<vmem>>)
      %mul3A_49 = arith.constant 128 : i32
      %mul3A_50 = arith.muli %add3A_42, %mul3A_49 : i32
      %dma_wait3A_51 = tpu.memref_slice %arg8[%mul3A_50] : memref<20480xi32, #tpu.memory_space<vmem>> -> memref<128xi32, #tpu.memory_space<vmem>>
      %dma_wait3A_52 = arith.constant 0 : i32
      %dma_wait3A_53 = arith.constant 0 : i32
      %dma_wait3A_54 = tpu.memref_slice %arg3[%dma_wait3A_52, %dma_wait3A_53] : memref<20480x64xf32, #tpu.memory_space<hbm>> -> memref<20480x64xf32, #tpu.memory_space<hbm>>
      tpu.wait_indirect_dma semaphore(%arg18 : memref<!tpu.dma_semaphore, #tpu.memory_space<semaphore_mem>>) src(%dma_wait3A_54 : memref<20480x64xf32, #tpu.memory_space<hbm>>) dst(%arg11 : memref<128x64xf32, #tpu.memory_space<vmem>>)
      %scan3A_55 = arith.constant 0 : i32
      %scan3A_56 = arith.constant 0 : i32
      %scan3A_57 = arith.constant 64 : i32
      %scan3A_58 = arith.addi %scan3A_56, %scan3A_57 : i32
      %scan3A_59 = arith.constant 1 : i32
      scf.for %scan3A_125 = %scan3A_56 to %scan3A_58 step %scan3A_59  : i32 {
        %broadcast_in_dim3A = arith.constant 0.000000e+00 : f32
        %broadcast_in_dim3A_126 = vector.broadcast %broadcast_in_dim3A : f32 to vector<16xf32>
        %mul3A_127 = arith.constant 2 : i32
        %mul3A_128 = arith.muli %mul3A_127, %scan3A_125 : i32
        %add3A_129 = arith.constant 0 : i32
        %add3A_130 = arith.addi %mul3A_128, %add3A_129 : i32
        %get3A = arith.index_cast %add3A_130 : i32 to index
        %get3A_131 = arith.constant 0 : index
        %get3A_132 = tpu.vector_load %arg9[%get3A, %get3A_131] {strides = array<i32>} : memref<128x64xf32, #tpu.memory_space<vmem>>, vector<16xf32>,
        %mul3A_133 = arith.constant 2 : i32
        %mul3A_134 = arith.muli %mul3A_133, %scan3A_125 : i32
        %add3A_135 = arith.constant 0 : i32
        %add3A_136 = arith.addi %mul3A_134, %add3A_135 : i32
        %get3A_137 = arith.index_cast %add3A_136 : i32 to index
        %get3A_138 = arith.constant 0 : index
        %get3A_139 = tpu.vector_load %arg11[%get3A_137, %get3A_138] {strides = array<i32>} : memref<128x64xf32, #tpu.memory_space<vmem>>, vector<16xf32>,
        %mul3A_140 = arith.mulf %get3A_132, %get3A_139 : vector<16xf32>
        %add3A_141 = arith.addf %broadcast_in_dim3A_126, %mul3A_140 : vector<16xf32>
        %mul3A_142 = arith.constant 2 : i32
        %mul3A_143 = arith.muli %mul3A_142, %scan3A_125 : i32
        %add3A_144 = arith.constant 0 : i32
        %add3A_145 = arith.addi %mul3A_143, %add3A_144 : i32
        %get3A_146 = arith.index_cast %add3A_145 : i32 to index
        %get3A_147 = arith.constant 16 : index
        %get3A_148 = tpu.vector_load %arg9[%get3A_146, %get3A_147] {strides = array<i32>} : memref<128x64xf32, #tpu.memory_space<vmem>>, vector<16xf32>,
        %mul3A_149 = arith.constant 2 : i32
        %mul3A_150 = arith.muli %mul3A_149, %scan3A_125 : i32
        %add3A_151 = arith.constant 0 : i32
        %add3A_152 = arith.addi %mul3A_150, %add3A_151 : i32
        %get3A_153 = arith.index_cast %add3A_152 : i32 to index
        %get3A_154 = arith.constant 16 : index
        %get3A_155 = tpu.vector_load %arg11[%get3A_153, %get3A_154] {strides = array<i32>} : memref<128x64xf32, #tpu.memory_space<vmem>>, vector<16xf32>,
        %mul3A_156 = arith.mulf %get3A_148, %get3A_155 : vector<16xf32>
        %add3A_157 = arith.addf %add3A_141, %mul3A_156 : vector<16xf32>
        %mul3A_158 = arith.constant 2 : i32
        %mul3A_159 = arith.muli %mul3A_158, %scan3A_125 : i32
        %add3A_160 = arith.constant 0 : i32
        %add3A_161 = arith.addi %mul3A_159, %add3A_160 : i32
        %get3A_162 = arith.index_cast %add3A_161 : i32 to index
        %get3A_163 = arith.constant 32 : index
        %get3A_164 = tpu.vector_load %arg9[%get3A_162, %get3A_163] {strides = array<i32>} : memref<128x64xf32, #tpu.memory_space<vmem>>, vector<16xf32>,
        %mul3A_165 = arith.constant 2 : i32
        %mul3A_166 = arith.muli %mul3A_165, %scan3A_125 : i32
        %add3A_167 = arith.constant 0 : i32
        %add3A_168 = arith.addi %mul3A_166, %add3A_167 : i32
        %get3A_169 = arith.index_cast %add3A_168 : i32 to index
        %get3A_170 = arith.constant 32 : index
        %get3A_171 = tpu.vector_load %arg11[%get3A_169, %get3A_170] {strides = array<i32>} : memref<128x64xf32, #tpu.memory_space<vmem>>, vector<16xf32>,
        %mul3A_172 = arith.mulf %get3A_164, %get3A_171 : vector<16xf32>
        %add3A_173 = arith.addf %add3A_157, %mul3A_172 : vector<16xf32>
        %mul3A_174 = arith.constant 2 : i32
        %mul3A_175 = arith.muli %mul3A_174, %scan3A_125 : i32
        %add3A_176 = arith.constant 0 : i32
        %add3A_177 = arith.addi %mul3A_175, %add3A_176 : i32
        %get3A_178 = arith.index_cast %add3A_177 : i32 to index
        %get3A_179 = arith.constant 48 : index
        %get3A_180 = tpu.vector_load %arg9[%get3A_178, %get3A_179] {strides = array<i32>} : memref<128x64xf32, #tpu.memory_space<vmem>>, vector<16xf32>,
        %mul3A_181 = arith.constant 2 : i32
        %mul3A_182 = arith.muli %mul3A_181, %scan3A_125 : i32
        %add3A_183 = arith.constant 0 : i32
        %add3A_184 = arith.addi %mul3A_182, %add3A_183 : i32
        %get3A_185 = arith.index_cast %add3A_184 : i32 to index
        %get3A_186 = arith.constant 48 : index
        %get3A_187 = tpu.vector_load %arg11[%get3A_185, %get3A_186] {strides = array<i32>} : memref<128x64xf32, #tpu.memory_space<vmem>>, vector<16xf32>,
        %mul3A_188 = arith.mulf %get3A_180, %get3A_187 : vector<16xf32>
        %add3A_189 = arith.addf %add3A_173, %mul3A_188 : vector<16xf32>
        %mul3A_190 = arith.constant 2 : i32
        %mul3A_191 = arith.muli %mul3A_190, %scan3A_125 : i32
        %add3A_192 = arith.constant 1 : i32
        %add3A_193 = arith.addi %mul3A_191, %add3A_192 : i32
        %get3A_194 = arith.index_cast %add3A_193 : i32 to index
        %get3A_195 = arith.constant 0 : index
        %get3A_196 = tpu.vector_load %arg9[%get3A_194, %get3A_195] {strides = array<i32>} : memref<128x64xf32, #tpu.memory_space<vmem>>, vector<16xf32>,
        %mul3A_197 = arith.constant 2 : i32
        %mul3A_198 = arith.muli %mul3A_197, %scan3A_125 : i32
        %add3A_199 = arith.constant 1 : i32
        %add3A_200 = arith.addi %mul3A_198, %add3A_199 : i32
        %get3A_201 = arith.index_cast %add3A_200 : i32 to index
        %get3A_202 = arith.constant 0 : index
        %get3A_203 = tpu.vector_load %arg11[%get3A_201, %get3A_202] {strides = array<i32>} : memref<128x64xf32, #tpu.memory_space<vmem>>, vector<16xf32>,
        %mul3A_204 = arith.mulf %get3A_196, %get3A_203 : vector<16xf32>
        %add3A_205 = arith.addf %add3A_189, %mul3A_204 : vector<16xf32>
        %mul3A_206 = arith.constant 2 : i32
        %mul3A_207 = arith.muli %mul3A_206, %scan3A_125 : i32
        %add3A_208 = arith.constant 1 : i32
        %add3A_209 = arith.addi %mul3A_207, %add3A_208 : i32
        %get3A_210 = arith.index_cast %add3A_209 : i32 to index
        %get3A_211 = arith.constant 16 : index
        %get3A_212 = tpu.vector_load %arg9[%get3A_210, %get3A_211] {strides = array<i32>} : memref<128x64xf32, #tpu.memory_space<vmem>>, vector<16xf32>,
        %mul3A_213 = arith.constant 2 : i32
        %mul3A_214 = arith.muli %mul3A_213, %scan3A_125 : i32
        %add3A_215 = arith.constant 1 : i32
        %add3A_216 = arith.addi %mul3A_214, %add3A_215 : i32
        %get3A_217 = arith.index_cast %add3A_216 : i32 to index
        %get3A_218 = arith.constant 16 : index
        %get3A_219 = tpu.vector_load %arg11[%get3A_217, %get3A_218] {strides = array<i32>} : memref<128x64xf32, #tpu.memory_space<vmem>>, vector<16xf32>,
        %mul3A_220 = arith.mulf %get3A_212, %get3A_219 : vector<16xf32>
        %add3A_221 = arith.addf %add3A_205, %mul3A_220 : vector<16xf32>
        %mul3A_222 = arith.constant 2 : i32
        %mul3A_223 = arith.muli %mul3A_222, %scan3A_125 : i32
        %add3A_224 = arith.constant 1 : i32
        %add3A_225 = arith.addi %mul3A_223, %add3A_224 : i32
        %get3A_226 = arith.index_cast %add3A_225 : i32 to index
        %get3A_227 = arith.constant 32 : index
        %get3A_228 = tpu.vector_load %arg9[%get3A_226, %get3A_227] {strides = array<i32>} : memref<128x64xf32, #tpu.memory_space<vmem>>, vector<16xf32>,
        %mul3A_229 = arith.constant 2 : i32
        %mul3A_230 = arith.muli %mul3A_229, %scan3A_125 : i32
        %add3A_231 = arith.constant 1 : i32
        %add3A_232 = arith.addi %mul3A_230, %add3A_231 : i32
        %get3A_233 = arith.index_cast %add3A_232 : i32 to index
        %get3A_234 = arith.constant 32 : index
        %get3A_235 = tpu.vector_load %arg11[%get3A_233, %get3A_234] {strides = array<i32>} : memref<128x64xf32, #tpu.memory_space<vmem>>, vector<16xf32>,
        %mul3A_236 = arith.mulf %get3A_228, %get3A_235 : vector<16xf32>
        %add3A_237 = arith.addf %add3A_221, %mul3A_236 : vector<16xf32>
        %mul3A_238 = arith.constant 2 : i32
        %mul3A_239 = arith.muli %mul3A_238, %scan3A_125 : i32
        %add3A_240 = arith.constant 1 : i32
        %add3A_241 = arith.addi %mul3A_239, %add3A_240 : i32
        %get3A_242 = arith.index_cast %add3A_241 : i32 to index
        %get3A_243 = arith.constant 48 : index
        %get3A_244 = tpu.vector_load %arg9[%get3A_242, %get3A_243] {strides = array<i32>} : memref<128x64xf32, #tpu.memory_space<vmem>>, vector<16xf32>,
        %mul3A_245 = arith.constant 2 : i32
        %mul3A_246 = arith.muli %mul3A_245, %scan3A_125 : i32
        %add3A_247 = arith.constant 1 : i32
        %add3A_248 = arith.addi %mul3A_246, %add3A_247 : i32
        %get3A_249 = arith.index_cast %add3A_248 : i32 to index
        %get3A_250 = arith.constant 48 : index
        %get3A_251 = tpu.vector_load %arg11[%get3A_249, %get3A_250] {strides = array<i32>} : memref<128x64xf32, #tpu.memory_space<vmem>>, vector<16xf32>,
        %mul3A_252 = arith.mulf %get3A_244, %get3A_251 : vector<16xf32>
        %add3A_253 = arith.addf %add3A_237, %mul3A_252 : vector<16xf32>
        %mul3A_254 = arith.constant 16 : i32
        %mul3A_255 = arith.muli %scan3A_125, %mul3A_254 : i32
        %swap3A = arith.index_cast %mul3A_255 : i32 to index
        %swap3A_256 = tpu.vector_load %arg13[%swap3A] {strides = array<i32>} : memref<1024xf32, #tpu.memory_space<vmem>>, vector<16xf32>,
        tpu.vector_store %arg13[%swap3A], %add3A_253 {strides = array<i32>} : memref<1024xf32, #tpu.memory_space<vmem>>, vector<16xf32>,
      }
      %scan3A_60 = arith.constant 64 : i32
      %ge3A = arith.constant 1 : i32
      %ge3A_61 = arith.cmpi sge, %scan3A_38, %ge3A : i32
      %convert_element_type3A = arith.extui %ge3A_61 : i1 to i32
      %cond3A = arith.constant 0 : i32
      %cond3A_62 = arith.cmpi ne, %convert_element_type3A, %cond3A : i32
      scf.if %cond3A_62 {
        %sub3A = arith.constant 2 : i32
        %sub3A_125 = arith.subi %add3A_42, %sub3A : i32
        %mul3A_126 = arith.constant 64 : i32
        %mul3A_127 = arith.muli %sub3A_125, %mul3A_126 : i32
        %add3A_128 = arith.addi %mul3A_2, %mul3A_127 : i32
        %dma_wait3A_129 = tpu.memref_slice %arg6[%add3A_128] : memref<327680xf32, #tpu.memory_space<hbm>> -> memref<64xf32, #tpu.memory_space<hbm>>
        %dma_wait3A_130 = tpu.memref_slice %arg6[%add3A_128] : memref<327680xf32, #tpu.memory_space<hbm>> -> memref<64xf32, #tpu.memory_space<hbm>>
        tpu.wait_dma2 semaphore(%arg20 : memref<!tpu.dma_semaphore, #tpu.memory_space<semaphore_mem>>) src(%arg14 : memref<64xf32, #tpu.memory_space<vmem>>) dst(%dma_wait3A_130 : memref<64xf32, #tpu.memory_space<hbm>>)
      } else {
      }
      %scan3A_63 = arith.constant 0 : i32
      %scan3A_64 = arith.constant 0 : i32
      %scan3A_65 = arith.constant 4 : i32
      %scan3A_66 = arith.addi %scan3A_64, %scan3A_65 : i32
      %scan3A_67 = arith.constant 1 : i32
      scf.for %scan3A_125 = %scan3A_64 to %scan3A_66 step %scan3A_67  : i32 {
        %broadcast_in_dim3A = arith.constant 0.000000e+00 : f32
        %broadcast_in_dim3A_126 = vector.broadcast %broadcast_in_dim3A : f32 to vector<16xf32>
        %mul3A_127 = arith.constant 16 : i32
        %mul3A_128 = arith.muli %scan3A_125, %mul3A_127 : i32
        %add3A_129 = vector.broadcast %mul3A_128 : i32 to vector<16xi32>
        %add3A_130 = arith.addi %add3A_129, %iota3A : vector<16xi32>
        %mul3A_131 = arith.constant 16 : i32
        %mul3A_132 = vector.broadcast %mul3A_131 : i32 to vector<16xi32>
        %mul3A_133 = arith.muli %add3A_130, %mul3A_132 : vector<16xi32>
        %add3A_134 = arith.constant 0 : i32
        %add3A_135 = vector.broadcast %add3A_134 : i32 to vector<16xi32>
        %add3A_136 = arith.addi %mul3A_133, %add3A_135 : vector<16xi32>
        %gather3A = tpu.vector_load_idx %arg13[%add3A_136] : memref<1024xf32, #tpu.memory_space<vmem>>[vector<16xi32>], vector<16xf32>,
        %add3A_137 = arith.addf %broadcast_in_dim3A_126, %gather3A : vector<16xf32>
        %add3A_138 = arith.constant 1 : i32
        %add3A_139 = vector.broadcast %add3A_138 : i32 to vector<16xi32>
        %add3A_140 = arith.addi %mul3A_133, %add3A_139 : vector<16xi32>
        %gather3A_141 = tpu.vector_load_idx %arg13[%add3A_140] : memref<1024xf32, #tpu.memory_space<vmem>>[vector<16xi32>], vector<16xf32>,
        %add3A_142 = arith.addf %add3A_137, %gather3A_141 : vector<16xf32>
        %add3A_143 = arith.constant 2 : i32
        %add3A_144 = vector.broadcast %add3A_143 : i32 to vector<16xi32>
        %add3A_145 = arith.addi %mul3A_133, %add3A_144 : vector<16xi32>
        %gather3A_146 = tpu.vector_load_idx %arg13[%add3A_145] : memref<1024xf32, #tpu.memory_space<vmem>>[vector<16xi32>], vector<16xf32>,
        %add3A_147 = arith.addf %add3A_142, %gather3A_146 : vector<16xf32>
        %add3A_148 = arith.constant 3 : i32
        %add3A_149 = vector.broadcast %add3A_148 : i32 to vector<16xi32>
        %add3A_150 = arith.addi %mul3A_133, %add3A_149 : vector<16xi32>
        %gather3A_151 = tpu.vector_load_idx %arg13[%add3A_150] : memref<1024xf32, #tpu.memory_space<vmem>>[vector<16xi32>], vector<16xf32>,
        %add3A_152 = arith.addf %add3A_147, %gather3A_151 : vector<16xf32>
        %add3A_153 = arith.constant 4 : i32
        %add3A_154 = vector.broadcast %add3A_153 : i32 to vector<16xi32>
        %add3A_155 = arith.addi %mul3A_133, %add3A_154 : vector<16xi32>
        %gather3A_156 = tpu.vector_load_idx %arg13[%add3A_155] : memref<1024xf32, #tpu.memory_space<vmem>>[vector<16xi32>], vector<16xf32>,
        %add3A_157 = arith.addf %add3A_152, %gather3A_156 : vector<16xf32>
        %add3A_158 = arith.constant 5 : i32
        %add3A_159 = vector.broadcast %add3A_158 : i32 to vector<16xi32>
        %add3A_160 = arith.addi %mul3A_133, %add3A_159 : vector<16xi32>
        %gather3A_161 = tpu.vector_load_idx %arg13[%add3A_160] : memref<1024xf32, #tpu.memory_space<vmem>>[vector<16xi32>], vector<16xf32>,
        %add3A_162 = arith.addf %add3A_157, %gather3A_161 : vector<16xf32>
        %add3A_163 = arith.constant 6 : i32
        %add3A_164 = vector.broadcast %add3A_163 : i32 to vector<16xi32>
        %add3A_165 = arith.addi %mul3A_133, %add3A_164 : vector<16xi32>
        %gather3A_166 = tpu.vector_load_idx %arg13[%add3A_165] : memref<1024xf32, #tpu.memory_space<vmem>>[vector<16xi32>], vector<16xf32>,
        %add3A_167 = arith.addf %add3A_162, %gather3A_166 : vector<16xf32>
        %add3A_168 = arith.constant 7 : i32
        %add3A_169 = vector.broadcast %add3A_168 : i32 to vector<16xi32>
        %add3A_170 = arith.addi %mul3A_133, %add3A_169 : vector<16xi32>
        %gather3A_171 = tpu.vector_load_idx %arg13[%add3A_170] : memref<1024xf32, #tpu.memory_space<vmem>>[vector<16xi32>], vector<16xf32>,
        %add3A_172 = arith.addf %add3A_167, %gather3A_171 : vector<16xf32>
        %add3A_173 = arith.constant 8 : i32
        %add3A_174 = vector.broadcast %add3A_173 : i32 to vector<16xi32>
        %add3A_175 = arith.addi %mul3A_133, %add3A_174 : vector<16xi32>
        %gather3A_176 = tpu.vector_load_idx %arg13[%add3A_175] : memref<1024xf32, #tpu.memory_space<vmem>>[vector<16xi32>], vector<16xf32>,
        %add3A_177 = arith.addf %add3A_172, %gather3A_176 : vector<16xf32>
        %add3A_178 = arith.constant 9 : i32
        %add3A_179 = vector.broadcast %add3A_178 : i32 to vector<16xi32>
        %add3A_180 = arith.addi %mul3A_133, %add3A_179 : vector<16xi32>
        %gather3A_181 = tpu.vector_load_idx %arg13[%add3A_180] : memref<1024xf32, #tpu.memory_space<vmem>>[vector<16xi32>], vector<16xf32>,
        %add3A_182 = arith.addf %add3A_177, %gather3A_181 : vector<16xf32>
        %add3A_183 = arith.constant 10 : i32
        %add3A_184 = vector.broadcast %add3A_183 : i32 to vector<16xi32>
        %add3A_185 = arith.addi %mul3A_133, %add3A_184 : vector<16xi32>
        %gather3A_186 = tpu.vector_load_idx %arg13[%add3A_185] : memref<1024xf32, #tpu.memory_space<vmem>>[vector<16xi32>], vector<16xf32>,
        %add3A_187 = arith.addf %add3A_182, %gather3A_186 : vector<16xf32>
        %add3A_188 = arith.constant 11 : i32
        %add3A_189 = vector.broadcast %add3A_188 : i32 to vector<16xi32>
        %add3A_190 = arith.addi %mul3A_133, %add3A_189 : vector<16xi32>
        %gather3A_191 = tpu.vector_load_idx %arg13[%add3A_190] : memref<1024xf32, #tpu.memory_space<vmem>>[vector<16xi32>], vector<16xf32>,
        %add3A_192 = arith.addf %add3A_187, %gather3A_191 : vector<16xf32>
        %add3A_193 = arith.constant 12 : i32
        %add3A_194 = vector.broadcast %add3A_193 : i32 to vector<16xi32>
        %add3A_195 = arith.addi %mul3A_133, %add3A_194 : vector<16xi32>
        %gather3A_196 = tpu.vector_load_idx %arg13[%add3A_195] : memref<1024xf32, #tpu.memory_space<vmem>>[vector<16xi32>], vector<16xf32>,
        %add3A_197 = arith.addf %add3A_192, %gather3A_196 : vector<16xf32>
        %add3A_198 = arith.constant 13 : i32
        %add3A_199 = vector.broadcast %add3A_198 : i32 to vector<16xi32>
        %add3A_200 = arith.addi %mul3A_133, %add3A_199 : vector<16xi32>
        %gather3A_201 = tpu.vector_load_idx %arg13[%add3A_200] : memref<1024xf32, #tpu.memory_space<vmem>>[vector<16xi32>], vector<16xf32>,
        %add3A_202 = arith.addf %add3A_197, %gather3A_201 : vector<16xf32>
        %add3A_203 = arith.constant 14 : i32
        %add3A_204 = vector.broadcast %add3A_203 : i32 to vector<16xi32>
        %add3A_205 = arith.addi %mul3A_133, %add3A_204 : vector<16xi32>
        %gather3A_206 = tpu.vector_load_idx %arg13[%add3A_205] : memref<1024xf32, #tpu.memory_space<vmem>>[vector<16xi32>], vector<16xf32>,
        %add3A_207 = arith.addf %add3A_202, %gather3A_206 : vector<16xf32>
        %add3A_208 = arith.constant 15 : i32
        %add3A_209 = vector.broadcast %add3A_208 : i32 to vector<16xi32>
        %add3A_210 = arith.addi %mul3A_133, %add3A_209 : vector<16xi32>
        %gather3A_211 = tpu.vector_load_idx %arg13[%add3A_210] : memref<1024xf32, #tpu.memory_space<vmem>>[vector<16xi32>], vector<16xf32>,
        %add3A_212 = arith.addf %add3A_207, %gather3A_211 : vector<16xf32>
        %mul3A_213 = arith.constant 16 : i32
        %mul3A_214 = arith.muli %scan3A_125, %mul3A_213 : i32
        %swap3A = arith.index_cast %mul3A_214 : i32 to index
        %swap3A_215 = tpu.vector_load %arg14[%swap3A] {strides = array<i32>} : memref<64xf32, #tpu.memory_space<vmem>>, vector<16xf32>,
        tpu.vector_store %arg14[%swap3A], %add3A_212 {strides = array<i32>} : memref<64xf32, #tpu.memory_space<vmem>>, vector<16xf32>,
      }
      %scan3A_68 = arith.constant 4 : i32
      %mul3A_69 = arith.constant 64 : i32
      %mul3A_70 = arith.muli %add3A_42, %mul3A_69 : i32
      %add3A_71 = arith.addi %mul3A_2, %mul3A_70 : i32
      %dma_start3A_72 = tpu.memref_slice %arg6[%add3A_71] : memref<327680xf32, #tpu.memory_space<hbm>> -> memref<64xf32, #tpu.memory_space<hbm>>
      %dma_start3A_73 = tpu.memref_slice %arg6[%add3A_71] : memref<327680xf32, #tpu.memory_space<hbm>> -> memref<64xf32, #tpu.memory_space<hbm>>
      tpu.enqueue_dma source(%arg14 : memref<64xf32, #tpu.memory_space<vmem>>) target(%dma_start3A_73 : memref<64xf32, #tpu.memory_space<hbm>>) target_semaphore(%arg20 : memref<!tpu.dma_semaphore, #tpu.memory_space<semaphore_mem>>)
      %add3A_74 = arith.constant 1 : i32
      %add3A_75 = arith.addi %scan3A_38, %add3A_74 : i32
      %lt3A = arith.constant 80 : i32
      %lt3A_76 = arith.cmpi slt, %add3A_75, %lt3A : i32
      %convert_element_type3A_77 = arith.extui %lt3A_76 : i1 to i32
      %cond3A_78 = arith.constant 0 : i32
      %cond3A_79 = arith.cmpi ne, %convert_element_type3A_77, %cond3A_78 : i32
      scf.if %cond3A_79 {
        %add3A_125 = arith.constant 2 : i32
        %add3A_126 = arith.addi %add3A_42, %add3A_125 : i32
        %mul3A_127 = arith.constant 128 : i32
        %mul3A_128 = arith.muli %add3A_126, %mul3A_127 : i32
        %dma_start3A_129 = tpu.memref_slice %arg7[%mul3A_128] : memref<20480xi32, #tpu.memory_space<vmem>> -> memref<128xi32, #tpu.memory_space<vmem>>
        %dma_start3A_130 = arith.constant 0 : i32
        %dma_start3A_131 = arith.constant 0 : i32
        %dma_start3A_132 = tpu.memref_slice %arg2[%dma_start3A_130, %dma_start3A_131] : memref<20480x64xf32, #tpu.memory_space<hbm>> -> memref<20480x64xf32, #tpu.memory_space<hbm>>
        tpu.enqueue_indirect_dma source(%dma_start3A_132 : memref<20480x64xf32, #tpu.memory_space<hbm>>) target(%arg9 : memref<128x64xf32, #tpu.memory_space<vmem>>) offsets(%dma_start3A_129 : memref<128xi32, #tpu.memory_space<vmem>>) semaphore(%arg16 : memref<!tpu.dma_semaphore, #tpu.memory_space<semaphore_mem>>)
        %add3A_133 = arith.constant 2 : i32
        %add3A_134 = arith.addi %add3A_42, %add3A_133 : i32
        %mul3A_135 = arith.constant 128 : i32
        %mul3A_136 = arith.muli %add3A_134, %mul3A_135 : i32
        %dma_start3A_137 = tpu.memref_slice %arg8[%mul3A_136] : memref<20480xi32, #tpu.memory_space<vmem>> -> memref<128xi32, #tpu.memory_space<vmem>>
        %dma_start3A_138 = arith.constant 0 : i32
        %dma_start3A_139 = arith.constant 0 : i32
        %dma_start3A_140 = tpu.memref_slice %arg3[%dma_start3A_138, %dma_start3A_139] : memref<20480x64xf32, #tpu.memory_space<hbm>> -> memref<20480x64xf32, #tpu.memory_space<hbm>>
        tpu.enqueue_indirect_dma source(%dma_start3A_140 : memref<20480x64xf32, #tpu.memory_space<hbm>>) target(%arg11 : memref<128x64xf32, #tpu.memory_space<vmem>>) offsets(%dma_start3A_137 : memref<128xi32, #tpu.memory_space<vmem>>) semaphore(%arg18 : memref<!tpu.dma_semaphore, #tpu.memory_space<semaphore_mem>>)
      } else {
      }
      %mul3A_80 = arith.constant 2 : i32
      %mul3A_81 = arith.muli %scan3A_38, %mul3A_80 : i32
      %add3A_82 = arith.constant 1 : i32
      %add3A_83 = arith.addi %mul3A_81, %add3A_82 : i32
      %mul3A_84 = arith.constant 128 : i32
      %mul3A_85 = arith.muli %add3A_83, %mul3A_84 : i32
      %dma_wait3A_86 = tpu.memref_slice %arg7[%mul3A_85] : memref<20480xi32, #tpu.memory_space<vmem>> -> memref<128xi32, #tpu.memory_space<vmem>>
      %dma_wait3A_87 = arith.constant 0 : i32
      %dma_wait3A_88 = arith.constant 0 : i32
      %dma_wait3A_89 = tpu.memref_slice %arg2[%dma_wait3A_87, %dma_wait3A_88] : memref<20480x64xf32, #tpu.memory_space<hbm>> -> memref<20480x64xf32, #tpu.memory_space<hbm>>
      tpu.wait_indirect_dma semaphore(%arg17 : memref<!tpu.dma_semaphore, #tpu.memory_space<semaphore_mem>>) src(%dma_wait3A_89 : memref<20480x64xf32, #tpu.memory_space<hbm>>) dst(%arg10 : memref<128x64xf32, #tpu.memory_space<vmem>>)
      %mul3A_90 = arith.constant 128 : i32
      %mul3A_91 = arith.muli %add3A_83, %mul3A_90 : i32
      %dma_wait3A_92 = tpu.memref_slice %arg8[%mul3A_91] : memref<20480xi32, #tpu.memory_space<vmem>> -> memref<128xi32, #tpu.memory_space<vmem>>
      %dma_wait3A_93 = arith.constant 0 : i32
      %dma_wait3A_94 = arith.constant 0 : i32
      %dma_wait3A_95 = tpu.memref_slice %arg3[%dma_wait3A_93, %dma_wait3A_94] : memref<20480x64xf32, #tpu.memory_space<hbm>> -> memref<20480x64xf32, #tpu.memory_space<hbm>>
      tpu.wait_indirect_dma semaphore(%arg19 : memref<!tpu.dma_semaphore, #tpu.memory_space<semaphore_mem>>) src(%dma_wait3A_95 : memref<20480x64xf32, #tpu.memory_space<hbm>>) dst(%arg12 : memref<128x64xf32, #tpu.memory_space<vmem>>)
      %scan3A_96 = arith.constant 0 : i32
      %scan3A_97 = arith.constant 0 : i32
      %scan3A_98 = arith.constant 64 : i32
      %scan3A_99 = arith.addi %scan3A_97, %scan3A_98 : i32
      %scan3A_100 = arith.constant 1 : i32
      scf.for %scan3A_125 = %scan3A_97 to %scan3A_99 step %scan3A_100  : i32 {
        %broadcast_in_dim3A = arith.constant 0.000000e+00 : f32
        %broadcast_in_dim3A_126 = vector.broadcast %broadcast_in_dim3A : f32 to vector<16xf32>
        %mul3A_127 = arith.constant 2 : i32
        %mul3A_128 = arith.muli %mul3A_127, %scan3A_125 : i32
        %add3A_129 = arith.constant 0 : i32
        %add3A_130 = arith.addi %mul3A_128, %add3A_129 : i32
        %get3A = arith.index_cast %add3A_130 : i32 to index
        %get3A_131 = arith.constant 0 : index
        %get3A_132 = tpu.vector_load %arg10[%get3A, %get3A_131] {strides = array<i32>} : memref<128x64xf32, #tpu.memory_space<vmem>>, vector<16xf32>,
        %mul3A_133 = arith.constant 2 : i32
        %mul3A_134 = arith.muli %mul3A_133, %scan3A_125 : i32
        %add3A_135 = arith.constant 0 : i32
        %add3A_136 = arith.addi %mul3A_134, %add3A_135 : i32
        %get3A_137 = arith.index_cast %add3A_136 : i32 to index
        %get3A_138 = arith.constant 0 : index
        %get3A_139 = tpu.vector_load %arg12[%get3A_137, %get3A_138] {strides = array<i32>} : memref<128x64xf32, #tpu.memory_space<vmem>>, vector<16xf32>,
        %mul3A_140 = arith.mulf %get3A_132, %get3A_139 : vector<16xf32>
        %add3A_141 = arith.addf %broadcast_in_dim3A_126, %mul3A_140 : vector<16xf32>
        %mul3A_142 = arith.constant 2 : i32
        %mul3A_143 = arith.muli %mul3A_142, %scan3A_125 : i32
        %add3A_144 = arith.constant 0 : i32
        %add3A_145 = arith.addi %mul3A_143, %add3A_144 : i32
        %get3A_146 = arith.index_cast %add3A_145 : i32 to index
        %get3A_147 = arith.constant 16 : index
        %get3A_148 = tpu.vector_load %arg10[%get3A_146, %get3A_147] {strides = array<i32>} : memref<128x64xf32, #tpu.memory_space<vmem>>, vector<16xf32>,
        %mul3A_149 = arith.constant 2 : i32
        %mul3A_150 = arith.muli %mul3A_149, %scan3A_125 : i32
        %add3A_151 = arith.constant 0 : i32
        %add3A_152 = arith.addi %mul3A_150, %add3A_151 : i32
        %get3A_153 = arith.index_cast %add3A_152 : i32 to index
        %get3A_154 = arith.constant 16 : index
        %get3A_155 = tpu.vector_load %arg12[%get3A_153, %get3A_154] {strides = array<i32>} : memref<128x64xf32, #tpu.memory_space<vmem>>, vector<16xf32>,
        %mul3A_156 = arith.mulf %get3A_148, %get3A_155 : vector<16xf32>
        %add3A_157 = arith.addf %add3A_141, %mul3A_156 : vector<16xf32>
        %mul3A_158 = arith.constant 2 : i32
        %mul3A_159 = arith.muli %mul3A_158, %scan3A_125 : i32
        %add3A_160 = arith.constant 0 : i32
        %add3A_161 = arith.addi %mul3A_159, %add3A_160 : i32
        %get3A_162 = arith.index_cast %add3A_161 : i32 to index
        %get3A_163 = arith.constant 32 : index
        %get3A_164 = tpu.vector_load %arg10[%get3A_162, %get3A_163] {strides = array<i32>} : memref<128x64xf32, #tpu.memory_space<vmem>>, vector<16xf32>,
        %mul3A_165 = arith.constant 2 : i32
        %mul3A_166 = arith.muli %mul3A_165, %scan3A_125 : i32
        %add3A_167 = arith.constant 0 : i32
        %add3A_168 = arith.addi %mul3A_166, %add3A_167 : i32
        %get3A_169 = arith.index_cast %add3A_168 : i32 to index
        %get3A_170 = arith.constant 32 : index
        %get3A_171 = tpu.vector_load %arg12[%get3A_169, %get3A_170] {strides = array<i32>} : memref<128x64xf32, #tpu.memory_space<vmem>>, vector<16xf32>,
        %mul3A_172 = arith.mulf %get3A_164, %get3A_171 : vector<16xf32>
        %add3A_173 = arith.addf %add3A_157, %mul3A_172 : vector<16xf32>
        %mul3A_174 = arith.constant 2 : i32
        %mul3A_175 = arith.muli %mul3A_174, %scan3A_125 : i32
        %add3A_176 = arith.constant 0 : i32
        %add3A_177 = arith.addi %mul3A_175, %add3A_176 : i32
        %get3A_178 = arith.index_cast %add3A_177 : i32 to index
        %get3A_179 = arith.constant 48 : index
        %get3A_180 = tpu.vector_load %arg10[%get3A_178, %get3A_179] {strides = array<i32>} : memref<128x64xf32, #tpu.memory_space<vmem>>, vector<16xf32>,
        %mul3A_181 = arith.constant 2 : i32
        %mul3A_182 = arith.muli %mul3A_181, %scan3A_125 : i32
        %add3A_183 = arith.constant 0 : i32
        %add3A_184 = arith.addi %mul3A_182, %add3A_183 : i32
        %get3A_185 = arith.index_cast %add3A_184 : i32 to index
        %get3A_186 = arith.constant 48 : index
        %get3A_187 = tpu.vector_load %arg12[%get3A_185, %get3A_186] {strides = array<i32>} : memref<128x64xf32, #tpu.memory_space<vmem>>, vector<16xf32>,
        %mul3A_188 = arith.mulf %get3A_180, %get3A_187 : vector<16xf32>
        %add3A_189 = arith.addf %add3A_173, %mul3A_188 : vector<16xf32>
        %mul3A_190 = arith.constant 2 : i32
        %mul3A_191 = arith.muli %mul3A_190, %scan3A_125 : i32
        %add3A_192 = arith.constant 1 : i32
        %add3A_193 = arith.addi %mul3A_191, %add3A_192 : i32
        %get3A_194 = arith.index_cast %add3A_193 : i32 to index
        %get3A_195 = arith.constant 0 : index
        %get3A_196 = tpu.vector_load %arg10[%get3A_194, %get3A_195] {strides = array<i32>} : memref<128x64xf32, #tpu.memory_space<vmem>>, vector<16xf32>,
        %mul3A_197 = arith.constant 2 : i32
        %mul3A_198 = arith.muli %mul3A_197, %scan3A_125 : i32
        %add3A_199 = arith.constant 1 : i32
        %add3A_200 = arith.addi %mul3A_198, %add3A_199 : i32
        %get3A_201 = arith.index_cast %add3A_200 : i32 to index
        %get3A_202 = arith.constant 0 : index
        %get3A_203 = tpu.vector_load %arg12[%get3A_201, %get3A_202] {strides = array<i32>} : memref<128x64xf32, #tpu.memory_space<vmem>>, vector<16xf32>,
        %mul3A_204 = arith.mulf %get3A_196, %get3A_203 : vector<16xf32>
        %add3A_205 = arith.addf %add3A_189, %mul3A_204 : vector<16xf32>
        %mul3A_206 = arith.constant 2 : i32
        %mul3A_207 = arith.muli %mul3A_206, %scan3A_125 : i32
        %add3A_208 = arith.constant 1 : i32
        %add3A_209 = arith.addi %mul3A_207, %add3A_208 : i32
        %get3A_210 = arith.index_cast %add3A_209 : i32 to index
        %get3A_211 = arith.constant 16 : index
        %get3A_212 = tpu.vector_load %arg10[%get3A_210, %get3A_211] {strides = array<i32>} : memref<128x64xf32, #tpu.memory_space<vmem>>, vector<16xf32>,
        %mul3A_213 = arith.constant 2 : i32
        %mul3A_214 = arith.muli %mul3A_213, %scan3A_125 : i32
        %add3A_215 = arith.constant 1 : i32
        %add3A_216 = arith.addi %mul3A_214, %add3A_215 : i32
        %get3A_217 = arith.index_cast %add3A_216 : i32 to index
        %get3A_218 = arith.constant 16 : index
        %get3A_219 = tpu.vector_load %arg12[%get3A_217, %get3A_218] {strides = array<i32>} : memref<128x64xf32, #tpu.memory_space<vmem>>, vector<16xf32>,
        %mul3A_220 = arith.mulf %get3A_212, %get3A_219 : vector<16xf32>
        %add3A_221 = arith.addf %add3A_205, %mul3A_220 : vector<16xf32>
        %mul3A_222 = arith.constant 2 : i32
        %mul3A_223 = arith.muli %mul3A_222, %scan3A_125 : i32
        %add3A_224 = arith.constant 1 : i32
        %add3A_225 = arith.addi %mul3A_223, %add3A_224 : i32
        %get3A_226 = arith.index_cast %add3A_225 : i32 to index
        %get3A_227 = arith.constant 32 : index
        %get3A_228 = tpu.vector_load %arg10[%get3A_226, %get3A_227] {strides = array<i32>} : memref<128x64xf32, #tpu.memory_space<vmem>>, vector<16xf32>,
        %mul3A_229 = arith.constant 2 : i32
        %mul3A_230 = arith.muli %mul3A_229, %scan3A_125 : i32
        %add3A_231 = arith.constant 1 : i32
        %add3A_232 = arith.addi %mul3A_230, %add3A_231 : i32
        %get3A_233 = arith.index_cast %add3A_232 : i32 to index
        %get3A_234 = arith.constant 32 : index
        %get3A_235 = tpu.vector_load %arg12[%get3A_233, %get3A_234] {strides = array<i32>} : memref<128x64xf32, #tpu.memory_space<vmem>>, vector<16xf32>,
        %mul3A_236 = arith.mulf %get3A_228, %get3A_235 : vector<16xf32>
        %add3A_237 = arith.addf %add3A_221, %mul3A_236 : vector<16xf32>
        %mul3A_238 = arith.constant 2 : i32
        %mul3A_239 = arith.muli %mul3A_238, %scan3A_125 : i32
        %add3A_240 = arith.constant 1 : i32
        %add3A_241 = arith.addi %mul3A_239, %add3A_240 : i32
        %get3A_242 = arith.index_cast %add3A_241 : i32 to index
        %get3A_243 = arith.constant 48 : index
        %get3A_244 = tpu.vector_load %arg10[%get3A_242, %get3A_243] {strides = array<i32>} : memref<128x64xf32, #tpu.memory_space<vmem>>, vector<16xf32>,
        %mul3A_245 = arith.constant 2 : i32
        %mul3A_246 = arith.muli %mul3A_245, %scan3A_125 : i32
        %add3A_247 = arith.constant 1 : i32
        %add3A_248 = arith.addi %mul3A_246, %add3A_247 : i32
        %get3A_249 = arith.index_cast %add3A_248 : i32 to index
        %get3A_250 = arith.constant 48 : index
        %get3A_251 = tpu.vector_load %arg12[%get3A_249, %get3A_250] {strides = array<i32>} : memref<128x64xf32, #tpu.memory_space<vmem>>, vector<16xf32>,
        %mul3A_252 = arith.mulf %get3A_244, %get3A_251 : vector<16xf32>
        %add3A_253 = arith.addf %add3A_237, %mul3A_252 : vector<16xf32>
        %mul3A_254 = arith.constant 16 : i32
        %mul3A_255 = arith.muli %scan3A_125, %mul3A_254 : i32
        %swap3A = arith.index_cast %mul3A_255 : i32 to index
        %swap3A_256 = tpu.vector_load %arg13[%swap3A] {strides = array<i32>} : memref<1024xf32, #tpu.memory_space<vmem>>, vector<16xf32>,
        tpu.vector_store %arg13[%swap3A], %add3A_253 {strides = array<i32>} : memref<1024xf32, #tpu.memory_space<vmem>>, vector<16xf32>,
      }
      %scan3A_101 = arith.constant 64 : i32
      %ge3A_102 = arith.constant 1 : i32
      %ge3A_103 = arith.cmpi sge, %scan3A_38, %ge3A_102 : i32
      %convert_element_type3A_104 = arith.extui %ge3A_103 : i1 to i32
      %cond3A_105 = arith.constant 0 : i32
      %cond3A_106 = arith.cmpi ne, %convert_element_type3A_104, %cond3A_105 : i32
      scf.if %cond3A_106 {
        %sub3A = arith.constant 2 : i32
        %sub3A_125 = arith.subi %add3A_83, %sub3A : i32
        %mul3A_126 = arith.constant 64 : i32
        %mul3A_127 = arith.muli %sub3A_125, %mul3A_126 : i32
        %add3A_128 = arith.addi %mul3A_2, %mul3A_127 : i32
        %dma_wait3A_129 = tpu.memref_slice %arg6[%add3A_128] : memref<327680xf32, #tpu.memory_space<hbm>> -> memref<64xf32, #tpu.memory_space<hbm>>
        %dma_wait3A_130 = tpu.memref_slice %arg6[%add3A_128] : memref<327680xf32, #tpu.memory_space<hbm>> -> memref<64xf32, #tpu.memory_space<hbm>>
        tpu.wait_dma2 semaphore(%arg21 : memref<!tpu.dma_semaphore, #tpu.memory_space<semaphore_mem>>) src(%arg15 : memref<64xf32, #tpu.memory_space<vmem>>) dst(%dma_wait3A_130 : memref<64xf32, #tpu.memory_space<hbm>>)
      } else {
      }
      %scan3A_107 = arith.constant 0 : i32
      %scan3A_108 = arith.constant 0 : i32
      %scan3A_109 = arith.constant 4 : i32
      %scan3A_110 = arith.addi %scan3A_108, %scan3A_109 : i32
      %scan3A_111 = arith.constant 1 : i32
      scf.for %scan3A_125 = %scan3A_108 to %scan3A_110 step %scan3A_111  : i32 {
        %broadcast_in_dim3A = arith.constant 0.000000e+00 : f32
        %broadcast_in_dim3A_126 = vector.broadcast %broadcast_in_dim3A : f32 to vector<16xf32>
        %mul3A_127 = arith.constant 16 : i32
        %mul3A_128 = arith.muli %scan3A_125, %mul3A_127 : i32
        %add3A_129 = vector.broadcast %mul3A_128 : i32 to vector<16xi32>
        %add3A_130 = arith.addi %add3A_129, %iota3A : vector<16xi32>
        %mul3A_131 = arith.constant 16 : i32
        %mul3A_132 = vector.broadcast %mul3A_131 : i32 to vector<16xi32>
        %mul3A_133 = arith.muli %add3A_130, %mul3A_132 : vector<16xi32>
        %add3A_134 = arith.constant 0 : i32
        %add3A_135 = vector.broadcast %add3A_134 : i32 to vector<16xi32>
        %add3A_136 = arith.addi %mul3A_133, %add3A_135 : vector<16xi32>
        %gather3A = tpu.vector_load_idx %arg13[%add3A_136] : memref<1024xf32, #tpu.memory_space<vmem>>[vector<16xi32>], vector<16xf32>,
        %add3A_137 = arith.addf %broadcast_in_dim3A_126, %gather3A : vector<16xf32>
        %add3A_138 = arith.constant 1 : i32
        %add3A_139 = vector.broadcast %add3A_138 : i32 to vector<16xi32>
        %add3A_140 = arith.addi %mul3A_133, %add3A_139 : vector<16xi32>
        %gather3A_141 = tpu.vector_load_idx %arg13[%add3A_140] : memref<1024xf32, #tpu.memory_space<vmem>>[vector<16xi32>], vector<16xf32>,
        %add3A_142 = arith.addf %add3A_137, %gather3A_141 : vector<16xf32>
        %add3A_143 = arith.constant 2 : i32
        %add3A_144 = vector.broadcast %add3A_143 : i32 to vector<16xi32>
        %add3A_145 = arith.addi %mul3A_133, %add3A_144 : vector<16xi32>
        %gather3A_146 = tpu.vector_load_idx %arg13[%add3A_145] : memref<1024xf32, #tpu.memory_space<vmem>>[vector<16xi32>], vector<16xf32>,
        %add3A_147 = arith.addf %add3A_142, %gather3A_146 : vector<16xf32>
        %add3A_148 = arith.constant 3 : i32
        %add3A_149 = vector.broadcast %add3A_148 : i32 to vector<16xi32>
        %add3A_150 = arith.addi %mul3A_133, %add3A_149 : vector<16xi32>
        %gather3A_151 = tpu.vector_load_idx %arg13[%add3A_150] : memref<1024xf32, #tpu.memory_space<vmem>>[vector<16xi32>], vector<16xf32>,
        %add3A_152 = arith.addf %add3A_147, %gather3A_151 : vector<16xf32>
        %add3A_153 = arith.constant 4 : i32
        %add3A_154 = vector.broadcast %add3A_153 : i32 to vector<16xi32>
        %add3A_155 = arith.addi %mul3A_133, %add3A_154 : vector<16xi32>
        %gather3A_156 = tpu.vector_load_idx %arg13[%add3A_155] : memref<1024xf32, #tpu.memory_space<vmem>>[vector<16xi32>], vector<16xf32>,
        %add3A_157 = arith.addf %add3A_152, %gather3A_156 : vector<16xf32>
        %add3A_158 = arith.constant 5 : i32
        %add3A_159 = vector.broadcast %add3A_158 : i32 to vector<16xi32>
        %add3A_160 = arith.addi %mul3A_133, %add3A_159 : vector<16xi32>
        %gather3A_161 = tpu.vector_load_idx %arg13[%add3A_160] : memref<1024xf32, #tpu.memory_space<vmem>>[vector<16xi32>], vector<16xf32>,
        %add3A_162 = arith.addf %add3A_157, %gather3A_161 : vector<16xf32>
        %add3A_163 = arith.constant 6 : i32
        %add3A_164 = vector.broadcast %add3A_163 : i32 to vector<16xi32>
        %add3A_165 = arith.addi %mul3A_133, %add3A_164 : vector<16xi32>
        %gather3A_166 = tpu.vector_load_idx %arg13[%add3A_165] : memref<1024xf32, #tpu.memory_space<vmem>>[vector<16xi32>], vector<16xf32>,
        %add3A_167 = arith.addf %add3A_162, %gather3A_166 : vector<16xf32>
        %add3A_168 = arith.constant 7 : i32
        %add3A_169 = vector.broadcast %add3A_168 : i32 to vector<16xi32>
        %add3A_170 = arith.addi %mul3A_133, %add3A_169 : vector<16xi32>
        %gather3A_171 = tpu.vector_load_idx %arg13[%add3A_170] : memref<1024xf32, #tpu.memory_space<vmem>>[vector<16xi32>], vector<16xf32>,
        %add3A_172 = arith.addf %add3A_167, %gather3A_171 : vector<16xf32>
        %add3A_173 = arith.constant 8 : i32
        %add3A_174 = vector.broadcast %add3A_173 : i32 to vector<16xi32>
        %add3A_175 = arith.addi %mul3A_133, %add3A_174 : vector<16xi32>
        %gather3A_176 = tpu.vector_load_idx %arg13[%add3A_175] : memref<1024xf32, #tpu.memory_space<vmem>>[vector<16xi32>], vector<16xf32>,
        %add3A_177 = arith.addf %add3A_172, %gather3A_176 : vector<16xf32>
        %add3A_178 = arith.constant 9 : i32
        %add3A_179 = vector.broadcast %add3A_178 : i32 to vector<16xi32>
        %add3A_180 = arith.addi %mul3A_133, %add3A_179 : vector<16xi32>
        %gather3A_181 = tpu.vector_load_idx %arg13[%add3A_180] : memref<1024xf32, #tpu.memory_space<vmem>>[vector<16xi32>], vector<16xf32>,
        %add3A_182 = arith.addf %add3A_177, %gather3A_181 : vector<16xf32>
        %add3A_183 = arith.constant 10 : i32
        %add3A_184 = vector.broadcast %add3A_183 : i32 to vector<16xi32>
        %add3A_185 = arith.addi %mul3A_133, %add3A_184 : vector<16xi32>
        %gather3A_186 = tpu.vector_load_idx %arg13[%add3A_185] : memref<1024xf32, #tpu.memory_space<vmem>>[vector<16xi32>], vector<16xf32>,
        %add3A_187 = arith.addf %add3A_182, %gather3A_186 : vector<16xf32>
        %add3A_188 = arith.constant 11 : i32
        %add3A_189 = vector.broadcast %add3A_188 : i32 to vector<16xi32>
        %add3A_190 = arith.addi %mul3A_133, %add3A_189 : vector<16xi32>
        %gather3A_191 = tpu.vector_load_idx %arg13[%add3A_190] : memref<1024xf32, #tpu.memory_space<vmem>>[vector<16xi32>], vector<16xf32>,
        %add3A_192 = arith.addf %add3A_187, %gather3A_191 : vector<16xf32>
        %add3A_193 = arith.constant 12 : i32
        %add3A_194 = vector.broadcast %add3A_193 : i32 to vector<16xi32>
        %add3A_195 = arith.addi %mul3A_133, %add3A_194 : vector<16xi32>
        %gather3A_196 = tpu.vector_load_idx %arg13[%add3A_195] : memref<1024xf32, #tpu.memory_space<vmem>>[vector<16xi32>], vector<16xf32>,
        %add3A_197 = arith.addf %add3A_192, %gather3A_196 : vector<16xf32>
        %add3A_198 = arith.constant 13 : i32
        %add3A_199 = vector.broadcast %add3A_198 : i32 to vector<16xi32>
        %add3A_200 = arith.addi %mul3A_133, %add3A_199 : vector<16xi32>
        %gather3A_201 = tpu.vector_load_idx %arg13[%add3A_200] : memref<1024xf32, #tpu.memory_space<vmem>>[vector<16xi32>], vector<16xf32>,
        %add3A_202 = arith.addf %add3A_197, %gather3A_201 : vector<16xf32>
        %add3A_203 = arith.constant 14 : i32
        %add3A_204 = vector.broadcast %add3A_203 : i32 to vector<16xi32>
        %add3A_205 = arith.addi %mul3A_133, %add3A_204 : vector<16xi32>
        %gather3A_206 = tpu.vector_load_idx %arg13[%add3A_205] : memref<1024xf32, #tpu.memory_space<vmem>>[vector<16xi32>], vector<16xf32>,
        %add3A_207 = arith.addf %add3A_202, %gather3A_206 : vector<16xf32>
        %add3A_208 = arith.constant 15 : i32
        %add3A_209 = vector.broadcast %add3A_208 : i32 to vector<16xi32>
        %add3A_210 = arith.addi %mul3A_133, %add3A_209 : vector<16xi32>
        %gather3A_211 = tpu.vector_load_idx %arg13[%add3A_210] : memref<1024xf32, #tpu.memory_space<vmem>>[vector<16xi32>], vector<16xf32>,
        %add3A_212 = arith.addf %add3A_207, %gather3A_211 : vector<16xf32>
        %mul3A_213 = arith.constant 16 : i32
        %mul3A_214 = arith.muli %scan3A_125, %mul3A_213 : i32
        %swap3A = arith.index_cast %mul3A_214 : i32 to index
        %swap3A_215 = tpu.vector_load %arg15[%swap3A] {strides = array<i32>} : memref<64xf32, #tpu.memory_space<vmem>>, vector<16xf32>,
        tpu.vector_store %arg15[%swap3A], %add3A_212 {strides = array<i32>} : memref<64xf32, #tpu.memory_space<vmem>>, vector<16xf32>,
      }
      %scan3A_112 = arith.constant 4 : i32
      %mul3A_113 = arith.constant 64 : i32
      %mul3A_114 = arith.muli %add3A_83, %mul3A_113 : i32
      %add3A_115 = arith.addi %mul3A_2, %mul3A_114 : i32
      %dma_start3A_116 = tpu.memref_slice %arg6[%add3A_115] : memref<327680xf32, #tpu.memory_space<hbm>> -> memref<64xf32, #tpu.memory_space<hbm>>
      %dma_start3A_117 = tpu.memref_slice %arg6[%add3A_115] : memref<327680xf32, #tpu.memory_space<hbm>> -> memref<64xf32, #tpu.memory_space<hbm>>
      tpu.enqueue_dma source(%arg15 : memref<64xf32, #tpu.memory_space<vmem>>) target(%dma_start3A_117 : memref<64xf32, #tpu.memory_space<hbm>>) target_semaphore(%arg21 : memref<!tpu.dma_semaphore, #tpu.memory_space<semaphore_mem>>)
      %add3A_118 = arith.constant 1 : i32
      %add3A_119 = arith.addi %scan3A_38, %add3A_118 : i32
      %lt3A_120 = arith.constant 80 : i32
      %lt3A_121 = arith.cmpi slt, %add3A_119, %lt3A_120 : i32
      %convert_element_type3A_122 = arith.extui %lt3A_121 : i1 to i32
      %cond3A_123 = arith.constant 0 : i32
      %cond3A_124 = arith.cmpi ne, %convert_element_type3A_122, %cond3A_123 : i32
      scf.if %cond3A_124 {
        %add3A_125 = arith.constant 2 : i32
        %add3A_126 = arith.addi %add3A_83, %add3A_125 : i32
        %mul3A_127 = arith.constant 128 : i32
        %mul3A_128 = arith.muli %add3A_126, %mul3A_127 : i32
        %dma_start3A_129 = tpu.memref_slice %arg7[%mul3A_128] : memref<20480xi32, #tpu.memory_space<vmem>> -> memref<128xi32, #tpu.memory_space<vmem>>
        %dma_start3A_130 = arith.constant 0 : i32
        %dma_start3A_131 = arith.constant 0 : i32
        %dma_start3A_132 = tpu.memref_slice %arg2[%dma_start3A_130, %dma_start3A_131] : memref<20480x64xf32, #tpu.memory_space<hbm>> -> memref<20480x64xf32, #tpu.memory_space<hbm>>
        tpu.enqueue_indirect_dma source(%dma_start3A_132 : memref<20480x64xf32, #tpu.memory_space<hbm>>) target(%arg10 : memref<128x64xf32, #tpu.memory_space<vmem>>) offsets(%dma_start3A_129 : memref<128xi32, #tpu.memory_space<vmem>>) semaphore(%arg17 : memref<!tpu.dma_semaphore, #tpu.memory_space<semaphore_mem>>)
        %add3A_133 = arith.constant 2 : i32
        %add3A_134 = arith.addi %add3A_83, %add3A_133 : i32
        %mul3A_135 = arith.constant 128 : i32
        %mul3A_136 = arith.muli %add3A_134, %mul3A_135 : i32
        %dma_start3A_137 = tpu.memref_slice %arg8[%mul3A_136] : memref<20480xi32, #tpu.memory_space<vmem>> -> memref<128xi32, #tpu.memory_space<vmem>>
        %dma_start3A_138 = arith.constant 0 : i32
        %dma_start3A_139 = arith.constant 0 : i32
        %dma_start3A_140 = tpu.memref_slice %arg3[%dma_start3A_138, %dma_start3A_139] : memref<20480x64xf32, #tpu.memory_space<hbm>> -> memref<20480x64xf32, #tpu.memory_space<hbm>>
        tpu.enqueue_indirect_dma source(%dma_start3A_140 : memref<20480x64xf32, #tpu.memory_space<hbm>>) target(%arg12 : memref<128x64xf32, #tpu.memory_space<vmem>>) offsets(%dma_start3A_137 : memref<128xi32, #tpu.memory_space<vmem>>) semaphore(%arg19 : memref<!tpu.dma_semaphore, #tpu.memory_space<semaphore_mem>>)
      } else {
      }
    }
    %scan3A_30 = arith.constant 80 : i32
    %add3A_31 = arith.constant 10112 : i32
    %add3A_32 = arith.addi %mul3A_2, %add3A_31 : i32
    %dma_wait3A = tpu.memref_slice %arg6[%add3A_32] : memref<327680xf32, #tpu.memory_space<hbm>> -> memref<64xf32, #tpu.memory_space<hbm>>
    %dma_wait3A_33 = tpu.memref_slice %arg6[%add3A_32] : memref<327680xf32, #tpu.memory_space<hbm>> -> memref<64xf32, #tpu.memory_space<hbm>>
    tpu.wait_dma2 semaphore(%arg20 : memref<!tpu.dma_semaphore, #tpu.memory_space<semaphore_mem>>) src(%arg14 : memref<64xf32, #tpu.memory_space<vmem>>) dst(%dma_wait3A_33 : memref<64xf32, #tpu.memory_space<hbm>>)
    %add3A_34 = arith.constant 10176 : i32
    %add3A_35 = arith.addi %mul3A_2, %add3A_34 : i32
    %dma_wait3A_36 = tpu.memref_slice %arg6[%add3A_35] : memref<327680xf32, #tpu.memory_space<hbm>> -> memref<64xf32, #tpu.memory_space<hbm>>
    %dma_wait3A_37 = tpu.memref_slice %arg6[%add3A_35] : memref<327680xf32, #tpu.memory_space<hbm>> -> memref<64xf32, #tpu.memory_space<hbm>>
    tpu.wait_dma2 semaphore(%arg21 : memref<!tpu.dma_semaphore, #tpu.memory_space<semaphore_mem>>) src(%arg15 : memref<64xf32, #tpu.memory_space<vmem>>) dst(%dma_wait3A_37 : memref<64xf32, #tpu.memory_space<hbm>>)
    return
  }
}

#map = affine_map<(d0, d1) -> (0)>
module attributes {stable_mosaic.version = 14 : i64} {
  func.func @_deg_body(%arg0: i32, %arg1: i32, %arg2: memref<327680xi32, #tpu.memory_space<hbm>>, %arg3: memref<327680xi32, #tpu.memory_space<hbm>>, %arg4: memref<40960xf32, #tpu.memory_space<hbm>>, %arg5: memref<81920xf32, #tpu.memory_space<hbm>>, %arg6: memref<40960xf32, #tpu.memory_space<vmem_shared>>, %arg7: memref<10240xi32, #tpu.memory_space<vmem>>, %arg8: memref<10240xi32, #tpu.memory_space<vmem>>, %arg9: memref<128xf32, #tpu.memory_space<vmem>>, %arg10: memref<!tpu.dma_semaphore, #tpu.memory_space<semaphore_mem>>, %arg11: memref<!tpu.dma_semaphore, #tpu.memory_space<semaphore_mem>>, %arg12: memref<!tpu.dma_semaphore, #tpu.memory_space<semaphore_mem>>, %arg13: memref<!tpu.dma_semaphore, #tpu.memory_space<semaphore_mem>>) attributes {dimension_semantics = [#tpu.dimension_semantics<core_parallel>, #tpu.dimension_semantics<subcore_parallel>], iteration_bounds = array<i64: 2, 16>, scalar_prefetch = 0 : i64, scratch_operands = 8 : i64, tpu.core_type = #tpu.core_type<sc_vector_subcore>, window_params = [{transform_indices = #map}, {transform_indices = #map}, {transform_indices = #map}, {transform_indices = #map}]} {
    %mul3A = arith.constant 16 : i32
    %mul3A_0 = arith.muli %arg0, %mul3A : i32
    %add3A = arith.addi %mul3A_0, %arg1 : i32
    %broadcast_in_dim3A = arith.constant 1.000000e+00 : f32
    %broadcast_in_dim3A_1 = vector.broadcast %broadcast_in_dim3A : f32 to vector<16xf32>
    %swap3A = arith.constant 0 : index
    %swap3A_2 = tpu.vector_load %arg9[%swap3A] {strides = array<i32>} : memref<128xf32, #tpu.memory_space<vmem>>, vector<16xf32>,
    %swap3A_3 = vector.shape_cast %swap3A_2 : vector<16xf32> to vector<16xf32>
    %swap3A_4 = vector.shape_cast %broadcast_in_dim3A_1 : vector<16xf32> to vector<16xf32>
    tpu.vector_store %arg9[%swap3A], %swap3A_4 {strides = array<i32>} : memref<128xf32, #tpu.memory_space<vmem>>, vector<16xf32>,
    %broadcast_in_dim3A_5 = arith.constant 1.000000e+00 : f32
    %broadcast_in_dim3A_6 = vector.broadcast %broadcast_in_dim3A_5 : f32 to vector<16xf32>
    %swap3A_7 = arith.constant 16 : index
    %swap3A_8 = tpu.vector_load %arg9[%swap3A_7] {strides = array<i32>} : memref<128xf32, #tpu.memory_space<vmem>>, vector<16xf32>,
    %swap3A_9 = vector.shape_cast %swap3A_8 : vector<16xf32> to vector<16xf32>
    %swap3A_10 = vector.shape_cast %broadcast_in_dim3A_6 : vector<16xf32> to vector<16xf32>
    tpu.vector_store %arg9[%swap3A_7], %swap3A_10 {strides = array<i32>} : memref<128xf32, #tpu.memory_space<vmem>>, vector<16xf32>,
    %broadcast_in_dim3A_11 = arith.constant 1.000000e+00 : f32
    %broadcast_in_dim3A_12 = vector.broadcast %broadcast_in_dim3A_11 : f32 to vector<16xf32>
    %swap3A_13 = arith.constant 32 : index
    %swap3A_14 = tpu.vector_load %arg9[%swap3A_13] {strides = array<i32>} : memref<128xf32, #tpu.memory_space<vmem>>, vector<16xf32>,
    %swap3A_15 = vector.shape_cast %swap3A_14 : vector<16xf32> to vector<16xf32>
    %swap3A_16 = vector.shape_cast %broadcast_in_dim3A_12 : vector<16xf32> to vector<16xf32>
    tpu.vector_store %arg9[%swap3A_13], %swap3A_16 {strides = array<i32>} : memref<128xf32, #tpu.memory_space<vmem>>, vector<16xf32>,
    %broadcast_in_dim3A_17 = arith.constant 1.000000e+00 : f32
    %broadcast_in_dim3A_18 = vector.broadcast %broadcast_in_dim3A_17 : f32 to vector<16xf32>
    %swap3A_19 = arith.constant 48 : index
    %swap3A_20 = tpu.vector_load %arg9[%swap3A_19] {strides = array<i32>} : memref<128xf32, #tpu.memory_space<vmem>>, vector<16xf32>,
    %swap3A_21 = vector.shape_cast %swap3A_20 : vector<16xf32> to vector<16xf32>
    %swap3A_22 = vector.shape_cast %broadcast_in_dim3A_18 : vector<16xf32> to vector<16xf32>
    tpu.vector_store %arg9[%swap3A_19], %swap3A_22 {strides = array<i32>} : memref<128xf32, #tpu.memory_space<vmem>>, vector<16xf32>,
    %broadcast_in_dim3A_23 = arith.constant 1.000000e+00 : f32
    %broadcast_in_dim3A_24 = vector.broadcast %broadcast_in_dim3A_23 : f32 to vector<16xf32>
    %swap3A_25 = arith.constant 64 : index
    %swap3A_26 = tpu.vector_load %arg9[%swap3A_25] {strides = array<i32>} : memref<128xf32, #tpu.memory_space<vmem>>, vector<16xf32>,
    %swap3A_27 = vector.shape_cast %swap3A_26 : vector<16xf32> to vector<16xf32>
    %swap3A_28 = vector.shape_cast %broadcast_in_dim3A_24 : vector<16xf32> to vector<16xf32>
    tpu.vector_store %arg9[%swap3A_25], %swap3A_28 {strides = array<i32>} : memref<128xf32, #tpu.memory_space<vmem>>, vector<16xf32>,
    %broadcast_in_dim3A_29 = arith.constant 1.000000e+00 : f32
    %broadcast_in_dim3A_30 = vector.broadcast %broadcast_in_dim3A_29 : f32 to vector<16xf32>
    %swap3A_31 = arith.constant 80 : index
    %swap3A_32 = tpu.vector_load %arg9[%swap3A_31] {strides = array<i32>} : memref<128xf32, #tpu.memory_space<vmem>>, vector<16xf32>,
    %swap3A_33 = vector.shape_cast %swap3A_32 : vector<16xf32> to vector<16xf32>
    %swap3A_34 = vector.shape_cast %broadcast_in_dim3A_30 : vector<16xf32> to vector<16xf32>
    tpu.vector_store %arg9[%swap3A_31], %swap3A_34 {strides = array<i32>} : memref<128xf32, #tpu.memory_space<vmem>>, vector<16xf32>,
    %broadcast_in_dim3A_35 = arith.constant 1.000000e+00 : f32
    %broadcast_in_dim3A_36 = vector.broadcast %broadcast_in_dim3A_35 : f32 to vector<16xf32>
    %swap3A_37 = arith.constant 96 : index
    %swap3A_38 = tpu.vector_load %arg9[%swap3A_37] {strides = array<i32>} : memref<128xf32, #tpu.memory_space<vmem>>, vector<16xf32>,
    %swap3A_39 = vector.shape_cast %swap3A_38 : vector<16xf32> to vector<16xf32>
    %swap3A_40 = vector.shape_cast %broadcast_in_dim3A_36 : vector<16xf32> to vector<16xf32>
    tpu.vector_store %arg9[%swap3A_37], %swap3A_40 {strides = array<i32>} : memref<128xf32, #tpu.memory_space<vmem>>, vector<16xf32>,
    %broadcast_in_dim3A_41 = arith.constant 1.000000e+00 : f32
    %broadcast_in_dim3A_42 = vector.broadcast %broadcast_in_dim3A_41 : f32 to vector<16xf32>
    %swap3A_43 = arith.constant 112 : index
    %swap3A_44 = tpu.vector_load %arg9[%swap3A_43] {strides = array<i32>} : memref<128xf32, #tpu.memory_space<vmem>>, vector<16xf32>,
    %swap3A_45 = vector.shape_cast %swap3A_44 : vector<16xf32> to vector<16xf32>
    %swap3A_46 = vector.shape_cast %broadcast_in_dim3A_42 : vector<16xf32> to vector<16xf32>
    tpu.vector_store %arg9[%swap3A_43], %swap3A_46 {strides = array<i32>} : memref<128xf32, #tpu.memory_space<vmem>>, vector<16xf32>,
    %mul3A_47 = arith.constant 2560 : i32
    %mul3A_48 = arith.muli %arg1, %mul3A_47 : i32
    "tpu.region"() ({
      %run_scoped3A = tpu.sem_alloc : memref<!tpu.dma_semaphore, #tpu.memory_space<semaphore_mem>>
      %dma_start3A = tpu.memref_slice %arg6[%mul3A_48] : memref<40960xf32, #tpu.memory_space<vmem_shared>> -> memref<2560xf32, #tpu.memory_space<vmem_shared>>
      %dma_start3A_87 = tpu.memref_slice %arg4[%mul3A_48] : memref<40960xf32, #tpu.memory_space<hbm>> -> memref<2560xf32, #tpu.memory_space<hbm>>
      tpu.enqueue_dma source(%dma_start3A_87 : memref<2560xf32, #tpu.memory_space<hbm>>) target(%dma_start3A : memref<2560xf32, #tpu.memory_space<vmem_shared>>) target_semaphore(%run_scoped3A : memref<!tpu.dma_semaphore, #tpu.memory_space<semaphore_mem>>)
      %dma_wait3A_88 = tpu.memref_slice %arg6[%mul3A_48] : memref<40960xf32, #tpu.memory_space<vmem_shared>> -> memref<2560xf32, #tpu.memory_space<vmem_shared>>
      %dma_wait3A_89 = tpu.memref_slice %arg4[%mul3A_48] : memref<40960xf32, #tpu.memory_space<hbm>> -> memref<2560xf32, #tpu.memory_space<hbm>>
      tpu.wait_dma2 semaphore(%run_scoped3A : memref<!tpu.dma_semaphore, #tpu.memory_space<semaphore_mem>>) src(%dma_wait3A_89 : memref<2560xf32, #tpu.memory_space<hbm>>) dst(%dma_wait3A_88 : memref<2560xf32, #tpu.memory_space<vmem_shared>>)
      tpu.yield
    }) : () -> ()
    %mul3A_49 = arith.constant 10240 : i32
    %mul3A_50 = arith.muli %add3A, %mul3A_49 : i32
    "tpu.region"() ({
      %run_scoped3A = tpu.sem_alloc : memref<!tpu.dma_semaphore, #tpu.memory_space<semaphore_mem>>
      %dma_start3A = tpu.memref_slice %arg2[%mul3A_50] : memref<327680xi32, #tpu.memory_space<hbm>> -> memref<10240xi32, #tpu.memory_space<hbm>>
      %dma_start3A_87 = tpu.memref_slice %arg2[%mul3A_50] : memref<327680xi32, #tpu.memory_space<hbm>> -> memref<10240xi32, #tpu.memory_space<hbm>>
      tpu.enqueue_dma source(%dma_start3A_87 : memref<10240xi32, #tpu.memory_space<hbm>>) target(%arg7 : memref<10240xi32, #tpu.memory_space<vmem>>) target_semaphore(%run_scoped3A : memref<!tpu.dma_semaphore, #tpu.memory_space<semaphore_mem>>)
      %dma_wait3A_88 = tpu.memref_slice %arg2[%mul3A_50] : memref<327680xi32, #tpu.memory_space<hbm>> -> memref<10240xi32, #tpu.memory_space<hbm>>
      %dma_wait3A_89 = tpu.memref_slice %arg2[%mul3A_50] : memref<327680xi32, #tpu.memory_space<hbm>> -> memref<10240xi32, #tpu.memory_space<hbm>>
      tpu.wait_dma2 semaphore(%run_scoped3A : memref<!tpu.dma_semaphore, #tpu.memory_space<semaphore_mem>>) src(%dma_wait3A_89 : memref<10240xi32, #tpu.memory_space<hbm>>) dst(%arg7 : memref<10240xi32, #tpu.memory_space<vmem>>)
      tpu.yield
    }) : () -> ()
    %mul3A_51 = arith.constant 10240 : i32
    %mul3A_52 = arith.muli %add3A, %mul3A_51 : i32
    "tpu.region"() ({
      %run_scoped3A = tpu.sem_alloc : memref<!tpu.dma_semaphore, #tpu.memory_space<semaphore_mem>>
      %dma_start3A = tpu.memref_slice %arg3[%mul3A_52] : memref<327680xi32, #tpu.memory_space<hbm>> -> memref<10240xi32, #tpu.memory_space<hbm>>
      %dma_start3A_87 = tpu.memref_slice %arg3[%mul3A_52] : memref<327680xi32, #tpu.memory_space<hbm>> -> memref<10240xi32, #tpu.memory_space<hbm>>
      tpu.enqueue_dma source(%dma_start3A_87 : memref<10240xi32, #tpu.memory_space<hbm>>) target(%arg8 : memref<10240xi32, #tpu.memory_space<vmem>>) target_semaphore(%run_scoped3A : memref<!tpu.dma_semaphore, #tpu.memory_space<semaphore_mem>>)
      %dma_wait3A_88 = tpu.memref_slice %arg3[%mul3A_52] : memref<327680xi32, #tpu.memory_space<hbm>> -> memref<10240xi32, #tpu.memory_space<hbm>>
      %dma_wait3A_89 = tpu.memref_slice %arg3[%mul3A_52] : memref<327680xi32, #tpu.memory_space<hbm>> -> memref<10240xi32, #tpu.memory_space<hbm>>
      tpu.wait_dma2 semaphore(%run_scoped3A : memref<!tpu.dma_semaphore, #tpu.memory_space<semaphore_mem>>) src(%dma_wait3A_89 : memref<10240xi32, #tpu.memory_space<hbm>>) dst(%arg8 : memref<10240xi32, #tpu.memory_space<vmem>>)
      tpu.yield
    }) : () -> ()
    %scan3A = arith.constant 0 : i32
    %scan3A_53 = arith.constant 0 : i32
    %scan3A_54 = arith.constant 640 : i32
    %scan3A_55 = arith.addi %scan3A_53, %scan3A_54 : i32
    %scan3A_56 = arith.constant 1 : i32
    scf.for %scan3A_87 = %scan3A_53 to %scan3A_55 step %scan3A_56  : i32 {
      %mul3A_88 = arith.constant 16 : i32
      %mul3A_89 = arith.muli %scan3A_87, %mul3A_88 : i32
      %get3A = arith.index_cast %mul3A_89 : i32 to index
      %get3A_90 = tpu.vector_load %arg8[%get3A] {strides = array<i32>} : memref<10240xi32, #tpu.memory_space<vmem>>, vector<16xi32>,
      %get3A_91 = vector.shape_cast %get3A_90 : vector<16xi32> to vector<16xi32>
      %add3A_92 = arith.constant 20480 : i32
      %add3A_93 = vector.broadcast %add3A_92 : i32 to vector<16xi32>
      %add3A_94 = arith.addi %get3A_91, %add3A_93 : vector<16xi32>
      %swap3A_95 = arith.index_cast %mul3A_89 : i32 to index
      %swap3A_96 = tpu.vector_load %arg8[%swap3A_95] {strides = array<i32>} : memref<10240xi32, #tpu.memory_space<vmem>>, vector<16xi32>,
      %swap3A_97 = vector.shape_cast %swap3A_96 : vector<16xi32> to vector<16xi32>
      %swap3A_98 = vector.shape_cast %add3A_94 : vector<16xi32> to vector<16xi32>
      tpu.vector_store %arg8[%swap3A_95], %swap3A_98 {strides = array<i32>} : memref<10240xi32, #tpu.memory_space<vmem>>, vector<16xi32>,
    }
    %scan3A_57 = arith.constant 640 : i32
    %barrier3A = arith.constant 0 : index
    tpu.barrier barrier_id(%barrier3A)
    %scan3A_58 = arith.constant 0 : i32
    %scan3A_59 = arith.constant 0 : i32
    %scan3A_60 = arith.constant 40 : i32
    %scan3A_61 = arith.addi %scan3A_59, %scan3A_60 : i32
    %scan3A_62 = arith.constant 1 : i32
    scf.for %scan3A_87 = %scan3A_59 to %scan3A_61 step %scan3A_62  : i32 {
      %mul3A_88 = arith.constant 2 : i32
      %mul3A_89 = arith.muli %scan3A_87, %mul3A_88 : i32
      %add3A_90 = arith.constant 0 : i32
      %add3A_91 = arith.addi %mul3A_89, %add3A_90 : i32
      %ge3A = arith.constant 1 : i32
      %ge3A_92 = arith.cmpi sge, %scan3A_87, %ge3A : i32
      %convert_element_type3A = arith.extui %ge3A_92 : i1 to i32
      %cond3A = arith.constant 0 : i32
      %cond3A_93 = arith.cmpi ne, %convert_element_type3A, %cond3A : i32
      scf.if %cond3A_93 {
        %sub3A = arith.constant 2 : i32
        %sub3A_122 = arith.subi %add3A_91, %sub3A : i32
        %mul3A_123 = arith.constant 128 : i32
        %mul3A_124 = arith.muli %sub3A_122, %mul3A_123 : i32
        %dma_wait3A_125 = tpu.memref_slice %arg7[%mul3A_124] : memref<10240xi32, #tpu.memory_space<vmem>> -> memref<128xi32, #tpu.memory_space<vmem>>
        %dma_wait3A_126 = arith.constant 0 : i32
        %dma_wait3A_127 = tpu.memref_slice %arg6[%dma_wait3A_126] : memref<40960xf32, #tpu.memory_space<vmem_shared>> -> memref<40960xf32, #tpu.memory_space<vmem_shared>>
        tpu.wait_indirect_dma semaphore(%arg10 : memref<!tpu.dma_semaphore, #tpu.memory_space<semaphore_mem>>) src(%arg9 : memref<128xf32, #tpu.memory_space<vmem>>) dst(%dma_wait3A_127 : memref<40960xf32, #tpu.memory_space<vmem_shared>>)
        %sub3A_128 = arith.constant 2 : i32
        %sub3A_129 = arith.subi %add3A_91, %sub3A_128 : i32
        %mul3A_130 = arith.constant 128 : i32
        %mul3A_131 = arith.muli %sub3A_129, %mul3A_130 : i32
        %dma_wait3A_132 = tpu.memref_slice %arg8[%mul3A_131] : memref<10240xi32, #tpu.memory_space<vmem>> -> memref<128xi32, #tpu.memory_space<vmem>>
        %dma_wait3A_133 = arith.constant 0 : i32
        %dma_wait3A_134 = tpu.memref_slice %arg6[%dma_wait3A_133] : memref<40960xf32, #tpu.memory_space<vmem_shared>> -> memref<40960xf32, #tpu.memory_space<vmem_shared>>
        tpu.wait_indirect_dma semaphore(%arg11 : memref<!tpu.dma_semaphore, #tpu.memory_space<semaphore_mem>>) src(%arg9 : memref<128xf32, #tpu.memory_space<vmem>>) dst(%dma_wait3A_134 : memref<40960xf32, #tpu.memory_space<vmem_shared>>)
      } else {
      }
      %mul3A_94 = arith.constant 128 : i32
      %mul3A_95 = arith.muli %add3A_91, %mul3A_94 : i32
      %dma_start3A = tpu.memref_slice %arg7[%mul3A_95] : memref<10240xi32, #tpu.memory_space<vmem>> -> memref<128xi32, #tpu.memory_space<vmem>>
      %dma_start3A_96 = arith.constant 0 : i32
      %dma_start3A_97 = tpu.memref_slice %arg6[%dma_start3A_96] : memref<40960xf32, #tpu.memory_space<vmem_shared>> -> memref<40960xf32, #tpu.memory_space<vmem_shared>>
      tpu.enqueue_indirect_dma source(%arg9 : memref<128xf32, #tpu.memory_space<vmem>>) target(%dma_start3A_97 : memref<40960xf32, #tpu.memory_space<vmem_shared>>) offsets(%dma_start3A : memref<128xi32, #tpu.memory_space<vmem>>) semaphore(%arg10 : memref<!tpu.dma_semaphore, #tpu.memory_space<semaphore_mem>>) {add = true}
      %mul3A_98 = arith.constant 128 : i32
      %mul3A_99 = arith.muli %add3A_91, %mul3A_98 : i32
      %dma_start3A_100 = tpu.memref_slice %arg8[%mul3A_99] : memref<10240xi32, #tpu.memory_space<vmem>> -> memref<128xi32, #tpu.memory_space<vmem>>
      %dma_start3A_101 = arith.constant 0 : i32
      %dma_start3A_102 = tpu.memref_slice %arg6[%dma_start3A_101] : memref<40960xf32, #tpu.memory_space<vmem_shared>> -> memref<40960xf32, #tpu.memory_space<vmem_shared>>
      tpu.enqueue_indirect_dma source(%arg9 : memref<128xf32, #tpu.memory_space<vmem>>) target(%dma_start3A_102 : memref<40960xf32, #tpu.memory_space<vmem_shared>>) offsets(%dma_start3A_100 : memref<128xi32, #tpu.memory_space<vmem>>) semaphore(%arg11 : memref<!tpu.dma_semaphore, #tpu.memory_space<semaphore_mem>>) {add = true}
      %mul3A_103 = arith.constant 2 : i32
      %mul3A_104 = arith.muli %scan3A_87, %mul3A_103 : i32
      %add3A_105 = arith.constant 1 : i32
      %add3A_106 = arith.addi %mul3A_104, %add3A_105 : i32
      %ge3A_107 = arith.constant 1 : i32
      %ge3A_108 = arith.cmpi sge, %scan3A_87, %ge3A_107 : i32
      %convert_element_type3A_109 = arith.extui %ge3A_108 : i1 to i32
      %cond3A_110 = arith.constant 0 : i32
      %cond3A_111 = arith.cmpi ne, %convert_element_type3A_109, %cond3A_110 : i32
      scf.if %cond3A_111 {
        %sub3A = arith.constant 2 : i32
        %sub3A_122 = arith.subi %add3A_106, %sub3A : i32
        %mul3A_123 = arith.constant 128 : i32
        %mul3A_124 = arith.muli %sub3A_122, %mul3A_123 : i32
        %dma_wait3A_125 = tpu.memref_slice %arg7[%mul3A_124] : memref<10240xi32, #tpu.memory_space<vmem>> -> memref<128xi32, #tpu.memory_space<vmem>>
        %dma_wait3A_126 = arith.constant 0 : i32
        %dma_wait3A_127 = tpu.memref_slice %arg6[%dma_wait3A_126] : memref<40960xf32, #tpu.memory_space<vmem_shared>> -> memref<40960xf32, #tpu.memory_space<vmem_shared>>
        tpu.wait_indirect_dma semaphore(%arg12 : memref<!tpu.dma_semaphore, #tpu.memory_space<semaphore_mem>>) src(%arg9 : memref<128xf32, #tpu.memory_space<vmem>>) dst(%dma_wait3A_127 : memref<40960xf32, #tpu.memory_space<vmem_shared>>)
        %sub3A_128 = arith.constant 2 : i32
        %sub3A_129 = arith.subi %add3A_106, %sub3A_128 : i32
        %mul3A_130 = arith.constant 128 : i32
        %mul3A_131 = arith.muli %sub3A_129, %mul3A_130 : i32
        %dma_wait3A_132 = tpu.memref_slice %arg8[%mul3A_131] : memref<10240xi32, #tpu.memory_space<vmem>> -> memref<128xi32, #tpu.memory_space<vmem>>
        %dma_wait3A_133 = arith.constant 0 : i32
        %dma_wait3A_134 = tpu.memref_slice %arg6[%dma_wait3A_133] : memref<40960xf32, #tpu.memory_space<vmem_shared>> -> memref<40960xf32, #tpu.memory_space<vmem_shared>>
        tpu.wait_indirect_dma semaphore(%arg13 : memref<!tpu.dma_semaphore, #tpu.memory_space<semaphore_mem>>) src(%arg9 : memref<128xf32, #tpu.memory_space<vmem>>) dst(%dma_wait3A_134 : memref<40960xf32, #tpu.memory_space<vmem_shared>>)
      } else {
      }
      %mul3A_112 = arith.constant 128 : i32
      %mul3A_113 = arith.muli %add3A_106, %mul3A_112 : i32
      %dma_start3A_114 = tpu.memref_slice %arg7[%mul3A_113] : memref<10240xi32, #tpu.memory_space<vmem>> -> memref<128xi32, #tpu.memory_space<vmem>>
      %dma_start3A_115 = arith.constant 0 : i32
      %dma_start3A_116 = tpu.memref_slice %arg6[%dma_start3A_115] : memref<40960xf32, #tpu.memory_space<vmem_shared>> -> memref<40960xf32, #tpu.memory_space<vmem_shared>>
      tpu.enqueue_indirect_dma source(%arg9 : memref<128xf32, #tpu.memory_space<vmem>>) target(%dma_start3A_116 : memref<40960xf32, #tpu.memory_space<vmem_shared>>) offsets(%dma_start3A_114 : memref<128xi32, #tpu.memory_space<vmem>>) semaphore(%arg12 : memref<!tpu.dma_semaphore, #tpu.memory_space<semaphore_mem>>) {add = true}
      %mul3A_117 = arith.constant 128 : i32
      %mul3A_118 = arith.muli %add3A_106, %mul3A_117 : i32
      %dma_start3A_119 = tpu.memref_slice %arg8[%mul3A_118] : memref<10240xi32, #tpu.memory_space<vmem>> -> memref<128xi32, #tpu.memory_space<vmem>>
      %dma_start3A_120 = arith.constant 0 : i32
      %dma_start3A_121 = tpu.memref_slice %arg6[%dma_start3A_120] : memref<40960xf32, #tpu.memory_space<vmem_shared>> -> memref<40960xf32, #tpu.memory_space<vmem_shared>>
      tpu.enqueue_indirect_dma source(%arg9 : memref<128xf32, #tpu.memory_space<vmem>>) target(%dma_start3A_121 : memref<40960xf32, #tpu.memory_space<vmem_shared>>) offsets(%dma_start3A_119 : memref<128xi32, #tpu.memory_space<vmem>>) semaphore(%arg13 : memref<!tpu.dma_semaphore, #tpu.memory_space<semaphore_mem>>) {add = true}
    }
    %scan3A_63 = arith.constant 40 : i32
    %dma_wait3A = arith.constant 9984 : i32
    %dma_wait3A_64 = tpu.memref_slice %arg7[%dma_wait3A] : memref<10240xi32, #tpu.memory_space<vmem>> -> memref<128xi32, #tpu.memory_space<vmem>>
    %dma_wait3A_65 = arith.constant 0 : i32
    %dma_wait3A_66 = tpu.memref_slice %arg6[%dma_wait3A_65] : memref<40960xf32, #tpu.memory_space<vmem_shared>> -> memref<40960xf32, #tpu.memory_space<vmem_shared>>
    tpu.wait_indirect_dma semaphore(%arg10 : memref<!tpu.dma_semaphore, #tpu.memory_space<semaphore_mem>>) src(%arg9 : memref<128xf32, #tpu.memory_space<vmem>>) dst(%dma_wait3A_66 : memref<40960xf32, #tpu.memory_space<vmem_shared>>)
    %dma_wait3A_67 = arith.constant 9984 : i32
    %dma_wait3A_68 = tpu.memref_slice %arg8[%dma_wait3A_67] : memref<10240xi32, #tpu.memory_space<vmem>> -> memref<128xi32, #tpu.memory_space<vmem>>
    %dma_wait3A_69 = arith.constant 0 : i32
    %dma_wait3A_70 = tpu.memref_slice %arg6[%dma_wait3A_69] : memref<40960xf32, #tpu.memory_space<vmem_shared>> -> memref<40960xf32, #tpu.memory_space<vmem_shared>>
    tpu.wait_indirect_dma semaphore(%arg11 : memref<!tpu.dma_semaphore, #tpu.memory_space<semaphore_mem>>) src(%arg9 : memref<128xf32, #tpu.memory_space<vmem>>) dst(%dma_wait3A_70 : memref<40960xf32, #tpu.memory_space<vmem_shared>>)
    %dma_wait3A_71 = arith.constant 10112 : i32
    %dma_wait3A_72 = tpu.memref_slice %arg7[%dma_wait3A_71] : memref<10240xi32, #tpu.memory_space<vmem>> -> memref<128xi32, #tpu.memory_space<vmem>>
    %dma_wait3A_73 = arith.constant 0 : i32
    %dma_wait3A_74 = tpu.memref_slice %arg6[%dma_wait3A_73] : memref<40960xf32, #tpu.memory_space<vmem_shared>> -> memref<40960xf32, #tpu.memory_space<vmem_shared>>
    tpu.wait_indirect_dma semaphore(%arg12 : memref<!tpu.dma_semaphore, #tpu.memory_space<semaphore_mem>>) src(%arg9 : memref<128xf32, #tpu.memory_space<vmem>>) dst(%dma_wait3A_74 : memref<40960xf32, #tpu.memory_space<vmem_shared>>)
    %dma_wait3A_75 = arith.constant 10112 : i32
    %dma_wait3A_76 = tpu.memref_slice %arg8[%dma_wait3A_75] : memref<10240xi32, #tpu.memory_space<vmem>> -> memref<128xi32, #tpu.memory_space<vmem>>
    %dma_wait3A_77 = arith.constant 0 : i32
    %dma_wait3A_78 = tpu.memref_slice %arg6[%dma_wait3A_77] : memref<40960xf32, #tpu.memory_space<vmem_shared>> -> memref<40960xf32, #tpu.memory_space<vmem_shared>>
    tpu.wait_indirect_dma semaphore(%arg13 : memref<!tpu.dma_semaphore, #tpu.memory_space<semaphore_mem>>) src(%arg9 : memref<128xf32, #tpu.memory_space<vmem>>) dst(%dma_wait3A_78 : memref<40960xf32, #tpu.memory_space<vmem_shared>>)
    %barrier3A_79 = arith.constant 0 : index
    tpu.barrier barrier_id(%barrier3A_79)
    %mul3A_80 = arith.constant 4 : i32
    %mul3A_81 = arith.muli %arg0, %mul3A_80 : i32
    %mul3A_82 = arith.constant 10240 : i32
    %mul3A_83 = arith.muli %mul3A_81, %mul3A_82 : i32
    %mul3A_84 = arith.constant 2560 : i32
    %mul3A_85 = arith.muli %arg1, %mul3A_84 : i32
    %add3A_86 = arith.addi %mul3A_83, %mul3A_85 : i32
    "tpu.region"() ({
      %run_scoped3A = tpu.sem_alloc : memref<!tpu.dma_semaphore, #tpu.memory_space<semaphore_mem>>
      %dma_start3A = tpu.memref_slice %arg5[%add3A_86] : memref<81920xf32, #tpu.memory_space<hbm>> -> memref<2560xf32, #tpu.memory_space<hbm>>
      %dma_start3A_87 = tpu.memref_slice %arg6[%mul3A_48] : memref<40960xf32, #tpu.memory_space<vmem_shared>> -> memref<2560xf32, #tpu.memory_space<vmem_shared>>
      tpu.enqueue_dma source(%dma_start3A_87 : memref<2560xf32, #tpu.memory_space<vmem_shared>>) target(%dma_start3A : memref<2560xf32, #tpu.memory_space<hbm>>) target_semaphore(%run_scoped3A : memref<!tpu.dma_semaphore, #tpu.memory_space<semaphore_mem>>)
      %dma_wait3A_88 = tpu.memref_slice %arg5[%add3A_86] : memref<81920xf32, #tpu.memory_space<hbm>> -> memref<2560xf32, #tpu.memory_space<hbm>>
      %dma_wait3A_89 = tpu.memref_slice %arg6[%mul3A_48] : memref<40960xf32, #tpu.memory_space<vmem_shared>> -> memref<2560xf32, #tpu.memory_space<vmem_shared>>
      tpu.wait_dma2 semaphore(%run_scoped3A : memref<!tpu.dma_semaphore, #tpu.memory_space<semaphore_mem>>) src(%dma_wait3A_89 : memref<2560xf32, #tpu.memory_space<vmem_shared>>) dst(%dma_wait3A_88 : memref<2560xf32, #tpu.memory_space<hbm>>)
      tpu.yield
    }) : () -> ()
    return
  }
}

#map = affine_map<(d0, d1) -> (0, 0)>
#map1 = affine_map<(d0, d1) -> (0)>
module attributes {stable_mosaic.version = 14 : i64} {
  func.func @_agg_body(%arg0: i32, %arg1: i32, %arg2: memref<40960x64xf32, #tpu.memory_space<hbm>>, %arg3: memref<40960x64xf32, #tpu.memory_space<hbm>>, %arg4: memref<327680xi32, #tpu.memory_space<hbm>>, %arg5: memref<327680xi32, #tpu.memory_space<hbm>>, %arg6: memref<20480x64xf32, #tpu.memory_space<hbm>>, %arg7: memref<40960x64xf32, #tpu.memory_space<hbm>>, %arg8: memref<40960x64xf32, #tpu.memory_space<hbm>>, %arg9: memref<20480x64xf32, #tpu.memory_space<vmem_shared>>, %arg10: memref<5120xi32, #tpu.memory_space<vmem>>, %arg11: memref<5120xi32, #tpu.memory_space<vmem>>, %arg12: memref<128x64xf32, #tpu.memory_space<vmem>>, %arg13: memref<128x64xf32, #tpu.memory_space<vmem>>, %arg14: memref<128x64xf32, #tpu.memory_space<vmem>>, %arg15: memref<128x64xf32, #tpu.memory_space<vmem>>, %arg16: memref<!tpu.dma_semaphore, #tpu.memory_space<semaphore_mem>>, %arg17: memref<!tpu.dma_semaphore, #tpu.memory_space<semaphore_mem>>, %arg18: memref<!tpu.dma_semaphore, #tpu.memory_space<semaphore_mem>>, %arg19: memref<!tpu.dma_semaphore, #tpu.memory_space<semaphore_mem>>, %arg20: memref<!tpu.dma_semaphore, #tpu.memory_space<semaphore_mem>>, %arg21: memref<!tpu.dma_semaphore, #tpu.memory_space<semaphore_mem>>, %arg22: memref<!tpu.dma_semaphore, #tpu.memory_space<semaphore_mem>>, %arg23: memref<!tpu.dma_semaphore, #tpu.memory_space<semaphore_mem>>) attributes {dimension_semantics = [#tpu.dimension_semantics<core_parallel>, #tpu.dimension_semantics<subcore_parallel>], iteration_bounds = array<i64: 2, 16>, scalar_prefetch = 0 : i64, scratch_operands = 15 : i64, tpu.core_type = #tpu.core_type<sc_vector_subcore>, window_params = [{transform_indices = #map}, {transform_indices = #map}, {transform_indices = #map1}, {transform_indices = #map1}, {transform_indices = #map}, {transform_indices = #map}, {transform_indices = #map}]} {
    %mul3A = arith.constant 1280 : i32
    %mul3A_0 = arith.muli %arg1, %mul3A : i32
    "tpu.region"() ({
      %run_scoped3A = tpu.sem_alloc : memref<!tpu.dma_semaphore, #tpu.memory_space<semaphore_mem>>
      %dma_start3A = arith.constant 0 : i32
      %dma_start3A_32 = tpu.memref_slice %arg9[%mul3A_0, %dma_start3A] : memref<20480x64xf32, #tpu.memory_space<vmem_shared>> -> memref<1280x64xf32, #tpu.memory_space<vmem_shared>>
      %dma_start3A_33 = arith.constant 0 : i32
      %dma_start3A_34 = tpu.memref_slice %arg6[%mul3A_0, %dma_start3A_33] : memref<20480x64xf32, #tpu.memory_space<hbm>> -> memref<1280x64xf32, #tpu.memory_space<hbm>>
      tpu.enqueue_dma source(%dma_start3A_34 : memref<1280x64xf32, #tpu.memory_space<hbm>>) target(%dma_start3A_32 : memref<1280x64xf32, #tpu.memory_space<vmem_shared>>) target_semaphore(%run_scoped3A : memref<!tpu.dma_semaphore, #tpu.memory_space<semaphore_mem>>)
      %dma_wait3A = arith.constant 0 : i32
      %dma_wait3A_35 = tpu.memref_slice %arg9[%mul3A_0, %dma_wait3A] : memref<20480x64xf32, #tpu.memory_space<vmem_shared>> -> memref<1280x64xf32, #tpu.memory_space<vmem_shared>>
      %dma_wait3A_36 = arith.constant 0 : i32
      %dma_wait3A_37 = tpu.memref_slice %arg6[%mul3A_0, %dma_wait3A_36] : memref<20480x64xf32, #tpu.memory_space<hbm>> -> memref<1280x64xf32, #tpu.memory_space<hbm>>
      tpu.wait_dma2 semaphore(%run_scoped3A : memref<!tpu.dma_semaphore, #tpu.memory_space<semaphore_mem>>) src(%dma_wait3A_37 : memref<1280x64xf32, #tpu.memory_space<hbm>>) dst(%dma_wait3A_35 : memref<1280x64xf32, #tpu.memory_space<vmem_shared>>)
      tpu.yield
    }) : () -> ()
    %barrier3A = arith.constant 0 : index
    tpu.barrier barrier_id(%barrier3A)
    %scan3A = arith.constant 0 : i32
    %scan3A_1 = arith.constant 0 : i32
    %scan3A_2 = arith.constant 4 : i32
    %scan3A_3 = arith.addi %scan3A_1, %scan3A_2 : i32
    %scan3A_4 = arith.constant 1 : i32
    scf.for %scan3A_32 = %scan3A_1 to %scan3A_3 step %scan3A_4  : i32 {
      %mul3A_33 = arith.constant 20480 : i32
      %mul3A_34 = arith.muli %arg1, %mul3A_33 : i32
      %mul3A_35 = arith.constant 5120 : i32
      %mul3A_36 = arith.muli %scan3A_32, %mul3A_35 : i32
      %add3A_37 = arith.addi %mul3A_34, %mul3A_36 : i32
      "tpu.region"() ({
        %run_scoped3A = tpu.sem_alloc : memref<!tpu.dma_semaphore, #tpu.memory_space<semaphore_mem>>
        %dma_start3A_88 = tpu.memref_slice %arg4[%add3A_37] : memref<327680xi32, #tpu.memory_space<hbm>> -> memref<5120xi32, #tpu.memory_space<hbm>>
        %dma_start3A_89 = tpu.memref_slice %arg4[%add3A_37] : memref<327680xi32, #tpu.memory_space<hbm>> -> memref<5120xi32, #tpu.memory_space<hbm>>
        tpu.enqueue_dma source(%dma_start3A_89 : memref<5120xi32, #tpu.memory_space<hbm>>) target(%arg10 : memref<5120xi32, #tpu.memory_space<vmem>>) target_semaphore(%run_scoped3A : memref<!tpu.dma_semaphore, #tpu.memory_space<semaphore_mem>>)
        %dma_wait3A_90 = tpu.memref_slice %arg4[%add3A_37] : memref<327680xi32, #tpu.memory_space<hbm>> -> memref<5120xi32, #tpu.memory_space<hbm>>
        %dma_wait3A_91 = tpu.memref_slice %arg4[%add3A_37] : memref<327680xi32, #tpu.memory_space<hbm>> -> memref<5120xi32, #tpu.memory_space<hbm>>
        tpu.wait_dma2 semaphore(%run_scoped3A : memref<!tpu.dma_semaphore, #tpu.memory_space<semaphore_mem>>) src(%dma_wait3A_91 : memref<5120xi32, #tpu.memory_space<hbm>>) dst(%arg10 : memref<5120xi32, #tpu.memory_space<vmem>>)
        tpu.yield
      }) : () -> ()
      "tpu.region"() ({
        %run_scoped3A = tpu.sem_alloc : memref<!tpu.dma_semaphore, #tpu.memory_space<semaphore_mem>>
        %dma_start3A_88 = tpu.memref_slice %arg5[%add3A_37] : memref<327680xi32, #tpu.memory_space<hbm>> -> memref<5120xi32, #tpu.memory_space<hbm>>
        %dma_start3A_89 = tpu.memref_slice %arg5[%add3A_37] : memref<327680xi32, #tpu.memory_space<hbm>> -> memref<5120xi32, #tpu.memory_space<hbm>>
        tpu.enqueue_dma source(%dma_start3A_89 : memref<5120xi32, #tpu.memory_space<hbm>>) target(%arg11 : memref<5120xi32, #tpu.memory_space<vmem>>) target_semaphore(%run_scoped3A : memref<!tpu.dma_semaphore, #tpu.memory_space<semaphore_mem>>)
        %dma_wait3A_90 = tpu.memref_slice %arg5[%add3A_37] : memref<327680xi32, #tpu.memory_space<hbm>> -> memref<5120xi32, #tpu.memory_space<hbm>>
        %dma_wait3A_91 = tpu.memref_slice %arg5[%add3A_37] : memref<327680xi32, #tpu.memory_space<hbm>> -> memref<5120xi32, #tpu.memory_space<hbm>>
        tpu.wait_dma2 semaphore(%run_scoped3A : memref<!tpu.dma_semaphore, #tpu.memory_space<semaphore_mem>>) src(%dma_wait3A_91 : memref<5120xi32, #tpu.memory_space<hbm>>) dst(%arg11 : memref<5120xi32, #tpu.memory_space<vmem>>)
        tpu.yield
      }) : () -> ()
      %scan3A_38 = arith.constant 0 : i32
      %scan3A_39 = arith.constant 0 : i32
      %scan3A_40 = arith.constant 320 : i32
      %scan3A_41 = arith.addi %scan3A_39, %scan3A_40 : i32
      %scan3A_42 = arith.constant 1 : i32
      scf.for %scan3A_88 = %scan3A_39 to %scan3A_41 step %scan3A_42  : i32 {
        %mul3A_89 = arith.constant 16 : i32
        %mul3A_90 = arith.muli %scan3A_88, %mul3A_89 : i32
        %get3A = arith.index_cast %mul3A_90 : i32 to index
        %get3A_91 = tpu.vector_load %arg10[%get3A] {strides = array<i32>} : memref<5120xi32, #tpu.memory_space<vmem>>, vector<16xi32>,
        %get3A_92 = vector.shape_cast %get3A_91 : vector<16xi32> to vector<16xi32>
        %mul3A_93 = arith.constant 20480 : i32
        %mul3A_94 = arith.muli %arg0, %mul3A_93 : i32
        %add3A_95 = vector.broadcast %mul3A_94 : i32 to vector<16xi32>
        %add3A_96 = arith.addi %get3A_92, %add3A_95 : vector<16xi32>
        %swap3A = arith.index_cast %mul3A_90 : i32 to index
        %swap3A_97 = tpu.vector_load %arg10[%swap3A] {strides = array<i32>} : memref<5120xi32, #tpu.memory_space<vmem>>, vector<16xi32>,
        %swap3A_98 = vector.shape_cast %swap3A_97 : vector<16xi32> to vector<16xi32>
        %swap3A_99 = vector.shape_cast %add3A_96 : vector<16xi32> to vector<16xi32>
        tpu.vector_store %arg10[%swap3A], %swap3A_99 {strides = array<i32>} : memref<5120xi32, #tpu.memory_space<vmem>>, vector<16xi32>,
      }
      %scan3A_43 = arith.constant 320 : i32
      %dma_start3A = arith.constant 0 : i32
      %dma_start3A_44 = tpu.memref_slice %arg10[%dma_start3A] : memref<5120xi32, #tpu.memory_space<vmem>> -> memref<128xi32, #tpu.memory_space<vmem>>
      %dma_start3A_45 = arith.constant 0 : i32
      %dma_start3A_46 = arith.constant 0 : i32
      %dma_start3A_47 = tpu.memref_slice %arg2[%dma_start3A_45, %dma_start3A_46] : memref<40960x64xf32, #tpu.memory_space<hbm>> -> memref<40960x64xf32, #tpu.memory_space<hbm>>
      tpu.enqueue_indirect_dma source(%dma_start3A_47 : memref<40960x64xf32, #tpu.memory_space<hbm>>) target(%arg12 : memref<128x64xf32, #tpu.memory_space<vmem>>) offsets(%dma_start3A_44 : memref<128xi32, #tpu.memory_space<vmem>>) semaphore(%arg16 : memref<!tpu.dma_semaphore, #tpu.memory_space<semaphore_mem>>)
      %dma_start3A_48 = arith.constant 128 : i32
      %dma_start3A_49 = tpu.memref_slice %arg10[%dma_start3A_48] : memref<5120xi32, #tpu.memory_space<vmem>> -> memref<128xi32, #tpu.memory_space<vmem>>
      %dma_start3A_50 = arith.constant 0 : i32
      %dma_start3A_51 = arith.constant 0 : i32
      %dma_start3A_52 = tpu.memref_slice %arg2[%dma_start3A_50, %dma_start3A_51] : memref<40960x64xf32, #tpu.memory_space<hbm>> -> memref<40960x64xf32, #tpu.memory_space<hbm>>
      tpu.enqueue_indirect_dma source(%dma_start3A_52 : memref<40960x64xf32, #tpu.memory_space<hbm>>) target(%arg13 : memref<128x64xf32, #tpu.memory_space<vmem>>) offsets(%dma_start3A_49 : memref<128xi32, #tpu.memory_space<vmem>>) semaphore(%arg17 : memref<!tpu.dma_semaphore, #tpu.memory_space<semaphore_mem>>)
      %dma_start3A_53 = arith.constant 256 : i32
      %dma_start3A_54 = tpu.memref_slice %arg10[%dma_start3A_53] : memref<5120xi32, #tpu.memory_space<vmem>> -> memref<128xi32, #tpu.memory_space<vmem>>
      %dma_start3A_55 = arith.constant 0 : i32
      %dma_start3A_56 = arith.constant 0 : i32
      %dma_start3A_57 = tpu.memref_slice %arg2[%dma_start3A_55, %dma_start3A_56] : memref<40960x64xf32, #tpu.memory_space<hbm>> -> memref<40960x64xf32, #tpu.memory_space<hbm>>
      tpu.enqueue_indirect_dma source(%dma_start3A_57 : memref<40960x64xf32, #tpu.memory_space<hbm>>) target(%arg14 : memref<128x64xf32, #tpu.memory_space<vmem>>) offsets(%dma_start3A_54 : memref<128xi32, #tpu.memory_space<vmem>>) semaphore(%arg18 : memref<!tpu.dma_semaphore, #tpu.memory_space<semaphore_mem>>)
      %dma_start3A_58 = arith.constant 384 : i32
      %dma_start3A_59 = tpu.memref_slice %arg10[%dma_start3A_58] : memref<5120xi32, #tpu.memory_space<vmem>> -> memref<128xi32, #tpu.memory_space<vmem>>
      %dma_start3A_60 = arith.constant 0 : i32
      %dma_start3A_61 = arith.constant 0 : i32
      %dma_start3A_62 = tpu.memref_slice %arg2[%dma_start3A_60, %dma_start3A_61] : memref<40960x64xf32, #tpu.memory_space<hbm>> -> memref<40960x64xf32, #tpu.memory_space<hbm>>
      tpu.enqueue_indirect_dma source(%dma_start3A_62 : memref<40960x64xf32, #tpu.memory_space<hbm>>) target(%arg15 : memref<128x64xf32, #tpu.memory_space<vmem>>) offsets(%dma_start3A_59 : memref<128xi32, #tpu.memory_space<vmem>>) semaphore(%arg19 : memref<!tpu.dma_semaphore, #tpu.memory_space<semaphore_mem>>)
      %scan3A_63 = arith.constant 0 : i32
      %scan3A_64 = arith.constant 0 : i32
      %scan3A_65 = arith.constant 10 : i32
      %scan3A_66 = arith.addi %scan3A_64, %scan3A_65 : i32
      %scan3A_67 = arith.constant 1 : i32
      scf.for %scan3A_88 = %scan3A_64 to %scan3A_66 step %scan3A_67  : i32 {
        %mul3A_89 = arith.constant 4 : i32
        %mul3A_90 = arith.muli %scan3A_88, %mul3A_89 : i32
        %add3A_91 = arith.constant 0 : i32
        %add3A_92 = arith.addi %mul3A_90, %add3A_91 : i32
        %mul3A_93 = arith.constant 128 : i32
        %mul3A_94 = arith.muli %add3A_92, %mul3A_93 : i32
        %dma_wait3A_95 = tpu.memref_slice %arg10[%mul3A_94] : memref<5120xi32, #tpu.memory_space<vmem>> -> memref<128xi32, #tpu.memory_space<vmem>>
        %dma_wait3A_96 = arith.constant 0 : i32
        %dma_wait3A_97 = arith.constant 0 : i32
        %dma_wait3A_98 = tpu.memref_slice %arg2[%dma_wait3A_96, %dma_wait3A_97] : memref<40960x64xf32, #tpu.memory_space<hbm>> -> memref<40960x64xf32, #tpu.memory_space<hbm>>
        tpu.wait_indirect_dma semaphore(%arg16 : memref<!tpu.dma_semaphore, #tpu.memory_space<semaphore_mem>>) src(%dma_wait3A_98 : memref<40960x64xf32, #tpu.memory_space<hbm>>) dst(%arg12 : memref<128x64xf32, #tpu.memory_space<vmem>>)
        %mul3A_99 = arith.constant 128 : i32
        %mul3A_100 = arith.muli %add3A_92, %mul3A_99 : i32
        %dma_start3A_101 = tpu.memref_slice %arg11[%mul3A_100] : memref<5120xi32, #tpu.memory_space<vmem>> -> memref<128xi32, #tpu.memory_space<vmem>>
        %dma_start3A_102 = arith.constant 0 : i32
        %dma_start3A_103 = arith.constant 0 : i32
        %dma_start3A_104 = tpu.memref_slice %arg9[%dma_start3A_102, %dma_start3A_103] : memref<20480x64xf32, #tpu.memory_space<vmem_shared>> -> memref<20480x64xf32, #tpu.memory_space<vmem_shared>>
        tpu.enqueue_indirect_dma source(%arg12 : memref<128x64xf32, #tpu.memory_space<vmem>>) target(%dma_start3A_104 : memref<20480x64xf32, #tpu.memory_space<vmem_shared>>) offsets(%dma_start3A_101 : memref<128xi32, #tpu.memory_space<vmem>>) semaphore(%arg20 : memref<!tpu.dma_semaphore, #tpu.memory_space<semaphore_mem>>) {add = true}
        %add3A_105 = arith.constant 1 : i32
        %add3A_106 = arith.addi %mul3A_90, %add3A_105 : i32
        %mul3A_107 = arith.constant 128 : i32
        %mul3A_108 = arith.muli %add3A_106, %mul3A_107 : i32
        %dma_wait3A_109 = tpu.memref_slice %arg10[%mul3A_108] : memref<5120xi32, #tpu.memory_space<vmem>> -> memref<128xi32, #tpu.memory_space<vmem>>
        %dma_wait3A_110 = arith.constant 0 : i32
        %dma_wait3A_111 = arith.constant 0 : i32
        %dma_wait3A_112 = tpu.memref_slice %arg2[%dma_wait3A_110, %dma_wait3A_111] : memref<40960x64xf32, #tpu.memory_space<hbm>> -> memref<40960x64xf32, #tpu.memory_space<hbm>>
        tpu.wait_indirect_dma semaphore(%arg17 : memref<!tpu.dma_semaphore, #tpu.memory_space<semaphore_mem>>) src(%dma_wait3A_112 : memref<40960x64xf32, #tpu.memory_space<hbm>>) dst(%arg13 : memref<128x64xf32, #tpu.memory_space<vmem>>)
        %mul3A_113 = arith.constant 128 : i32
        %mul3A_114 = arith.muli %add3A_106, %mul3A_113 : i32
        %dma_start3A_115 = tpu.memref_slice %arg11[%mul3A_114] : memref<5120xi32, #tpu.memory_space<vmem>> -> memref<128xi32, #tpu.memory_space<vmem>>
        %dma_start3A_116 = arith.constant 0 : i32
        %dma_start3A_117 = arith.constant 0 : i32
        %dma_start3A_118 = tpu.memref_slice %arg9[%dma_start3A_116, %dma_start3A_117] : memref<20480x64xf32, #tpu.memory_space<vmem_shared>> -> memref<20480x64xf32, #tpu.memory_space<vmem_shared>>
        tpu.enqueue_indirect_dma source(%arg13 : memref<128x64xf32, #tpu.memory_space<vmem>>) target(%dma_start3A_118 : memref<20480x64xf32, #tpu.memory_space<vmem_shared>>) offsets(%dma_start3A_115 : memref<128xi32, #tpu.memory_space<vmem>>) semaphore(%arg21 : memref<!tpu.dma_semaphore, #tpu.memory_space<semaphore_mem>>) {add = true}
        %add3A_119 = arith.constant 2 : i32
        %add3A_120 = arith.addi %mul3A_90, %add3A_119 : i32
        %mul3A_121 = arith.constant 128 : i32
        %mul3A_122 = arith.muli %add3A_120, %mul3A_121 : i32
        %dma_wait3A_123 = tpu.memref_slice %arg10[%mul3A_122] : memref<5120xi32, #tpu.memory_space<vmem>> -> memref<128xi32, #tpu.memory_space<vmem>>
        %dma_wait3A_124 = arith.constant 0 : i32
        %dma_wait3A_125 = arith.constant 0 : i32
        %dma_wait3A_126 = tpu.memref_slice %arg2[%dma_wait3A_124, %dma_wait3A_125] : memref<40960x64xf32, #tpu.memory_space<hbm>> -> memref<40960x64xf32, #tpu.memory_space<hbm>>
        tpu.wait_indirect_dma semaphore(%arg18 : memref<!tpu.dma_semaphore, #tpu.memory_space<semaphore_mem>>) src(%dma_wait3A_126 : memref<40960x64xf32, #tpu.memory_space<hbm>>) dst(%arg14 : memref<128x64xf32, #tpu.memory_space<vmem>>)
        %mul3A_127 = arith.constant 128 : i32
        %mul3A_128 = arith.muli %add3A_120, %mul3A_127 : i32
        %dma_start3A_129 = tpu.memref_slice %arg11[%mul3A_128] : memref<5120xi32, #tpu.memory_space<vmem>> -> memref<128xi32, #tpu.memory_space<vmem>>
        %dma_start3A_130 = arith.constant 0 : i32
        %dma_start3A_131 = arith.constant 0 : i32
        %dma_start3A_132 = tpu.memref_slice %arg9[%dma_start3A_130, %dma_start3A_131] : memref<20480x64xf32, #tpu.memory_space<vmem_shared>> -> memref<20480x64xf32, #tpu.memory_space<vmem_shared>>
        tpu.enqueue_indirect_dma source(%arg14 : memref<128x64xf32, #tpu.memory_space<vmem>>) target(%dma_start3A_132 : memref<20480x64xf32, #tpu.memory_space<vmem_shared>>) offsets(%dma_start3A_129 : memref<128xi32, #tpu.memory_space<vmem>>) semaphore(%arg22 : memref<!tpu.dma_semaphore, #tpu.memory_space<semaphore_mem>>) {add = true}
        %add3A_133 = arith.constant 3 : i32
        %add3A_134 = arith.addi %mul3A_90, %add3A_133 : i32
        %mul3A_135 = arith.constant 128 : i32
        %mul3A_136 = arith.muli %add3A_134, %mul3A_135 : i32
        %dma_wait3A_137 = tpu.memref_slice %arg10[%mul3A_136] : memref<5120xi32, #tpu.memory_space<vmem>> -> memref<128xi32, #tpu.memory_space<vmem>>
        %dma_wait3A_138 = arith.constant 0 : i32
        %dma_wait3A_139 = arith.constant 0 : i32
        %dma_wait3A_140 = tpu.memref_slice %arg2[%dma_wait3A_138, %dma_wait3A_139] : memref<40960x64xf32, #tpu.memory_space<hbm>> -> memref<40960x64xf32, #tpu.memory_space<hbm>>
        tpu.wait_indirect_dma semaphore(%arg19 : memref<!tpu.dma_semaphore, #tpu.memory_space<semaphore_mem>>) src(%dma_wait3A_140 : memref<40960x64xf32, #tpu.memory_space<hbm>>) dst(%arg15 : memref<128x64xf32, #tpu.memory_space<vmem>>)
        %mul3A_141 = arith.constant 128 : i32
        %mul3A_142 = arith.muli %add3A_134, %mul3A_141 : i32
        %dma_start3A_143 = tpu.memref_slice %arg11[%mul3A_142] : memref<5120xi32, #tpu.memory_space<vmem>> -> memref<128xi32, #tpu.memory_space<vmem>>
        %dma_start3A_144 = arith.constant 0 : i32
        %dma_start3A_145 = arith.constant 0 : i32
        %dma_start3A_146 = tpu.memref_slice %arg9[%dma_start3A_144, %dma_start3A_145] : memref<20480x64xf32, #tpu.memory_space<vmem_shared>> -> memref<20480x64xf32, #tpu.memory_space<vmem_shared>>
        tpu.enqueue_indirect_dma source(%arg15 : memref<128x64xf32, #tpu.memory_space<vmem>>) target(%dma_start3A_146 : memref<20480x64xf32, #tpu.memory_space<vmem_shared>>) offsets(%dma_start3A_143 : memref<128xi32, #tpu.memory_space<vmem>>) semaphore(%arg23 : memref<!tpu.dma_semaphore, #tpu.memory_space<semaphore_mem>>) {add = true}
        %add3A_147 = arith.constant 1 : i32
        %add3A_148 = arith.addi %scan3A_88, %add3A_147 : i32
        %lt3A = arith.constant 10 : i32
        %lt3A_149 = arith.cmpi slt, %add3A_148, %lt3A : i32
        %convert_element_type3A = arith.extui %lt3A_149 : i1 to i32
        %cond3A = arith.constant 0 : i32
        %cond3A_150 = arith.cmpi ne, %convert_element_type3A, %cond3A : i32
        scf.if %cond3A_150 {
          %add3A_151 = arith.constant 0 : i32
          %add3A_152 = arith.addi %mul3A_90, %add3A_151 : i32
          %mul3A_153 = arith.constant 128 : i32
          %mul3A_154 = arith.muli %add3A_152, %mul3A_153 : i32
          %dma_wait3A_155 = tpu.memref_slice %arg11[%mul3A_154] : memref<5120xi32, #tpu.memory_space<vmem>> -> memref<128xi32, #tpu.memory_space<vmem>>
          %dma_wait3A_156 = arith.constant 0 : i32
          %dma_wait3A_157 = arith.constant 0 : i32
          %dma_wait3A_158 = tpu.memref_slice %arg9[%dma_wait3A_156, %dma_wait3A_157] : memref<20480x64xf32, #tpu.memory_space<vmem_shared>> -> memref<20480x64xf32, #tpu.memory_space<vmem_shared>>
          tpu.wait_indirect_dma semaphore(%arg20 : memref<!tpu.dma_semaphore, #tpu.memory_space<semaphore_mem>>) src(%arg12 : memref<128x64xf32, #tpu.memory_space<vmem>>) dst(%dma_wait3A_158 : memref<20480x64xf32, #tpu.memory_space<vmem_shared>>)
          %add3A_159 = arith.constant 4 : i32
          %add3A_160 = arith.addi %add3A_152, %add3A_159 : i32
          %mul3A_161 = arith.constant 128 : i32
          %mul3A_162 = arith.muli %add3A_160, %mul3A_161 : i32
          %dma_start3A_163 = tpu.memref_slice %arg10[%mul3A_162] : memref<5120xi32, #tpu.memory_space<vmem>> -> memref<128xi32, #tpu.memory_space<vmem>>
          %dma_start3A_164 = arith.constant 0 : i32
          %dma_start3A_165 = arith.constant 0 : i32
          %dma_start3A_166 = tpu.memref_slice %arg2[%dma_start3A_164, %dma_start3A_165] : memref<40960x64xf32, #tpu.memory_space<hbm>> -> memref<40960x64xf32, #tpu.memory_space<hbm>>
          tpu.enqueue_indirect_dma source(%dma_start3A_166 : memref<40960x64xf32, #tpu.memory_space<hbm>>) target(%arg12 : memref<128x64xf32, #tpu.memory_space<vmem>>) offsets(%dma_start3A_163 : memref<128xi32, #tpu.memory_space<vmem>>) semaphore(%arg16 : memref<!tpu.dma_semaphore, #tpu.memory_space<semaphore_mem>>)
          %add3A_167 = arith.constant 1 : i32
          %add3A_168 = arith.addi %mul3A_90, %add3A_167 : i32
          %mul3A_169 = arith.constant 128 : i32
          %mul3A_170 = arith.muli %add3A_168, %mul3A_169 : i32
          %dma_wait3A_171 = tpu.memref_slice %arg11[%mul3A_170] : memref<5120xi32, #tpu.memory_space<vmem>> -> memref<128xi32, #tpu.memory_space<vmem>>
          %dma_wait3A_172 = arith.constant 0 : i32
          %dma_wait3A_173 = arith.constant 0 : i32
          %dma_wait3A_174 = tpu.memref_slice %arg9[%dma_wait3A_172, %dma_wait3A_173] : memref<20480x64xf32, #tpu.memory_space<vmem_shared>> -> memref<20480x64xf32, #tpu.memory_space<vmem_shared>>
          tpu.wait_indirect_dma semaphore(%arg21 : memref<!tpu.dma_semaphore, #tpu.memory_space<semaphore_mem>>) src(%arg13 : memref<128x64xf32, #tpu.memory_space<vmem>>) dst(%dma_wait3A_174 : memref<20480x64xf32, #tpu.memory_space<vmem_shared>>)
          %add3A_175 = arith.constant 4 : i32
          %add3A_176 = arith.addi %add3A_168, %add3A_175 : i32
          %mul3A_177 = arith.constant 128 : i32
          %mul3A_178 = arith.muli %add3A_176, %mul3A_177 : i32
          %dma_start3A_179 = tpu.memref_slice %arg10[%mul3A_178] : memref<5120xi32, #tpu.memory_space<vmem>> -> memref<128xi32, #tpu.memory_space<vmem>>
          %dma_start3A_180 = arith.constant 0 : i32
          %dma_start3A_181 = arith.constant 0 : i32
          %dma_start3A_182 = tpu.memref_slice %arg2[%dma_start3A_180, %dma_start3A_181] : memref<40960x64xf32, #tpu.memory_space<hbm>> -> memref<40960x64xf32, #tpu.memory_space<hbm>>
          tpu.enqueue_indirect_dma source(%dma_start3A_182 : memref<40960x64xf32, #tpu.memory_space<hbm>>) target(%arg13 : memref<128x64xf32, #tpu.memory_space<vmem>>) offsets(%dma_start3A_179 : memref<128xi32, #tpu.memory_space<vmem>>) semaphore(%arg17 : memref<!tpu.dma_semaphore, #tpu.memory_space<semaphore_mem>>)
          %add3A_183 = arith.constant 2 : i32
          %add3A_184 = arith.addi %mul3A_90, %add3A_183 : i32
          %mul3A_185 = arith.constant 128 : i32
          %mul3A_186 = arith.muli %add3A_184, %mul3A_185 : i32
          %dma_wait3A_187 = tpu.memref_slice %arg11[%mul3A_186] : memref<5120xi32, #tpu.memory_space<vmem>> -> memref<128xi32, #tpu.memory_space<vmem>>
          %dma_wait3A_188 = arith.constant 0 : i32
          %dma_wait3A_189 = arith.constant 0 : i32
          %dma_wait3A_190 = tpu.memref_slice %arg9[%dma_wait3A_188, %dma_wait3A_189] : memref<20480x64xf32, #tpu.memory_space<vmem_shared>> -> memref<20480x64xf32, #tpu.memory_space<vmem_shared>>
          tpu.wait_indirect_dma semaphore(%arg22 : memref<!tpu.dma_semaphore, #tpu.memory_space<semaphore_mem>>) src(%arg14 : memref<128x64xf32, #tpu.memory_space<vmem>>) dst(%dma_wait3A_190 : memref<20480x64xf32, #tpu.memory_space<vmem_shared>>)
          %add3A_191 = arith.constant 4 : i32
          %add3A_192 = arith.addi %add3A_184, %add3A_191 : i32
          %mul3A_193 = arith.constant 128 : i32
          %mul3A_194 = arith.muli %add3A_192, %mul3A_193 : i32
          %dma_start3A_195 = tpu.memref_slice %arg10[%mul3A_194] : memref<5120xi32, #tpu.memory_space<vmem>> -> memref<128xi32, #tpu.memory_space<vmem>>
          %dma_start3A_196 = arith.constant 0 : i32
          %dma_start3A_197 = arith.constant 0 : i32
          %dma_start3A_198 = tpu.memref_slice %arg2[%dma_start3A_196, %dma_start3A_197] : memref<40960x64xf32, #tpu.memory_space<hbm>> -> memref<40960x64xf32, #tpu.memory_space<hbm>>
          tpu.enqueue_indirect_dma source(%dma_start3A_198 : memref<40960x64xf32, #tpu.memory_space<hbm>>) target(%arg14 : memref<128x64xf32, #tpu.memory_space<vmem>>) offsets(%dma_start3A_195 : memref<128xi32, #tpu.memory_space<vmem>>) semaphore(%arg18 : memref<!tpu.dma_semaphore, #tpu.memory_space<semaphore_mem>>)
          %add3A_199 = arith.constant 3 : i32
          %add3A_200 = arith.addi %mul3A_90, %add3A_199 : i32
          %mul3A_201 = arith.constant 128 : i32
          %mul3A_202 = arith.muli %add3A_200, %mul3A_201 : i32
          %dma_wait3A_203 = tpu.memref_slice %arg11[%mul3A_202] : memref<5120xi32, #tpu.memory_space<vmem>> -> memref<128xi32, #tpu.memory_space<vmem>>
          %dma_wait3A_204 = arith.constant 0 : i32
          %dma_wait3A_205 = arith.constant 0 : i32
          %dma_wait3A_206 = tpu.memref_slice %arg9[%dma_wait3A_204, %dma_wait3A_205] : memref<20480x64xf32, #tpu.memory_space<vmem_shared>> -> memref<20480x64xf32, #tpu.memory_space<vmem_shared>>
          tpu.wait_indirect_dma semaphore(%arg23 : memref<!tpu.dma_semaphore, #tpu.memory_space<semaphore_mem>>) src(%arg15 : memref<128x64xf32, #tpu.memory_space<vmem>>) dst(%dma_wait3A_206 : memref<20480x64xf32, #tpu.memory_space<vmem_shared>>)
          %add3A_207 = arith.constant 4 : i32
          %add3A_208 = arith.addi %add3A_200, %add3A_207 : i32
          %mul3A_209 = arith.constant 128 : i32
          %mul3A_210 = arith.muli %add3A_208, %mul3A_209 : i32
          %dma_start3A_211 = tpu.memref_slice %arg10[%mul3A_210] : memref<5120xi32, #tpu.memory_space<vmem>> -> memref<128xi32, #tpu.memory_space<vmem>>
          %dma_start3A_212 = arith.constant 0 : i32
          %dma_start3A_213 = arith.constant 0 : i32
          %dma_start3A_214 = tpu.memref_slice %arg2[%dma_start3A_212, %dma_start3A_213] : memref<40960x64xf32, #tpu.memory_space<hbm>> -> memref<40960x64xf32, #tpu.memory_space<hbm>>
          tpu.enqueue_indirect_dma source(%dma_start3A_214 : memref<40960x64xf32, #tpu.memory_space<hbm>>) target(%arg15 : memref<128x64xf32, #tpu.memory_space<vmem>>) offsets(%dma_start3A_211 : memref<128xi32, #tpu.memory_space<vmem>>) semaphore(%arg19 : memref<!tpu.dma_semaphore, #tpu.memory_space<semaphore_mem>>)
        } else {
        }
      }
      %scan3A_68 = arith.constant 10 : i32
      %dma_wait3A = arith.constant 4608 : i32
      %dma_wait3A_69 = tpu.memref_slice %arg11[%dma_wait3A] : memref<5120xi32, #tpu.memory_space<vmem>> -> memref<128xi32, #tpu.memory_space<vmem>>
      %dma_wait3A_70 = arith.constant 0 : i32
      %dma_wait3A_71 = arith.constant 0 : i32
      %dma_wait3A_72 = tpu.memref_slice %arg9[%dma_wait3A_70, %dma_wait3A_71] : memref<20480x64xf32, #tpu.memory_space<vmem_shared>> -> memref<20480x64xf32, #tpu.memory_space<vmem_shared>>
      tpu.wait_indirect_dma semaphore(%arg20 : memref<!tpu.dma_semaphore, #tpu.memory_space<semaphore_mem>>) src(%arg12 : memref<128x64xf32, #tpu.memory_space<vmem>>) dst(%dma_wait3A_72 : memref<20480x64xf32, #tpu.memory_space<vmem_shared>>)
      %dma_wait3A_73 = arith.constant 4736 : i32
      %dma_wait3A_74 = tpu.memref_slice %arg11[%dma_wait3A_73] : memref<5120xi32, #tpu.memory_space<vmem>> -> memref<128xi32, #tpu.memory_space<vmem>>
      %dma_wait3A_75 = arith.constant 0 : i32
      %dma_wait3A_76 = arith.constant 0 : i32
      %dma_wait3A_77 = tpu.memref_slice %arg9[%dma_wait3A_75, %dma_wait3A_76] : memref<20480x64xf32, #tpu.memory_space<vmem_shared>> -> memref<20480x64xf32, #tpu.memory_space<vmem_shared>>
      tpu.wait_indirect_dma semaphore(%arg21 : memref<!tpu.dma_semaphore, #tpu.memory_space<semaphore_mem>>) src(%arg13 : memref<128x64xf32, #tpu.memory_space<vmem>>) dst(%dma_wait3A_77 : memref<20480x64xf32, #tpu.memory_space<vmem_shared>>)
      %dma_wait3A_78 = arith.constant 4864 : i32
      %dma_wait3A_79 = tpu.memref_slice %arg11[%dma_wait3A_78] : memref<5120xi32, #tpu.memory_space<vmem>> -> memref<128xi32, #tpu.memory_space<vmem>>
      %dma_wait3A_80 = arith.constant 0 : i32
      %dma_wait3A_81 = arith.constant 0 : i32
      %dma_wait3A_82 = tpu.memref_slice %arg9[%dma_wait3A_80, %dma_wait3A_81] : memref<20480x64xf32, #tpu.memory_space<vmem_shared>> -> memref<20480x64xf32, #tpu.memory_space<vmem_shared>>
      tpu.wait_indirect_dma semaphore(%arg22 : memref<!tpu.dma_semaphore, #tpu.memory_space<semaphore_mem>>) src(%arg14 : memref<128x64xf32, #tpu.memory_space<vmem>>) dst(%dma_wait3A_82 : memref<20480x64xf32, #tpu.memory_space<vmem_shared>>)
      %dma_wait3A_83 = arith.constant 4992 : i32
      %dma_wait3A_84 = tpu.memref_slice %arg11[%dma_wait3A_83] : memref<5120xi32, #tpu.memory_space<vmem>> -> memref<128xi32, #tpu.memory_space<vmem>>
      %dma_wait3A_85 = arith.constant 0 : i32
      %dma_wait3A_86 = arith.constant 0 : i32
      %dma_wait3A_87 = tpu.memref_slice %arg9[%dma_wait3A_85, %dma_wait3A_86] : memref<20480x64xf32, #tpu.memory_space<vmem_shared>> -> memref<20480x64xf32, #tpu.memory_space<vmem_shared>>
      tpu.wait_indirect_dma semaphore(%arg23 : memref<!tpu.dma_semaphore, #tpu.memory_space<semaphore_mem>>) src(%arg15 : memref<128x64xf32, #tpu.memory_space<vmem>>) dst(%dma_wait3A_87 : memref<20480x64xf32, #tpu.memory_space<vmem_shared>>)
    }
    %scan3A_5 = arith.constant 4 : i32
    %barrier3A_6 = arith.constant 0 : index
    tpu.barrier barrier_id(%barrier3A_6)
    %mul3A_7 = arith.constant 1280 : i32
    %mul3A_8 = arith.muli %arg1, %mul3A_7 : i32
    %mul3A_9 = arith.constant 2 : i32
    %mul3A_10 = arith.muli %arg0, %mul3A_9 : i32
    %mul3A_11 = arith.constant 10240 : i32
    %mul3A_12 = arith.muli %mul3A_10, %mul3A_11 : i32
    %add3A = arith.addi %mul3A_12, %mul3A_8 : i32
    "tpu.region"() ({
      %run_scoped3A = tpu.sem_alloc : memref<!tpu.dma_semaphore, #tpu.memory_space<semaphore_mem>>
      %dma_start3A = arith.constant 0 : i32
      %dma_start3A_32 = tpu.memref_slice %arg7[%add3A, %dma_start3A] : memref<40960x64xf32, #tpu.memory_space<hbm>> -> memref<1280x64xf32, #tpu.memory_space<hbm>>
      %dma_start3A_33 = arith.constant 0 : i32
      %dma_start3A_34 = tpu.memref_slice %arg9[%mul3A_8, %dma_start3A_33] : memref<20480x64xf32, #tpu.memory_space<vmem_shared>> -> memref<1280x64xf32, #tpu.memory_space<vmem_shared>>
      tpu.enqueue_dma source(%dma_start3A_34 : memref<1280x64xf32, #tpu.memory_space<vmem_shared>>) target(%dma_start3A_32 : memref<1280x64xf32, #tpu.memory_space<hbm>>) target_semaphore(%run_scoped3A : memref<!tpu.dma_semaphore, #tpu.memory_space<semaphore_mem>>)
      %dma_wait3A = arith.constant 0 : i32
      %dma_wait3A_35 = tpu.memref_slice %arg7[%add3A, %dma_wait3A] : memref<40960x64xf32, #tpu.memory_space<hbm>> -> memref<1280x64xf32, #tpu.memory_space<hbm>>
      %dma_wait3A_36 = arith.constant 0 : i32
      %dma_wait3A_37 = tpu.memref_slice %arg9[%mul3A_8, %dma_wait3A_36] : memref<20480x64xf32, #tpu.memory_space<vmem_shared>> -> memref<1280x64xf32, #tpu.memory_space<vmem_shared>>
      tpu.wait_dma2 semaphore(%run_scoped3A : memref<!tpu.dma_semaphore, #tpu.memory_space<semaphore_mem>>) src(%dma_wait3A_37 : memref<1280x64xf32, #tpu.memory_space<vmem_shared>>) dst(%dma_wait3A_35 : memref<1280x64xf32, #tpu.memory_space<hbm>>)
      tpu.yield
    }) : () -> ()
    %barrier3A_13 = arith.constant 0 : index
    tpu.barrier barrier_id(%barrier3A_13)
    %mul3A_14 = arith.constant 1280 : i32
    %mul3A_15 = arith.muli %arg1, %mul3A_14 : i32
    "tpu.region"() ({
      %run_scoped3A = tpu.sem_alloc : memref<!tpu.dma_semaphore, #tpu.memory_space<semaphore_mem>>
      %dma_start3A = arith.constant 0 : i32
      %dma_start3A_32 = tpu.memref_slice %arg9[%mul3A_15, %dma_start3A] : memref<20480x64xf32, #tpu.memory_space<vmem_shared>> -> memref<1280x64xf32, #tpu.memory_space<vmem_shared>>
      %dma_start3A_33 = arith.constant 0 : i32
      %dma_start3A_34 = tpu.memref_slice %arg6[%mul3A_15, %dma_start3A_33] : memref<20480x64xf32, #tpu.memory_space<hbm>> -> memref<1280x64xf32, #tpu.memory_space<hbm>>
      tpu.enqueue_dma source(%dma_start3A_34 : memref<1280x64xf32, #tpu.memory_space<hbm>>) target(%dma_start3A_32 : memref<1280x64xf32, #tpu.memory_space<vmem_shared>>) target_semaphore(%run_scoped3A : memref<!tpu.dma_semaphore, #tpu.memory_space<semaphore_mem>>)
      %dma_wait3A = arith.constant 0 : i32
      %dma_wait3A_35 = tpu.memref_slice %arg9[%mul3A_15, %dma_wait3A] : memref<20480x64xf32, #tpu.memory_space<vmem_shared>> -> memref<1280x64xf32, #tpu.memory_space<vmem_shared>>
      %dma_wait3A_36 = arith.constant 0 : i32
      %dma_wait3A_37 = tpu.memref_slice %arg6[%mul3A_15, %dma_wait3A_36] : memref<20480x64xf32, #tpu.memory_space<hbm>> -> memref<1280x64xf32, #tpu.memory_space<hbm>>
      tpu.wait_dma2 semaphore(%run_scoped3A : memref<!tpu.dma_semaphore, #tpu.memory_space<semaphore_mem>>) src(%dma_wait3A_37 : memref<1280x64xf32, #tpu.memory_space<hbm>>) dst(%dma_wait3A_35 : memref<1280x64xf32, #tpu.memory_space<vmem_shared>>)
      tpu.yield
    }) : () -> ()
    %barrier3A_16 = arith.constant 0 : index
    tpu.barrier barrier_id(%barrier3A_16)
    %scan3A_17 = arith.constant 0 : i32
    %scan3A_18 = arith.constant 0 : i32
    %scan3A_19 = arith.constant 4 : i32
    %scan3A_20 = arith.addi %scan3A_18, %scan3A_19 : i32
    %scan3A_21 = arith.constant 1 : i32
    scf.for %scan3A_32 = %scan3A_18 to %scan3A_20 step %scan3A_21  : i32 {
      %mul3A_33 = arith.constant 20480 : i32
      %mul3A_34 = arith.muli %arg1, %mul3A_33 : i32
      %mul3A_35 = arith.constant 5120 : i32
      %mul3A_36 = arith.muli %scan3A_32, %mul3A_35 : i32
      %add3A_37 = arith.addi %mul3A_34, %mul3A_36 : i32
      "tpu.region"() ({
        %run_scoped3A = tpu.sem_alloc : memref<!tpu.dma_semaphore, #tpu.memory_space<semaphore_mem>>
        %dma_start3A_88 = tpu.memref_slice %arg5[%add3A_37] : memref<327680xi32, #tpu.memory_space<hbm>> -> memref<5120xi32, #tpu.memory_space<hbm>>
        %dma_start3A_89 = tpu.memref_slice %arg5[%add3A_37] : memref<327680xi32, #tpu.memory_space<hbm>> -> memref<5120xi32, #tpu.memory_space<hbm>>
        tpu.enqueue_dma source(%dma_start3A_89 : memref<5120xi32, #tpu.memory_space<hbm>>) target(%arg10 : memref<5120xi32, #tpu.memory_space<vmem>>) target_semaphore(%run_scoped3A : memref<!tpu.dma_semaphore, #tpu.memory_space<semaphore_mem>>)
        %dma_wait3A_90 = tpu.memref_slice %arg5[%add3A_37] : memref<327680xi32, #tpu.memory_space<hbm>> -> memref<5120xi32, #tpu.memory_space<hbm>>
        %dma_wait3A_91 = tpu.memref_slice %arg5[%add3A_37] : memref<327680xi32, #tpu.memory_space<hbm>> -> memref<5120xi32, #tpu.memory_space<hbm>>
        tpu.wait_dma2 semaphore(%run_scoped3A : memref<!tpu.dma_semaphore, #tpu.memory_space<semaphore_mem>>) src(%dma_wait3A_91 : memref<5120xi32, #tpu.memory_space<hbm>>) dst(%arg10 : memref<5120xi32, #tpu.memory_space<vmem>>)
        tpu.yield
      }) : () -> ()
      "tpu.region"() ({
        %run_scoped3A = tpu.sem_alloc : memref<!tpu.dma_semaphore, #tpu.memory_space<semaphore_mem>>
        %dma_start3A_88 = tpu.memref_slice %arg4[%add3A_37] : memref<327680xi32, #tpu.memory_space<hbm>> -> memref<5120xi32, #tpu.memory_space<hbm>>
        %dma_start3A_89 = tpu.memref_slice %arg4[%add3A_37] : memref<327680xi32, #tpu.memory_space<hbm>> -> memref<5120xi32, #tpu.memory_space<hbm>>
        tpu.enqueue_dma source(%dma_start3A_89 : memref<5120xi32, #tpu.memory_space<hbm>>) target(%arg11 : memref<5120xi32, #tpu.memory_space<vmem>>) target_semaphore(%run_scoped3A : memref<!tpu.dma_semaphore, #tpu.memory_space<semaphore_mem>>)
        %dma_wait3A_90 = tpu.memref_slice %arg4[%add3A_37] : memref<327680xi32, #tpu.memory_space<hbm>> -> memref<5120xi32, #tpu.memory_space<hbm>>
        %dma_wait3A_91 = tpu.memref_slice %arg4[%add3A_37] : memref<327680xi32, #tpu.memory_space<hbm>> -> memref<5120xi32, #tpu.memory_space<hbm>>
        tpu.wait_dma2 semaphore(%run_scoped3A : memref<!tpu.dma_semaphore, #tpu.memory_space<semaphore_mem>>) src(%dma_wait3A_91 : memref<5120xi32, #tpu.memory_space<hbm>>) dst(%arg11 : memref<5120xi32, #tpu.memory_space<vmem>>)
        tpu.yield
      }) : () -> ()
      %scan3A_38 = arith.constant 0 : i32
      %scan3A_39 = arith.constant 0 : i32
      %scan3A_40 = arith.constant 320 : i32
      %scan3A_41 = arith.addi %scan3A_39, %scan3A_40 : i32
      %scan3A_42 = arith.constant 1 : i32
      scf.for %scan3A_88 = %scan3A_39 to %scan3A_41 step %scan3A_42  : i32 {
        %mul3A_89 = arith.constant 16 : i32
        %mul3A_90 = arith.muli %scan3A_88, %mul3A_89 : i32
        %get3A = arith.index_cast %mul3A_90 : i32 to index
        %get3A_91 = tpu.vector_load %arg10[%get3A] {strides = array<i32>} : memref<5120xi32, #tpu.memory_space<vmem>>, vector<16xi32>,
        %get3A_92 = vector.shape_cast %get3A_91 : vector<16xi32> to vector<16xi32>
        %mul3A_93 = arith.constant 20480 : i32
        %mul3A_94 = arith.muli %arg0, %mul3A_93 : i32
        %add3A_95 = vector.broadcast %mul3A_94 : i32 to vector<16xi32>
        %add3A_96 = arith.addi %get3A_92, %add3A_95 : vector<16xi32>
        %swap3A = arith.index_cast %mul3A_90 : i32 to index
        %swap3A_97 = tpu.vector_load %arg10[%swap3A] {strides = array<i32>} : memref<5120xi32, #tpu.memory_space<vmem>>, vector<16xi32>,
        %swap3A_98 = vector.shape_cast %swap3A_97 : vector<16xi32> to vector<16xi32>
        %swap3A_99 = vector.shape_cast %add3A_96 : vector<16xi32> to vector<16xi32>
        tpu.vector_store %arg10[%swap3A], %swap3A_99 {strides = array<i32>} : memref<5120xi32, #tpu.memory_space<vmem>>, vector<16xi32>,
      }
      %scan3A_43 = arith.constant 320 : i32
      %dma_start3A = arith.constant 0 : i32
      %dma_start3A_44 = tpu.memref_slice %arg10[%dma_start3A] : memref<5120xi32, #tpu.memory_space<vmem>> -> memref<128xi32, #tpu.memory_space<vmem>>
      %dma_start3A_45 = arith.constant 0 : i32
      %dma_start3A_46 = arith.constant 0 : i32
      %dma_start3A_47 = tpu.memref_slice %arg3[%dma_start3A_45, %dma_start3A_46] : memref<40960x64xf32, #tpu.memory_space<hbm>> -> memref<40960x64xf32, #tpu.memory_space<hbm>>
      tpu.enqueue_indirect_dma source(%dma_start3A_47 : memref<40960x64xf32, #tpu.memory_space<hbm>>) target(%arg12 : memref<128x64xf32, #tpu.memory_space<vmem>>) offsets(%dma_start3A_44 : memref<128xi32, #tpu.memory_space<vmem>>) semaphore(%arg16 : memref<!tpu.dma_semaphore, #tpu.memory_space<semaphore_mem>>)
      %dma_start3A_48 = arith.constant 128 : i32
      %dma_start3A_49 = tpu.memref_slice %arg10[%dma_start3A_48] : memref<5120xi32, #tpu.memory_space<vmem>> -> memref<128xi32, #tpu.memory_space<vmem>>
      %dma_start3A_50 = arith.constant 0 : i32
      %dma_start3A_51 = arith.constant 0 : i32
      %dma_start3A_52 = tpu.memref_slice %arg3[%dma_start3A_50, %dma_start3A_51] : memref<40960x64xf32, #tpu.memory_space<hbm>> -> memref<40960x64xf32, #tpu.memory_space<hbm>>
      tpu.enqueue_indirect_dma source(%dma_start3A_52 : memref<40960x64xf32, #tpu.memory_space<hbm>>) target(%arg13 : memref<128x64xf32, #tpu.memory_space<vmem>>) offsets(%dma_start3A_49 : memref<128xi32, #tpu.memory_space<vmem>>) semaphore(%arg17 : memref<!tpu.dma_semaphore, #tpu.memory_space<semaphore_mem>>)
      %dma_start3A_53 = arith.constant 256 : i32
      %dma_start3A_54 = tpu.memref_slice %arg10[%dma_start3A_53] : memref<5120xi32, #tpu.memory_space<vmem>> -> memref<128xi32, #tpu.memory_space<vmem>>
      %dma_start3A_55 = arith.constant 0 : i32
      %dma_start3A_56 = arith.constant 0 : i32
      %dma_start3A_57 = tpu.memref_slice %arg3[%dma_start3A_55, %dma_start3A_56] : memref<40960x64xf32, #tpu.memory_space<hbm>> -> memref<40960x64xf32, #tpu.memory_space<hbm>>
      tpu.enqueue_indirect_dma source(%dma_start3A_57 : memref<40960x64xf32, #tpu.memory_space<hbm>>) target(%arg14 : memref<128x64xf32, #tpu.memory_space<vmem>>) offsets(%dma_start3A_54 : memref<128xi32, #tpu.memory_space<vmem>>) semaphore(%arg18 : memref<!tpu.dma_semaphore, #tpu.memory_space<semaphore_mem>>)
      %dma_start3A_58 = arith.constant 384 : i32
      %dma_start3A_59 = tpu.memref_slice %arg10[%dma_start3A_58] : memref<5120xi32, #tpu.memory_space<vmem>> -> memref<128xi32, #tpu.memory_space<vmem>>
      %dma_start3A_60 = arith.constant 0 : i32
      %dma_start3A_61 = arith.constant 0 : i32
      %dma_start3A_62 = tpu.memref_slice %arg3[%dma_start3A_60, %dma_start3A_61] : memref<40960x64xf32, #tpu.memory_space<hbm>> -> memref<40960x64xf32, #tpu.memory_space<hbm>>
      tpu.enqueue_indirect_dma source(%dma_start3A_62 : memref<40960x64xf32, #tpu.memory_space<hbm>>) target(%arg15 : memref<128x64xf32, #tpu.memory_space<vmem>>) offsets(%dma_start3A_59 : memref<128xi32, #tpu.memory_space<vmem>>) semaphore(%arg19 : memref<!tpu.dma_semaphore, #tpu.memory_space<semaphore_mem>>)
      %scan3A_63 = arith.constant 0 : i32
      %scan3A_64 = arith.constant 0 : i32
      %scan3A_65 = arith.constant 10 : i32
      %scan3A_66 = arith.addi %scan3A_64, %scan3A_65 : i32
      %scan3A_67 = arith.constant 1 : i32
      scf.for %scan3A_88 = %scan3A_64 to %scan3A_66 step %scan3A_67  : i32 {
        %mul3A_89 = arith.constant 4 : i32
        %mul3A_90 = arith.muli %scan3A_88, %mul3A_89 : i32
        %add3A_91 = arith.constant 0 : i32
        %add3A_92 = arith.addi %mul3A_90, %add3A_91 : i32
        %mul3A_93 = arith.constant 128 : i32
        %mul3A_94 = arith.muli %add3A_92, %mul3A_93 : i32
        %dma_wait3A_95 = tpu.memref_slice %arg10[%mul3A_94] : memref<5120xi32, #tpu.memory_space<vmem>> -> memref<128xi32, #tpu.memory_space<vmem>>
        %dma_wait3A_96 = arith.constant 0 : i32
        %dma_wait3A_97 = arith.constant 0 : i32
        %dma_wait3A_98 = tpu.memref_slice %arg3[%dma_wait3A_96, %dma_wait3A_97] : memref<40960x64xf32, #tpu.memory_space<hbm>> -> memref<40960x64xf32, #tpu.memory_space<hbm>>
        tpu.wait_indirect_dma semaphore(%arg16 : memref<!tpu.dma_semaphore, #tpu.memory_space<semaphore_mem>>) src(%dma_wait3A_98 : memref<40960x64xf32, #tpu.memory_space<hbm>>) dst(%arg12 : memref<128x64xf32, #tpu.memory_space<vmem>>)
        %mul3A_99 = arith.constant 128 : i32
        %mul3A_100 = arith.muli %add3A_92, %mul3A_99 : i32
        %dma_start3A_101 = tpu.memref_slice %arg11[%mul3A_100] : memref<5120xi32, #tpu.memory_space<vmem>> -> memref<128xi32, #tpu.memory_space<vmem>>
        %dma_start3A_102 = arith.constant 0 : i32
        %dma_start3A_103 = arith.constant 0 : i32
        %dma_start3A_104 = tpu.memref_slice %arg9[%dma_start3A_102, %dma_start3A_103] : memref<20480x64xf32, #tpu.memory_space<vmem_shared>> -> memref<20480x64xf32, #tpu.memory_space<vmem_shared>>
        tpu.enqueue_indirect_dma source(%arg12 : memref<128x64xf32, #tpu.memory_space<vmem>>) target(%dma_start3A_104 : memref<20480x64xf32, #tpu.memory_space<vmem_shared>>) offsets(%dma_start3A_101 : memref<128xi32, #tpu.memory_space<vmem>>) semaphore(%arg20 : memref<!tpu.dma_semaphore, #tpu.memory_space<semaphore_mem>>) {add = true}
        %add3A_105 = arith.constant 1 : i32
        %add3A_106 = arith.addi %mul3A_90, %add3A_105 : i32
        %mul3A_107 = arith.constant 128 : i32
        %mul3A_108 = arith.muli %add3A_106, %mul3A_107 : i32
        %dma_wait3A_109 = tpu.memref_slice %arg10[%mul3A_108] : memref<5120xi32, #tpu.memory_space<vmem>> -> memref<128xi32, #tpu.memory_space<vmem>>
        %dma_wait3A_110 = arith.constant 0 : i32
        %dma_wait3A_111 = arith.constant 0 : i32
        %dma_wait3A_112 = tpu.memref_slice %arg3[%dma_wait3A_110, %dma_wait3A_111] : memref<40960x64xf32, #tpu.memory_space<hbm>> -> memref<40960x64xf32, #tpu.memory_space<hbm>>
        tpu.wait_indirect_dma semaphore(%arg17 : memref<!tpu.dma_semaphore, #tpu.memory_space<semaphore_mem>>) src(%dma_wait3A_112 : memref<40960x64xf32, #tpu.memory_space<hbm>>) dst(%arg13 : memref<128x64xf32, #tpu.memory_space<vmem>>)
        %mul3A_113 = arith.constant 128 : i32
        %mul3A_114 = arith.muli %add3A_106, %mul3A_113 : i32
        %dma_start3A_115 = tpu.memref_slice %arg11[%mul3A_114] : memref<5120xi32, #tpu.memory_space<vmem>> -> memref<128xi32, #tpu.memory_space<vmem>>
        %dma_start3A_116 = arith.constant 0 : i32
        %dma_start3A_117 = arith.constant 0 : i32
        %dma_start3A_118 = tpu.memref_slice %arg9[%dma_start3A_116, %dma_start3A_117] : memref<20480x64xf32, #tpu.memory_space<vmem_shared>> -> memref<20480x64xf32, #tpu.memory_space<vmem_shared>>
        tpu.enqueue_indirect_dma source(%arg13 : memref<128x64xf32, #tpu.memory_space<vmem>>) target(%dma_start3A_118 : memref<20480x64xf32, #tpu.memory_space<vmem_shared>>) offsets(%dma_start3A_115 : memref<128xi32, #tpu.memory_space<vmem>>) semaphore(%arg21 : memref<!tpu.dma_semaphore, #tpu.memory_space<semaphore_mem>>) {add = true}
        %add3A_119 = arith.constant 2 : i32
        %add3A_120 = arith.addi %mul3A_90, %add3A_119 : i32
        %mul3A_121 = arith.constant 128 : i32
        %mul3A_122 = arith.muli %add3A_120, %mul3A_121 : i32
        %dma_wait3A_123 = tpu.memref_slice %arg10[%mul3A_122] : memref<5120xi32, #tpu.memory_space<vmem>> -> memref<128xi32, #tpu.memory_space<vmem>>
        %dma_wait3A_124 = arith.constant 0 : i32
        %dma_wait3A_125 = arith.constant 0 : i32
        %dma_wait3A_126 = tpu.memref_slice %arg3[%dma_wait3A_124, %dma_wait3A_125] : memref<40960x64xf32, #tpu.memory_space<hbm>> -> memref<40960x64xf32, #tpu.memory_space<hbm>>
        tpu.wait_indirect_dma semaphore(%arg18 : memref<!tpu.dma_semaphore, #tpu.memory_space<semaphore_mem>>) src(%dma_wait3A_126 : memref<40960x64xf32, #tpu.memory_space<hbm>>) dst(%arg14 : memref<128x64xf32, #tpu.memory_space<vmem>>)
        %mul3A_127 = arith.constant 128 : i32
        %mul3A_128 = arith.muli %add3A_120, %mul3A_127 : i32
        %dma_start3A_129 = tpu.memref_slice %arg11[%mul3A_128] : memref<5120xi32, #tpu.memory_space<vmem>> -> memref<128xi32, #tpu.memory_space<vmem>>
        %dma_start3A_130 = arith.constant 0 : i32
        %dma_start3A_131 = arith.constant 0 : i32
        %dma_start3A_132 = tpu.memref_slice %arg9[%dma_start3A_130, %dma_start3A_131] : memref<20480x64xf32, #tpu.memory_space<vmem_shared>> -> memref<20480x64xf32, #tpu.memory_space<vmem_shared>>
        tpu.enqueue_indirect_dma source(%arg14 : memref<128x64xf32, #tpu.memory_space<vmem>>) target(%dma_start3A_132 : memref<20480x64xf32, #tpu.memory_space<vmem_shared>>) offsets(%dma_start3A_129 : memref<128xi32, #tpu.memory_space<vmem>>) semaphore(%arg22 : memref<!tpu.dma_semaphore, #tpu.memory_space<semaphore_mem>>) {add = true}
        %add3A_133 = arith.constant 3 : i32
        %add3A_134 = arith.addi %mul3A_90, %add3A_133 : i32
        %mul3A_135 = arith.constant 128 : i32
        %mul3A_136 = arith.muli %add3A_134, %mul3A_135 : i32
        %dma_wait3A_137 = tpu.memref_slice %arg10[%mul3A_136] : memref<5120xi32, #tpu.memory_space<vmem>> -> memref<128xi32, #tpu.memory_space<vmem>>
        %dma_wait3A_138 = arith.constant 0 : i32
        %dma_wait3A_139 = arith.constant 0 : i32
        %dma_wait3A_140 = tpu.memref_slice %arg3[%dma_wait3A_138, %dma_wait3A_139] : memref<40960x64xf32, #tpu.memory_space<hbm>> -> memref<40960x64xf32, #tpu.memory_space<hbm>>
        tpu.wait_indirect_dma semaphore(%arg19 : memref<!tpu.dma_semaphore, #tpu.memory_space<semaphore_mem>>) src(%dma_wait3A_140 : memref<40960x64xf32, #tpu.memory_space<hbm>>) dst(%arg15 : memref<128x64xf32, #tpu.memory_space<vmem>>)
        %mul3A_141 = arith.constant 128 : i32
        %mul3A_142 = arith.muli %add3A_134, %mul3A_141 : i32
        %dma_start3A_143 = tpu.memref_slice %arg11[%mul3A_142] : memref<5120xi32, #tpu.memory_space<vmem>> -> memref<128xi32, #tpu.memory_space<vmem>>
        %dma_start3A_144 = arith.constant 0 : i32
        %dma_start3A_145 = arith.constant 0 : i32
        %dma_start3A_146 = tpu.memref_slice %arg9[%dma_start3A_144, %dma_start3A_145] : memref<20480x64xf32, #tpu.memory_space<vmem_shared>> -> memref<20480x64xf32, #tpu.memory_space<vmem_shared>>
        tpu.enqueue_indirect_dma source(%arg15 : memref<128x64xf32, #tpu.memory_space<vmem>>) target(%dma_start3A_146 : memref<20480x64xf32, #tpu.memory_space<vmem_shared>>) offsets(%dma_start3A_143 : memref<128xi32, #tpu.memory_space<vmem>>) semaphore(%arg23 : memref<!tpu.dma_semaphore, #tpu.memory_space<semaphore_mem>>) {add = true}
        %add3A_147 = arith.constant 1 : i32
        %add3A_148 = arith.addi %scan3A_88, %add3A_147 : i32
        %lt3A = arith.constant 10 : i32
        %lt3A_149 = arith.cmpi slt, %add3A_148, %lt3A : i32
        %convert_element_type3A = arith.extui %lt3A_149 : i1 to i32
        %cond3A = arith.constant 0 : i32
        %cond3A_150 = arith.cmpi ne, %convert_element_type3A, %cond3A : i32
        scf.if %cond3A_150 {
          %add3A_151 = arith.constant 0 : i32
          %add3A_152 = arith.addi %mul3A_90, %add3A_151 : i32
          %mul3A_153 = arith.constant 128 : i32
          %mul3A_154 = arith.muli %add3A_152, %mul3A_153 : i32
          %dma_wait3A_155 = tpu.memref_slice %arg11[%mul3A_154] : memref<5120xi32, #tpu.memory_space<vmem>> -> memref<128xi32, #tpu.memory_space<vmem>>
          %dma_wait3A_156 = arith.constant 0 : i32
          %dma_wait3A_157 = arith.constant 0 : i32
          %dma_wait3A_158 = tpu.memref_slice %arg9[%dma_wait3A_156, %dma_wait3A_157] : memref<20480x64xf32, #tpu.memory_space<vmem_shared>> -> memref<20480x64xf32, #tpu.memory_space<vmem_shared>>
          tpu.wait_indirect_dma semaphore(%arg20 : memref<!tpu.dma_semaphore, #tpu.memory_space<semaphore_mem>>) src(%arg12 : memref<128x64xf32, #tpu.memory_space<vmem>>) dst(%dma_wait3A_158 : memref<20480x64xf32, #tpu.memory_space<vmem_shared>>)
          %add3A_159 = arith.constant 4 : i32
          %add3A_160 = arith.addi %add3A_152, %add3A_159 : i32
          %mul3A_161 = arith.constant 128 : i32
          %mul3A_162 = arith.muli %add3A_160, %mul3A_161 : i32
          %dma_start3A_163 = tpu.memref_slice %arg10[%mul3A_162] : memref<5120xi32, #tpu.memory_space<vmem>> -> memref<128xi32, #tpu.memory_space<vmem>>
          %dma_start3A_164 = arith.constant 0 : i32
          %dma_start3A_165 = arith.constant 0 : i32
          %dma_start3A_166 = tpu.memref_slice %arg3[%dma_start3A_164, %dma_start3A_165] : memref<40960x64xf32, #tpu.memory_space<hbm>> -> memref<40960x64xf32, #tpu.memory_space<hbm>>
          tpu.enqueue_indirect_dma source(%dma_start3A_166 : memref<40960x64xf32, #tpu.memory_space<hbm>>) target(%arg12 : memref<128x64xf32, #tpu.memory_space<vmem>>) offsets(%dma_start3A_163 : memref<128xi32, #tpu.memory_space<vmem>>) semaphore(%arg16 : memref<!tpu.dma_semaphore, #tpu.memory_space<semaphore_mem>>)
          %add3A_167 = arith.constant 1 : i32
          %add3A_168 = arith.addi %mul3A_90, %add3A_167 : i32
          %mul3A_169 = arith.constant 128 : i32
          %mul3A_170 = arith.muli %add3A_168, %mul3A_169 : i32
          %dma_wait3A_171 = tpu.memref_slice %arg11[%mul3A_170] : memref<5120xi32, #tpu.memory_space<vmem>> -> memref<128xi32, #tpu.memory_space<vmem>>
          %dma_wait3A_172 = arith.constant 0 : i32
          %dma_wait3A_173 = arith.constant 0 : i32
          %dma_wait3A_174 = tpu.memref_slice %arg9[%dma_wait3A_172, %dma_wait3A_173] : memref<20480x64xf32, #tpu.memory_space<vmem_shared>> -> memref<20480x64xf32, #tpu.memory_space<vmem_shared>>
          tpu.wait_indirect_dma semaphore(%arg21 : memref<!tpu.dma_semaphore, #tpu.memory_space<semaphore_mem>>) src(%arg13 : memref<128x64xf32, #tpu.memory_space<vmem>>) dst(%dma_wait3A_174 : memref<20480x64xf32, #tpu.memory_space<vmem_shared>>)
          %add3A_175 = arith.constant 4 : i32
          %add3A_176 = arith.addi %add3A_168, %add3A_175 : i32
          %mul3A_177 = arith.constant 128 : i32
          %mul3A_178 = arith.muli %add3A_176, %mul3A_177 : i32
          %dma_start3A_179 = tpu.memref_slice %arg10[%mul3A_178] : memref<5120xi32, #tpu.memory_space<vmem>> -> memref<128xi32, #tpu.memory_space<vmem>>
          %dma_start3A_180 = arith.constant 0 : i32
          %dma_start3A_181 = arith.constant 0 : i32
          %dma_start3A_182 = tpu.memref_slice %arg3[%dma_start3A_180, %dma_start3A_181] : memref<40960x64xf32, #tpu.memory_space<hbm>> -> memref<40960x64xf32, #tpu.memory_space<hbm>>
          tpu.enqueue_indirect_dma source(%dma_start3A_182 : memref<40960x64xf32, #tpu.memory_space<hbm>>) target(%arg13 : memref<128x64xf32, #tpu.memory_space<vmem>>) offsets(%dma_start3A_179 : memref<128xi32, #tpu.memory_space<vmem>>) semaphore(%arg17 : memref<!tpu.dma_semaphore, #tpu.memory_space<semaphore_mem>>)
          %add3A_183 = arith.constant 2 : i32
          %add3A_184 = arith.addi %mul3A_90, %add3A_183 : i32
          %mul3A_185 = arith.constant 128 : i32
          %mul3A_186 = arith.muli %add3A_184, %mul3A_185 : i32
          %dma_wait3A_187 = tpu.memref_slice %arg11[%mul3A_186] : memref<5120xi32, #tpu.memory_space<vmem>> -> memref<128xi32, #tpu.memory_space<vmem>>
          %dma_wait3A_188 = arith.constant 0 : i32
          %dma_wait3A_189 = arith.constant 0 : i32
          %dma_wait3A_190 = tpu.memref_slice %arg9[%dma_wait3A_188, %dma_wait3A_189] : memref<20480x64xf32, #tpu.memory_space<vmem_shared>> -> memref<20480x64xf32, #tpu.memory_space<vmem_shared>>
          tpu.wait_indirect_dma semaphore(%arg22 : memref<!tpu.dma_semaphore, #tpu.memory_space<semaphore_mem>>) src(%arg14 : memref<128x64xf32, #tpu.memory_space<vmem>>) dst(%dma_wait3A_190 : memref<20480x64xf32, #tpu.memory_space<vmem_shared>>)
          %add3A_191 = arith.constant 4 : i32
          %add3A_192 = arith.addi %add3A_184, %add3A_191 : i32
          %mul3A_193 = arith.constant 128 : i32
          %mul3A_194 = arith.muli %add3A_192, %mul3A_193 : i32
          %dma_start3A_195 = tpu.memref_slice %arg10[%mul3A_194] : memref<5120xi32, #tpu.memory_space<vmem>> -> memref<128xi32, #tpu.memory_space<vmem>>
          %dma_start3A_196 = arith.constant 0 : i32
          %dma_start3A_197 = arith.constant 0 : i32
          %dma_start3A_198 = tpu.memref_slice %arg3[%dma_start3A_196, %dma_start3A_197] : memref<40960x64xf32, #tpu.memory_space<hbm>> -> memref<40960x64xf32, #tpu.memory_space<hbm>>
          tpu.enqueue_indirect_dma source(%dma_start3A_198 : memref<40960x64xf32, #tpu.memory_space<hbm>>) target(%arg14 : memref<128x64xf32, #tpu.memory_space<vmem>>) offsets(%dma_start3A_195 : memref<128xi32, #tpu.memory_space<vmem>>) semaphore(%arg18 : memref<!tpu.dma_semaphore, #tpu.memory_space<semaphore_mem>>)
          %add3A_199 = arith.constant 3 : i32
          %add3A_200 = arith.addi %mul3A_90, %add3A_199 : i32
          %mul3A_201 = arith.constant 128 : i32
          %mul3A_202 = arith.muli %add3A_200, %mul3A_201 : i32
          %dma_wait3A_203 = tpu.memref_slice %arg11[%mul3A_202] : memref<5120xi32, #tpu.memory_space<vmem>> -> memref<128xi32, #tpu.memory_space<vmem>>
          %dma_wait3A_204 = arith.constant 0 : i32
          %dma_wait3A_205 = arith.constant 0 : i32
          %dma_wait3A_206 = tpu.memref_slice %arg9[%dma_wait3A_204, %dma_wait3A_205] : memref<20480x64xf32, #tpu.memory_space<vmem_shared>> -> memref<20480x64xf32, #tpu.memory_space<vmem_shared>>
          tpu.wait_indirect_dma semaphore(%arg23 : memref<!tpu.dma_semaphore, #tpu.memory_space<semaphore_mem>>) src(%arg15 : memref<128x64xf32, #tpu.memory_space<vmem>>) dst(%dma_wait3A_206 : memref<20480x64xf32, #tpu.memory_space<vmem_shared>>)
          %add3A_207 = arith.constant 4 : i32
          %add3A_208 = arith.addi %add3A_200, %add3A_207 : i32
          %mul3A_209 = arith.constant 128 : i32
          %mul3A_210 = arith.muli %add3A_208, %mul3A_209 : i32
          %dma_start3A_211 = tpu.memref_slice %arg10[%mul3A_210] : memref<5120xi32, #tpu.memory_space<vmem>> -> memref<128xi32, #tpu.memory_space<vmem>>
          %dma_start3A_212 = arith.constant 0 : i32
          %dma_start3A_213 = arith.constant 0 : i32
          %dma_start3A_214 = tpu.memref_slice %arg3[%dma_start3A_212, %dma_start3A_213] : memref<40960x64xf32, #tpu.memory_space<hbm>> -> memref<40960x64xf32, #tpu.memory_space<hbm>>
          tpu.enqueue_indirect_dma source(%dma_start3A_214 : memref<40960x64xf32, #tpu.memory_space<hbm>>) target(%arg15 : memref<128x64xf32, #tpu.memory_space<vmem>>) offsets(%dma_start3A_211 : memref<128xi32, #tpu.memory_space<vmem>>) semaphore(%arg19 : memref<!tpu.dma_semaphore, #tpu.memory_space<semaphore_mem>>)
        } else {
        }
      }
      %scan3A_68 = arith.constant 10 : i32
      %dma_wait3A = arith.constant 4608 : i32
      %dma_wait3A_69 = tpu.memref_slice %arg11[%dma_wait3A] : memref<5120xi32, #tpu.memory_space<vmem>> -> memref<128xi32, #tpu.memory_space<vmem>>
      %dma_wait3A_70 = arith.constant 0 : i32
      %dma_wait3A_71 = arith.constant 0 : i32
      %dma_wait3A_72 = tpu.memref_slice %arg9[%dma_wait3A_70, %dma_wait3A_71] : memref<20480x64xf32, #tpu.memory_space<vmem_shared>> -> memref<20480x64xf32, #tpu.memory_space<vmem_shared>>
      tpu.wait_indirect_dma semaphore(%arg20 : memref<!tpu.dma_semaphore, #tpu.memory_space<semaphore_mem>>) src(%arg12 : memref<128x64xf32, #tpu.memory_space<vmem>>) dst(%dma_wait3A_72 : memref<20480x64xf32, #tpu.memory_space<vmem_shared>>)
      %dma_wait3A_73 = arith.constant 4736 : i32
      %dma_wait3A_74 = tpu.memref_slice %arg11[%dma_wait3A_73] : memref<5120xi32, #tpu.memory_space<vmem>> -> memref<128xi32, #tpu.memory_space<vmem>>
      %dma_wait3A_75 = arith.constant 0 : i32
      %dma_wait3A_76 = arith.constant 0 : i32
      %dma_wait3A_77 = tpu.memref_slice %arg9[%dma_wait3A_75, %dma_wait3A_76] : memref<20480x64xf32, #tpu.memory_space<vmem_shared>> -> memref<20480x64xf32, #tpu.memory_space<vmem_shared>>
      tpu.wait_indirect_dma semaphore(%arg21 : memref<!tpu.dma_semaphore, #tpu.memory_space<semaphore_mem>>) src(%arg13 : memref<128x64xf32, #tpu.memory_space<vmem>>) dst(%dma_wait3A_77 : memref<20480x64xf32, #tpu.memory_space<vmem_shared>>)
      %dma_wait3A_78 = arith.constant 4864 : i32
      %dma_wait3A_79 = tpu.memref_slice %arg11[%dma_wait3A_78] : memref<5120xi32, #tpu.memory_space<vmem>> -> memref<128xi32, #tpu.memory_space<vmem>>
      %dma_wait3A_80 = arith.constant 0 : i32
      %dma_wait3A_81 = arith.constant 0 : i32
      %dma_wait3A_82 = tpu.memref_slice %arg9[%dma_wait3A_80, %dma_wait3A_81] : memref<20480x64xf32, #tpu.memory_space<vmem_shared>> -> memref<20480x64xf32, #tpu.memory_space<vmem_shared>>
      tpu.wait_indirect_dma semaphore(%arg22 : memref<!tpu.dma_semaphore, #tpu.memory_space<semaphore_mem>>) src(%arg14 : memref<128x64xf32, #tpu.memory_space<vmem>>) dst(%dma_wait3A_82 : memref<20480x64xf32, #tpu.memory_space<vmem_shared>>)
      %dma_wait3A_83 = arith.constant 4992 : i32
      %dma_wait3A_84 = tpu.memref_slice %arg11[%dma_wait3A_83] : memref<5120xi32, #tpu.memory_space<vmem>> -> memref<128xi32, #tpu.memory_space<vmem>>
      %dma_wait3A_85 = arith.constant 0 : i32
      %dma_wait3A_86 = arith.constant 0 : i32
      %dma_wait3A_87 = tpu.memref_slice %arg9[%dma_wait3A_85, %dma_wait3A_86] : memref<20480x64xf32, #tpu.memory_space<vmem_shared>> -> memref<20480x64xf32, #tpu.memory_space<vmem_shared>>
      tpu.wait_indirect_dma semaphore(%arg23 : memref<!tpu.dma_semaphore, #tpu.memory_space<semaphore_mem>>) src(%arg15 : memref<128x64xf32, #tpu.memory_space<vmem>>) dst(%dma_wait3A_87 : memref<20480x64xf32, #tpu.memory_space<vmem_shared>>)
    }
    %scan3A_22 = arith.constant 4 : i32
    %barrier3A_23 = arith.constant 0 : index
    tpu.barrier barrier_id(%barrier3A_23)
    %mul3A_24 = arith.constant 1280 : i32
    %mul3A_25 = arith.muli %arg1, %mul3A_24 : i32
    %mul3A_26 = arith.constant 2 : i32
    %mul3A_27 = arith.muli %arg0, %mul3A_26 : i32
    %mul3A_28 = arith.constant 10240 : i32
    %mul3A_29 = arith.muli %mul3A_27, %mul3A_28 : i32
    %add3A_30 = arith.addi %mul3A_29, %mul3A_25 : i32
    "tpu.region"() ({
      %run_scoped3A = tpu.sem_alloc : memref<!tpu.dma_semaphore, #tpu.memory_space<semaphore_mem>>
      %dma_start3A = arith.constant 0 : i32
      %dma_start3A_32 = tpu.memref_slice %arg8[%add3A_30, %dma_start3A] : memref<40960x64xf32, #tpu.memory_space<hbm>> -> memref<1280x64xf32, #tpu.memory_space<hbm>>
      %dma_start3A_33 = arith.constant 0 : i32
      %dma_start3A_34 = tpu.memref_slice %arg9[%mul3A_25, %dma_start3A_33] : memref<20480x64xf32, #tpu.memory_space<vmem_shared>> -> memref<1280x64xf32, #tpu.memory_space<vmem_shared>>
      tpu.enqueue_dma source(%dma_start3A_34 : memref<1280x64xf32, #tpu.memory_space<vmem_shared>>) target(%dma_start3A_32 : memref<1280x64xf32, #tpu.memory_space<hbm>>) target_semaphore(%run_scoped3A : memref<!tpu.dma_semaphore, #tpu.memory_space<semaphore_mem>>)
      %dma_wait3A = arith.constant 0 : i32
      %dma_wait3A_35 = tpu.memref_slice %arg8[%add3A_30, %dma_wait3A] : memref<40960x64xf32, #tpu.memory_space<hbm>> -> memref<1280x64xf32, #tpu.memory_space<hbm>>
      %dma_wait3A_36 = arith.constant 0 : i32
      %dma_wait3A_37 = tpu.memref_slice %arg9[%mul3A_25, %dma_wait3A_36] : memref<20480x64xf32, #tpu.memory_space<vmem_shared>> -> memref<1280x64xf32, #tpu.memory_space<vmem_shared>>
      tpu.wait_dma2 semaphore(%run_scoped3A : memref<!tpu.dma_semaphore, #tpu.memory_space<semaphore_mem>>) src(%dma_wait3A_37 : memref<1280x64xf32, #tpu.memory_space<vmem_shared>>) dst(%dma_wait3A_35 : memref<1280x64xf32, #tpu.memory_space<hbm>>)
      tpu.yield
    }) : () -> ()
    %barrier3A_31 = arith.constant 0 : index
    tpu.barrier barrier_id(%barrier3A_31)
    return
  }
}

module attributes {stable_mosaic.version = 14 : i64} {
  func.func @_table_body(%arg0: i32, %arg1: memref<256x128xf32, #tpu.memory_space<vmem>>, %arg2: memref<2x128x128xf32, #tpu.memory_space<vmem>>, %arg3: memref<4x256xf32, #tpu.memory_space<vmem>>, %arg4: memref<2x2x256x64xf32, #tpu.memory_space<vmem>>, %arg5: memref<2x256xf32, #tpu.memory_space<vmem>>) attributes {dimension_semantics = [#tpu.dimension_semantics<arbitrary>], iteration_bounds = array<i64: 40>, scalar_prefetch = 0 : i64, scratch_operands = 0 : i64, tpu.core_type = #tpu.core_type<tc>, window_params = [{transform_indices = @transform_0, window_bounds = array<i64: 256, 128>}, {pipeline_mode = #tpu.pipeline_mode<synchronous>, transform_indices = @transform_1, window_bounds = array<i64: 2, 128, 128>}, {transform_indices = @transform_2, window_bounds = array<i64: 4, 256>}, {transform_indices = @transform_3, window_bounds = array<i64: 2, 2, 256, 64>}, {transform_indices = @transform_4, window_bounds = array<i64: 2, 256>}]} {
    %get3A = arith.constant 0 : index
    %get3A_0 = arith.constant 0 : index
    %get3A_1 = vector.load %arg1[%get3A, %get3A_0] : memref<256x128xf32, #tpu.memory_space<vmem>>, vector<256x128xf32>
    %get3A_2 = arith.constant 0 : index
    %get3A_3 = arith.constant 0 : index
    %get3A_4 = vector.load %arg3[%get3A_2, %get3A_3] : memref<4x256xf32, #tpu.memory_space<vmem>>, vector<1x256xf32>
    %get3A_5 = vector.shape_cast %get3A_4 : vector<1x256xf32> to vector<256xf32>
    %get3A_6 = arith.constant 2 : index
    %get3A_7 = arith.constant 0 : index
    %get3A_8 = vector.load %arg3[%get3A_6, %get3A_7] : memref<4x256xf32, #tpu.memory_space<vmem>>, vector<1x256xf32>
    %get3A_9 = vector.shape_cast %get3A_8 : vector<1x256xf32> to vector<256xf32>
    %add3A = arith.addf %get3A_5, %get3A_9 : vector<256xf32>
    %max3A = arith.constant 1.000000e+00 : f32
    %max3A_10 = vector.broadcast %max3A : f32 to vector<256xf32>
    %max3A_11 = arith.maximumf %add3A, %max3A_10 : vector<256xf32>
    %rsqrt3A = math.rsqrt %max3A_11 : vector<256xf32>
    %swap3A = arith.constant 0 : index
    %swap3A_12 = arith.constant 0 : index
    %swap3A_13 = vector.load %arg5[%swap3A, %swap3A_12] : memref<2x256xf32, #tpu.memory_space<vmem>>, vector<1x256xf32>
    %swap3A_14 = vector.shape_cast %swap3A_13 : vector<1x256xf32> to vector<256xf32>
    %swap3A_15 = vector.shape_cast %rsqrt3A : vector<256xf32> to vector<1x256xf32>
    tpu.vector_store %arg5[%swap3A, %swap3A_12], %swap3A_15 {strides = array<i32>} : memref<2x256xf32, #tpu.memory_space<vmem>>, vector<1x256xf32>,
    %get3A_16 = arith.constant 0 : index
    %get3A_17 = arith.constant 0 : index
    %get3A_18 = arith.constant 0 : index
    %get3A_19 = vector.load %arg2[%get3A_16, %get3A_17, %get3A_18] : memref<2x128x128xf32, #tpu.memory_space<vmem>>, vector<1x128x128xf32>
    %get3A_20 = vector.shape_cast %get3A_19 : vector<1x128x128xf32> to vector<128x128xf32>
    %dot_general3A = arith.constant dense<0.000000e+00> : vector<256x128xf32>
    %dot_general3A_21 = tpu.matmul %get3A_1, %get3A_20, %dot_general3A {dimension_numbers = #tpu.dot_dimension_numbers<[1], [0], [0], [1], [0, 0, 1, 1], [], []>, transpose_lhs_hint = false} : vector<256x128xf32>, vector<128x128xf32>, vector<256x128xf32> -> vector<256x128xf32>
    %broadcast_in_dim3A = vector.shape_cast %rsqrt3A : vector<256xf32> to vector<256x1xf32>
    %mul3A = vector.broadcast %broadcast_in_dim3A : vector<256x1xf32> to vector<256x128xf32>
    %mul3A_22 = arith.mulf %dot_general3A_21, %mul3A : vector<256x128xf32>
    %slice3A = vector.extract_strided_slice %mul3A_22 {offsets = [0, 0], sizes = [256, 64], strides = [1, 1]} : vector<256x128xf32> to vector<256x64xf32>
    %swap3A_23 = arith.constant 0 : index
    %swap3A_24 = arith.constant 0 : index
    %swap3A_25 = arith.constant 0 : index
    %swap3A_26 = arith.constant 0 : index
    %swap3A_27 = vector.load %arg4[%swap3A_23, %swap3A_24, %swap3A_25, %swap3A_26] : memref<2x2x256x64xf32, #tpu.memory_space<vmem>>, vector<1x1x256x64xf32>
    %swap3A_28 = vector.shape_cast %swap3A_27 : vector<1x1x256x64xf32> to vector<256x64xf32>
    %swap3A_29 = vector.shape_cast %slice3A : vector<256x64xf32> to vector<1x1x256x64xf32>
    tpu.vector_store %arg4[%swap3A_23, %swap3A_24, %swap3A_25, %swap3A_26], %swap3A_29 {strides = array<i32>} : memref<2x2x256x64xf32, #tpu.memory_space<vmem>>, vector<1x1x256x64xf32>,
    %slice3A_30 = vector.extract_strided_slice %mul3A_22 {offsets = [0, 64], sizes = [256, 64], strides = [1, 1]} : vector<256x128xf32> to vector<256x64xf32>
    %swap3A_31 = arith.constant 1 : index
    %swap3A_32 = arith.constant 0 : index
    %swap3A_33 = arith.constant 0 : index
    %swap3A_34 = arith.constant 0 : index
    %swap3A_35 = vector.load %arg4[%swap3A_31, %swap3A_32, %swap3A_33, %swap3A_34] : memref<2x2x256x64xf32, #tpu.memory_space<vmem>>, vector<1x1x256x64xf32>
    %swap3A_36 = vector.shape_cast %swap3A_35 : vector<1x1x256x64xf32> to vector<256x64xf32>
    %swap3A_37 = vector.shape_cast %slice3A_30 : vector<256x64xf32> to vector<1x1x256x64xf32>
    tpu.vector_store %arg4[%swap3A_31, %swap3A_32, %swap3A_33, %swap3A_34], %swap3A_37 {strides = array<i32>} : memref<2x2x256x64xf32, #tpu.memory_space<vmem>>, vector<1x1x256x64xf32>,
    %get3A_38 = arith.constant 1 : index
    %get3A_39 = arith.constant 0 : index
    %get3A_40 = vector.load %arg3[%get3A_38, %get3A_39] : memref<4x256xf32, #tpu.memory_space<vmem>>, vector<1x256xf32>
    %get3A_41 = vector.shape_cast %get3A_40 : vector<1x256xf32> to vector<256xf32>
    %get3A_42 = arith.constant 3 : index
    %get3A_43 = arith.constant 0 : index
    %get3A_44 = vector.load %arg3[%get3A_42, %get3A_43] : memref<4x256xf32, #tpu.memory_space<vmem>>, vector<1x256xf32>
    %get3A_45 = vector.shape_cast %get3A_44 : vector<1x256xf32> to vector<256xf32>
    %add3A_46 = arith.addf %get3A_41, %get3A_45 : vector<256xf32>
    %max3A_47 = arith.constant 1.000000e+00 : f32
    %max3A_48 = vector.broadcast %max3A_47 : f32 to vector<256xf32>
    %max3A_49 = arith.maximumf %add3A_46, %max3A_48 : vector<256xf32>
    %rsqrt3A_50 = math.rsqrt %max3A_49 : vector<256xf32>
    %swap3A_51 = arith.constant 1 : index
    %swap3A_52 = arith.constant 0 : index
    %swap3A_53 = vector.load %arg5[%swap3A_51, %swap3A_52] : memref<2x256xf32, #tpu.memory_space<vmem>>, vector<1x256xf32>
    %swap3A_54 = vector.shape_cast %swap3A_53 : vector<1x256xf32> to vector<256xf32>
    %swap3A_55 = vector.shape_cast %rsqrt3A_50 : vector<256xf32> to vector<1x256xf32>
    tpu.vector_store %arg5[%swap3A_51, %swap3A_52], %swap3A_55 {strides = array<i32>} : memref<2x256xf32, #tpu.memory_space<vmem>>, vector<1x256xf32>,
    %get3A_56 = arith.constant 1 : index
    %get3A_57 = arith.constant 0 : index
    %get3A_58 = arith.constant 0 : index
    %get3A_59 = vector.load %arg2[%get3A_56, %get3A_57, %get3A_58] : memref<2x128x128xf32, #tpu.memory_space<vmem>>, vector<1x128x128xf32>
    %get3A_60 = vector.shape_cast %get3A_59 : vector<1x128x128xf32> to vector<128x128xf32>
    %dot_general3A_61 = arith.constant dense<0.000000e+00> : vector<256x128xf32>
    %dot_general3A_62 = tpu.matmul %get3A_1, %get3A_60, %dot_general3A_61 {dimension_numbers = #tpu.dot_dimension_numbers<[1], [0], [0], [1], [0, 0, 1, 1], [], []>, transpose_lhs_hint = false} : vector<256x128xf32>, vector<128x128xf32>, vector<256x128xf32> -> vector<256x128xf32>
    %broadcast_in_dim3A_63 = vector.shape_cast %rsqrt3A_50 : vector<256xf32> to vector<256x1xf32>
    %mul3A_64 = vector.broadcast %broadcast_in_dim3A_63 : vector<256x1xf32> to vector<256x128xf32>
    %mul3A_65 = arith.mulf %dot_general3A_62, %mul3A_64 : vector<256x128xf32>
    %slice3A_66 = vector.extract_strided_slice %mul3A_65 {offsets = [0, 0], sizes = [256, 64], strides = [1, 1]} : vector<256x128xf32> to vector<256x64xf32>
    %swap3A_67 = arith.constant 0 : index
    %swap3A_68 = arith.constant 1 : index
    %swap3A_69 = arith.constant 0 : index
    %swap3A_70 = arith.constant 0 : index
    %swap3A_71 = vector.load %arg4[%swap3A_67, %swap3A_68, %swap3A_69, %swap3A_70] : memref<2x2x256x64xf32, #tpu.memory_space<vmem>>, vector<1x1x256x64xf32>
    %swap3A_72 = vector.shape_cast %swap3A_71 : vector<1x1x256x64xf32> to vector<256x64xf32>
    %swap3A_73 = vector.shape_cast %slice3A_66 : vector<256x64xf32> to vector<1x1x256x64xf32>
    tpu.vector_store %arg4[%swap3A_67, %swap3A_68, %swap3A_69, %swap3A_70], %swap3A_73 {strides = array<i32>} : memref<2x2x256x64xf32, #tpu.memory_space<vmem>>, vector<1x1x256x64xf32>,
    %slice3A_74 = vector.extract_strided_slice %mul3A_65 {offsets = [0, 64], sizes = [256, 64], strides = [1, 1]} : vector<256x128xf32> to vector<256x64xf32>
    %swap3A_75 = arith.constant 1 : index
    %swap3A_76 = arith.constant 1 : index
    %swap3A_77 = arith.constant 0 : index
    %swap3A_78 = arith.constant 0 : index
    %swap3A_79 = vector.load %arg4[%swap3A_75, %swap3A_76, %swap3A_77, %swap3A_78] : memref<2x2x256x64xf32, #tpu.memory_space<vmem>>, vector<1x1x256x64xf32>
    %swap3A_80 = vector.shape_cast %swap3A_79 : vector<1x1x256x64xf32> to vector<256x64xf32>
    %swap3A_81 = vector.shape_cast %slice3A_74 : vector<256x64xf32> to vector<1x1x256x64xf32>
    tpu.vector_store %arg4[%swap3A_75, %swap3A_76, %swap3A_77, %swap3A_78], %swap3A_81 {strides = array<i32>} : memref<2x2x256x64xf32, #tpu.memory_space<vmem>>, vector<1x1x256x64xf32>,
    return
  }
  func.func @transform_0(%arg0: i32) -> (i32, i32) {
    %c0_i32 = arith.constant 0 : i32
    %c0_i32_0 = arith.constant 0 : i32
    return %arg0, %c0_i32 : i32, i32
  }
  func.func @transform_1(%arg0: i32) -> (i32, i32, i32) {
    %c0_i32 = arith.constant 0 : i32
    %c0_i32_0 = arith.constant 0 : i32
    %c0_i32_1 = arith.constant 0 : i32
    %c0_i32_2 = arith.constant 0 : i32
    return %c0_i32, %c0_i32_0, %c0_i32_1 : i32, i32, i32
  }
  func.func @transform_2(%arg0: i32) -> (i32, i32) {
    %c0_i32 = arith.constant 0 : i32
    %c0_i32_0 = arith.constant 0 : i32
    return %c0_i32, %arg0 : i32, i32
  }
  func.func @transform_3(%arg0: i32) -> (i32, i32, i32, i32) {
    %c0_i32 = arith.constant 0 : i32
    %c0_i32_0 = arith.constant 0 : i32
    %c0_i32_1 = arith.constant 0 : i32
    %c0_i32_2 = arith.constant 0 : i32
    return %c0_i32, %c0_i32_0, %arg0, %c0_i32_1 : i32, i32, i32, i32
  }
  func.func @transform_4(%arg0: i32) -> (i32, i32) {
    %c0_i32 = arith.constant 0 : i32
    %c0_i32_0 = arith.constant 0 : i32
    return %c0_i32, %arg0 : i32, i32
  }
}

module attributes {stable_mosaic.version = 14 : i64} {
  func.func @_proj_body(%arg0: i32, %arg1: memref<2x2x256x64xf32, #tpu.memory_space<vmem>>, %arg2: memref<2x256xf32, #tpu.memory_space<vmem>>, %arg3: memref<256x128xf32, #tpu.memory_space<vmem>>, %arg4: memref<1x128xf32, #tpu.memory_space<vmem>>, %arg5: memref<256x128xf32, #tpu.memory_space<vmem>>) attributes {dimension_semantics = [#tpu.dimension_semantics<arbitrary>], iteration_bounds = array<i64: 40>, scalar_prefetch = 0 : i64, scratch_operands = 0 : i64, tpu.core_type = #tpu.core_type<tc>, window_params = [{transform_indices = @transform_0, window_bounds = array<i64: 2, 2, 256, 64>}, {transform_indices = @transform_1, window_bounds = array<i64: 2, 256>}, {pipeline_mode = #tpu.pipeline_mode<synchronous>, transform_indices = @transform_2, window_bounds = array<i64: 256, 128>}, {pipeline_mode = #tpu.pipeline_mode<synchronous>, transform_indices = @transform_3, window_bounds = array<i64: 1, 128>}, {transform_indices = @transform_4, window_bounds = array<i64: 256, 128>}]} {
    %get3A = arith.constant 0 : index
    %get3A_0 = arith.constant 0 : index
    %get3A_1 = vector.load %arg2[%get3A, %get3A_0] : memref<2x256xf32, #tpu.memory_space<vmem>>, vector<1x256xf32>
    %get3A_2 = vector.shape_cast %get3A_1 : vector<1x256xf32> to vector<256xf32>
    %broadcast_in_dim3A = vector.shape_cast %get3A_2 : vector<256xf32> to vector<256x1xf32>
    %get3A_3 = arith.constant 0 : index
    %get3A_4 = arith.constant 0 : index
    %get3A_5 = arith.constant 0 : index
    %get3A_6 = arith.constant 0 : index
    %get3A_7 = vector.load %arg1[%get3A_3, %get3A_4, %get3A_5, %get3A_6] : memref<2x2x256x64xf32, #tpu.memory_space<vmem>>, vector<1x1x256x64xf32>
    %get3A_8 = vector.shape_cast %get3A_7 : vector<1x1x256x64xf32> to vector<256x64xf32>
    %max3A = arith.constant 0.000000e+00 : f32
    %max3A_9 = vector.broadcast %max3A : f32 to vector<256x64xf32>
    %max3A_10 = arith.maximumf %get3A_8, %max3A_9 : vector<256x64xf32>
    %mul3A = vector.broadcast %broadcast_in_dim3A : vector<256x1xf32> to vector<256x64xf32>
    %mul3A_11 = arith.mulf %max3A_10, %mul3A : vector<256x64xf32>
    %get3A_12 = arith.constant 1 : index
    %get3A_13 = arith.constant 0 : index
    %get3A_14 = arith.constant 0 : index
    %get3A_15 = arith.constant 0 : index
    %get3A_16 = vector.load %arg1[%get3A_12, %get3A_13, %get3A_14, %get3A_15] : memref<2x2x256x64xf32, #tpu.memory_space<vmem>>, vector<1x1x256x64xf32>
    %get3A_17 = vector.shape_cast %get3A_16 : vector<1x1x256x64xf32> to vector<256x64xf32>
    %max3A_18 = arith.constant 0.000000e+00 : f32
    %max3A_19 = vector.broadcast %max3A_18 : f32 to vector<256x64xf32>
    %max3A_20 = arith.maximumf %get3A_17, %max3A_19 : vector<256x64xf32>
    %mul3A_21 = vector.broadcast %broadcast_in_dim3A : vector<256x1xf32> to vector<256x64xf32>
    %mul3A_22 = arith.mulf %max3A_20, %mul3A_21 : vector<256x64xf32>
    %get3A_23 = arith.constant 1 : index
    %get3A_24 = arith.constant 0 : index
    %get3A_25 = vector.load %arg2[%get3A_23, %get3A_24] : memref<2x256xf32, #tpu.memory_space<vmem>>, vector<1x256xf32>
    %get3A_26 = vector.shape_cast %get3A_25 : vector<1x256xf32> to vector<256xf32>
    %broadcast_in_dim3A_27 = vector.shape_cast %get3A_26 : vector<256xf32> to vector<256x1xf32>
    %get3A_28 = arith.constant 0 : index
    %get3A_29 = arith.constant 1 : index
    %get3A_30 = arith.constant 0 : index
    %get3A_31 = arith.constant 0 : index
    %get3A_32 = vector.load %arg1[%get3A_28, %get3A_29, %get3A_30, %get3A_31] : memref<2x2x256x64xf32, #tpu.memory_space<vmem>>, vector<1x1x256x64xf32>
    %get3A_33 = vector.shape_cast %get3A_32 : vector<1x1x256x64xf32> to vector<256x64xf32>
    %max3A_34 = arith.constant 0.000000e+00 : f32
    %max3A_35 = vector.broadcast %max3A_34 : f32 to vector<256x64xf32>
    %max3A_36 = arith.maximumf %get3A_33, %max3A_35 : vector<256x64xf32>
    %mul3A_37 = vector.broadcast %broadcast_in_dim3A_27 : vector<256x1xf32> to vector<256x64xf32>
    %mul3A_38 = arith.mulf %max3A_36, %mul3A_37 : vector<256x64xf32>
    %get3A_39 = arith.constant 1 : index
    %get3A_40 = arith.constant 1 : index
    %get3A_41 = arith.constant 0 : index
    %get3A_42 = arith.constant 0 : index
    %get3A_43 = vector.load %arg1[%get3A_39, %get3A_40, %get3A_41, %get3A_42] : memref<2x2x256x64xf32, #tpu.memory_space<vmem>>, vector<1x1x256x64xf32>
    %get3A_44 = vector.shape_cast %get3A_43 : vector<1x1x256x64xf32> to vector<256x64xf32>
    %max3A_45 = arith.constant 0.000000e+00 : f32
    %max3A_46 = vector.broadcast %max3A_45 : f32 to vector<256x64xf32>
    %max3A_47 = arith.maximumf %get3A_44, %max3A_46 : vector<256x64xf32>
    %mul3A_48 = vector.broadcast %broadcast_in_dim3A_27 : vector<256x1xf32> to vector<256x64xf32>
    %mul3A_49 = arith.mulf %max3A_47, %mul3A_48 : vector<256x64xf32>
    %concatenate3A = tpu.concatenate %mul3A_11, %mul3A_22, %mul3A_38, %mul3A_49 in 1 : vector<256x64xf32>, vector<256x64xf32>, vector<256x64xf32>, vector<256x64xf32> -> vector<256x256xf32>
    %get3A_50 = arith.constant 0 : index
    %get3A_51 = arith.constant 0 : index
    %get3A_52 = vector.load %arg3[%get3A_50, %get3A_51] : memref<256x128xf32, #tpu.memory_space<vmem>>, vector<256x128xf32>
    %dot_general3A = arith.constant dense<0.000000e+00> : vector<256x128xf32>
    %dot_general3A_53 = tpu.matmul %concatenate3A, %get3A_52, %dot_general3A {dimension_numbers = #tpu.dot_dimension_numbers<[1], [0], [0], [1], [0, 0, 1, 1], [], []>, transpose_lhs_hint = false} : vector<256x256xf32>, vector<256x128xf32>, vector<256x128xf32> -> vector<256x128xf32>
    %get3A_54 = arith.constant 0 : index
    %get3A_55 = arith.constant 0 : index
    %get3A_56 = vector.load %arg4[%get3A_54, %get3A_55] : memref<1x128xf32, #tpu.memory_space<vmem>>, vector<1x128xf32>
    %add3A = vector.broadcast %get3A_56 : vector<1x128xf32> to vector<256x128xf32>
    %add3A_57 = arith.addf %dot_general3A_53, %add3A : vector<256x128xf32>
    %max3A_58 = arith.constant 0.000000e+00 : f32
    %max3A_59 = vector.broadcast %max3A_58 : f32 to vector<256x128xf32>
    %max3A_60 = arith.maximumf %add3A_57, %max3A_59 : vector<256x128xf32>
    %swap3A = arith.constant 0 : index
    %swap3A_61 = arith.constant 0 : index
    %swap3A_62 = vector.load %arg5[%swap3A, %swap3A_61] : memref<256x128xf32, #tpu.memory_space<vmem>>, vector<256x128xf32>
    tpu.vector_store %arg5[%swap3A, %swap3A_61], %max3A_60 {strides = array<i32>} : memref<256x128xf32, #tpu.memory_space<vmem>>, vector<256x128xf32>,
    return
  }
  func.func @transform_0(%arg0: i32) -> (i32, i32, i32, i32) {
    %c0_i32 = arith.constant 0 : i32
    %c0_i32_0 = arith.constant 0 : i32
    %c0_i32_1 = arith.constant 0 : i32
    %c0_i32_2 = arith.constant 0 : i32
    return %c0_i32, %c0_i32_0, %arg0, %c0_i32_1 : i32, i32, i32, i32
  }
  func.func @transform_1(%arg0: i32) -> (i32, i32) {
    %c0_i32 = arith.constant 0 : i32
    %c0_i32_0 = arith.constant 0 : i32
    return %c0_i32, %arg0 : i32, i32
  }
  func.func @transform_2(%arg0: i32) -> (i32, i32) {
    %c0_i32 = arith.constant 0 : i32
    %c0_i32_0 = arith.constant 0 : i32
    %c0_i32_1 = arith.constant 0 : i32
    return %c0_i32, %c0_i32_0 : i32, i32
  }
  func.func @transform_3(%arg0: i32) -> (i32, i32) {
    %c0_i32 = arith.constant 0 : i32
    %c0_i32_0 = arith.constant 0 : i32
    %c0_i32_1 = arith.constant 0 : i32
    return %c0_i32, %c0_i32_0 : i32, i32
  }
  func.func @transform_4(%arg0: i32) -> (i32, i32) {
    %c0_i32 = arith.constant 0 : i32
    %c0_i32_0 = arith.constant 0 : i32
    return %arg0, %c0_i32 : i32, i32
  }
}

</mosaic_0001>

<sc_bundles>
// kernel: kernel.12.cloned.1.call-start
scs
__scs_entry_jumppad:
0x0: {  	(pc) =	sbr.rel $0x88, $3  }
0x1: {  	(tag) =	ssettag $0x0;
	lr =	simm.s32 $0x1  }
0x2: {  	[smem:$0x3F96] =	sst lr;
	_ =	strace $0xD0000000  }
0x3: {  	_ = 	snop  }
0x4: {  	_ = 	snop  }
0x5: {  	_ = 	snop  }
0x6: {  	_ = 	snop  }
0x7: {  	_ = 	snop  }
__scs_overlays_trampoline_lowered:
0x8: {  	[smem:$0x3FA5] =	sst s0  }
0x9: {  	[smem:$0x3FA6] =	sst s1  }
0xa: {  	[smem:$0x3FA7] =	sst s2  }
0xb: {  	[smem:$0x3FA8] =	sst s3  }
0xc: {  	[smem:$0x3FA9] =	sst s4  }
0xd: {  	[smem:$0x3FAA] =	sst s5  }
0xe: {  	[smem:$0x3FAB] =	sst s6  }
0xf: {  	[smem:$0x3FAC] =	sst s7  }
0x10: {  	[smem:$0x3FAD] =	sst s8  }
0x11: {  	[smem:$0x3FAE] =	sst s9;
	s0 =	simm.s32 @!p0 $0x0  }
0x12: {  	s1 =	sld [smem:$0x3F94];
	s0 =	simm.s32 @p0 $0x1  }
0x13: {  	[smem:$0x3FAF] =	sst s0;
	s0 =	simm.s32 @!p1 $0x0  }
0x14: {  	s2 =	sld [smem:$0x3F93];
	s0 =	simm.s32 @p1 $0x1  }
0x15: {  	[smem:$0x3FB0] =	sst s0;
	s0 =	simm.s32 @!p2 $0x0  }
0x16: {  	s3 =	sld [smem:$0x3FDB];
	s0 =	simm.s32 @p2 $0x1  }
0x17: {  	s4 =	simm.s32 $0x1BF5;
	[smem:$0x3FB2] =	sst s0  }
0x18: {  	s0 =	sld [smem:$0x3F95];
	_ =	swait.ge [sflag:s4], $0x0  }
0x19: {  	s7 =	sld [smem:$0x3F96]  }
0x1a: {  	s8 =	sadd.s32 $0xFFFFE003, lr  }
0x1b: {  	s9 =	sadd.s32 $0xFFFFFEF7, lr;
	s5 =	simm.s32 $0xFFFFFFFF;
	p2 =	slt.u32 s8, $0xFFFFF086  }
0x1c: {  	p1 =	slt.u32 s9, $0xF7A;
	s5 =	simm.s32 @!p2 $0x0  }
0x1d: {  	s5 =	simm.s32 @p1 $0x1;
	p0 =	seq.s32 s7, s2  }
0x1e: {  	s7 =	smul.u32 @!p0 $0xF7A, s2;
	p2 =	seq.s32 @!p0 s5, $0x0  }
0x1f: {  	s9 =	smul.u32 $0xF7A, s1;
	s8 =	simm.s32 @!p0 $0x1BF5;
	p2 =	por !p2, p0  }
0x20: {  	[sflag:s8] =	ssyncset.s32 @!p0 $0xFFFFF086;
	s6 =	sadd.s32 @!p0 s3, s7;
	s7 =	simm.s32 @!p0 $0x108  }
0x21: {  	s3 =	sadd.s32 s3, s9;
	s6 =	sadd.s32 @!p0 $0x88, s6;
	s7 =	simm.s32 @p2 $0x1082  }
0x22: {  	[simem:s7], [sflag:s8] =	dma.local @!p0 [hbm:s6], $0xF7A  }
0x23: {  	s9 =	sor.u32 $0xD0000000, s2;
	s6 =	simm.s32 $0x108;
	_ =	swait.ge @!p0 [sflag:s8], $0x0  }
0x24: {  	s3 =	sadd.s32 $0x88, s3;
	s6 =	simm.s32 @!p1 $0x1082;
	[sflag:s4] =	ssyncset.s32 $0xFFFFF086  }
0x25: {  	[simem:s6], [sflag:s4] =	dma.local [hbm:s3], $0xF7A  }
0x26: {  	[smem:$0x3F96] =	sst s1;
	(tag) =	ssettag s2;
	_ =	strace s9  }
0x27: {  	s1 =	sld [smem:$0x3FA6]  }
0x28: {  	s2 =	sld [smem:$0x3FA7]  }
0x29: {  	s4 =	sld [smem:$0x3FA9]  }
0x2a: {  	p0 =	seq.s32 s5, $0x0;
	s5 =	sld [smem:$0x3FAA]  }
0x2b: {  	s6 =	sld [smem:$0x3FAB]  }
0x2c: {  	s7 =	sld [smem:$0x3FAC]  }
0x2d: {  	s3 =	simm.s32 $0x108;
	s8 =	sld [smem:$0x3FAD]  }
0x2e: {  	s3 =	simm.s32 @!p0 $0x1082;
	s9 =	sld [smem:$0x3FAE]  }
0x2f: {  	lr =	sadd.s32 s0, s3;
	s0 =	sld [smem:$0x3FA5]  }
0x30: {  	s3 =	sld [smem:$0x3FA8]  }
0x31: {  	[smem:$0x3FB1] =	sst s10  }
0x32: {  	s10 =	sld [smem:$0x3FAF];
	_ =	sdelay $0x3  }
0x33: {  	p0 =	seq.s32 s10, $0x1;
	s10 =	sld [smem:$0x3FB1];
	_ =	sdelay $0x3  }
0x34: {  	[smem:$0x3FB1] =	sst s10  }
0x35: {  	s10 =	sld [smem:$0x3FB0];
	_ =	sdelay $0x3  }
0x36: {  	p1 =	seq.s32 s10, $0x1;
	s10 =	sld [smem:$0x3FB1];
	_ =	sdelay $0x3  }
0x37: {  	[smem:$0x3FB1] =	sst s10  }
0x38: {  	s10 =	sld [smem:$0x3FB2]  }
0x39: {  	_ = 	snop;
	(pc) =	sbr.ind lr, $3  }
0x3a: {  	_ = 	snop  }
0x3b: {  	_ = 	snop  }
0x3c: {  	p2 =	seq.s32 s10, $0x1;
	s10 =	sld [smem:$0x3FB1]  }
0x3d: {  	_ =	shalt  }
0x3e: {  	_ =	shalt  }
0x3f: {  	_ =	shalt  }
0x40: {  	_ =	shalt  }
0x41: {  	_ =	shalt  }
0x42: {  	_ =	shalt  }
0x43: {  	_ =	shalt  }
0x44: {  	_ =	shalt  }
0x45: {  	_ =	shalt  }
0x46: {  	_ =	shalt  }
0x47: {  	_ =	shalt  }
0x48: {  	_ =	shalt  }
0x49: {  	_ =	shalt  }
0x4a: {  	_ =	shalt  }
0x4b: {  	_ =	shalt  }
0x4c: {  	_ =	shalt  }
0x4d: {  	_ =	shalt  }
0x4e: {  	_ =	shalt  }
0x4f: {  	_ =	shalt  }
0x50: {  	_ =	shalt  }
0x51: {  	_ =	shalt  }
0x52: {  	_ =	shalt  }
0x53: {  	_ =	shalt  }
0x54: {  	_ =	shalt  }
0x55: {  	_ =	shalt  }
0x56: {  	_ =	shalt  }
0x57: {  	_ =	shalt  }
0x58: {  	_ =	shalt  }
0x59: {  	_ =	shalt  }
0x5a: {  	_ =	shalt  }
0x5b: {  	_ =	shalt  }
0x5c: {  	_ =	shalt  }
0x5d: {  	_ =	shalt  }
0x5e: {  	_ =	shalt  }
0x5f: {  	_ =	shalt  }
0x60: {  	_ =	shalt  }
0x61: {  	_ =	shalt  }
0x62: {  	_ =	shalt  }
0x63: {  	_ =	shalt  }
0x64: {  	_ =	shalt  }
0x65: {  	_ =	shalt  }
0x66: {  	_ =	shalt  }
0x67: {  	_ =	shalt  }
0x68: {  	_ =	shalt  }
0x69: {  	_ =	shalt  }
0x6a: {  	_ =	shalt  }
0x6b: {  	_ =	shalt  }
0x6c: {  	_ =	shalt  }
0x6d: {  	_ =	shalt  }
0x6e: {  	_ =	shalt  }
0x6f: {  	_ =	shalt  }
0x70: {  	_ =	shalt  }
0x71: {  	_ =	shalt  }
0x72: {  	_ =	shalt  }
0x73: {  	_ =	shalt  }
0x74: {  	_ =	shalt  }
0x75: {  	_ =	shalt  }
0x76: {  	_ =	shalt  }
0x77: {  	_ =	shalt  }
0x78: {  	_ =	shalt  }
0x79: {  	_ =	shalt  }
0x7a: {  	_ =	shalt  }
0x7b: {  	_ =	shalt  }
0x7c: {  	_ =	shalt  }
0x7d: {  	_ =	shalt  }
0x7e: {  	_ =	shalt  }
0x7f: {  	_ =	shalt  }
0x80: {  	_ =	shalt  }
0x81: {  	_ =	shalt  }
0x82: {  	_ =	shalt  }
0x83: {  	_ =	shalt  }
0x84: {  	_ =	shalt  }
0x85: {  	_ =	shalt  }
0x86: {  	_ =	shalt  }
0x87: {  	_ =	shalt  }
.Lfunc_end0:
.L_simem_size_0:
called_computation.1_lowered:
.L_overlay_start_0:
0x88: {  	s2 =	sld [smem:$0x3FD9]  }
0x89: {  	s3 =	sld [smem:$0x3FFE];
	_ =	sdelay $0x1  }
0x8a: {  	s1 =	srdreg.scid  }
0x8b: {  	s0 =	sand.u32 $0x1, s1  }
0x8c: {  	s14 =	sshll.u32 s0, $0xA;
	s2 =	sadd.s32 s3, s2  }
0x8d: {  	s2 =	sadd.s32 s2, s14  }
0x8e: {  	[smem:$0x3FBD] =	sst s2  }
0x8f: {  	_ = 	snop  }
0x90: {  	s2 =	sld [smem:$0x3FD0];
	_ =	sdelay $0x2  }
0x91: {  	s15 =	simm.s32 $0xA;
	s4 =	simm.s32 $0x10  }
0x92: {  	[smem:s4], [sflag:s15] =	dma.local [hbm:s2], $0x1  }
0x93: {  	_ =	swait.eq [sflag:s15], $0x1  }
0x94: {  	[sflag:s15] =	ssyncset.done $0x0  }
0x95: {  	s16 =	sld [smem:$0x11];
	[sflag:s15] =	ssyncadd.s32 $0xFFFFFFFF  }
0x96: {  	s17 =	sld [smem:$0x12];
	(tm) =	ssettm $0x1  }
0x97: {  	s18 =	sld [smem:$0x3FFB];
	_ =	sdelay $0x3  }
0x98: {  	_ =	strace s18  }
0x99: {  	s4 =	sld [smem:$0x3FFC];
	_ =	sdelay $0x3  }
0x9a: {  	_ =	strace s4  }
0x9b: {  	s4 =	sld [smem:$0x3FFD];
	_ =	sdelay $0x3  }
0x9c: {  	_ =	strace s4  }
0x9d: {  	_ =	strace $0x8FFFFFFF  }
0x9e: {  	s19 =	sld [smem:$0x3FDB];
	_ =	sdelay $0x1  }
0x9f: {  	s5 =	simm.s32 $_scs_section_size  }
0xa0: {  	s6 =	simm.s32 $_size__tile_overlayer_lowered;
	s7 =	simm.s32 $_tile_overlayer_lowered  }
0xa1: {  	s22 =	simm.s32 $0x1BFF;
	s21 =	sshll.u32 s7, $0x1;
	s4 =	sadd.s32 s5, s19  }
0xa2: {  	s8 =	simm.s32 $0x0;
	s20 =	sshll.u32 s6, $0x1;
	s6 =	sadd.s32 s21, s4  }
0xa3: {  	[timem:s8], [sflag:s22] =	dma.local [hbm:s6], s20  }
0xa4: {  	_ =	swait.ge [sflag:s22], s20  }
0xa5: {  	s5 =	ssub.s32 $0x0, s20;
	[sflag:s22] =	ssyncset.done $0x0  }
0xa6: {  	[sflag:s22] =	ssyncadd.s32 s5;
	_ =	sdelay $0x1  }
0xa7: {  	s23 =	simm.s32 $0x1B8B  }
0xa8: {  	_ =	swait.ge [sflag:s23], $0x1  }
0xa9: {  	[sflag:s23] =	ssyncset.done $0x0  }
0xaa: {  	s25 =	simm.s32 $0x1B8E;
	s24 =	sld [smem:$0x3FFE];
	[sflag:s23] =	ssyncadd.s32 $0xFFFFFFFF  }
0xab: {  	s26 =	simm.s32 $execute0_lowered;
	[smem:$0x3FD2] =	sst s25  }
0xac: {  	s6 =	sshll.u32 s26, $0x1;
	_ =	strace $0x80000049;
	[dreg:$0x1] =	wrdreg $0xFFFFFFFF  }
0xad: {  	s28 =	simm.s32 $_size_execute0_lowered;
	s4 =	sadd.s32 s4, s6;
	[dreg:$0x0] =	wrdreg $0x0  }
0xae: {  	s6 =	sshll.u32 s28, $0x1;
	[dreg:$0x2] =	wrdreg s4  }
0xaf: {  	[dreg:$0x3] =	wrdreg s6  }
0xb0: {  	[dreg:$0x4] =	wrdreg $0xC0  }
0xb1: {  	_ =	task [dreg:s8], $0x5FFFF  }
0xb2: {  	[dreg:$0x1] =	wrdreg $0xFFFFFFFF  }
0xb3: {  	[dreg:$0x0] =	wrdreg $0x60  }
0xb4: {  	[dreg:$0x2] =	wrdreg s24  }
0xb5: {  	[dreg:$0x3] =	wrdreg s17  }
0xb6: {  	[dreg:$0x4] =	wrdreg s16  }
0xb7: {  	[dreg:$0x5] =	wrdreg $0x0  }
0xb8: {  	[dreg:$0x6] =	wrdreg $0x9  }
0xb9: {  	_ =	task.clear_ibuf [dreg:s8], $0x7FFFF;
	_ =	strace $0x90000049  }
0xba: {  	s29 =	simm.s32 $0x9;
	_ =	strace $0x8000004B  }
0xbb: {  	_ =	swait.ge [sflag:s29], $0x1  }
0xbc: {  	[sflag:s29] =	ssyncadd.s32 $0xFFFFFFFF  }
0xbd: {  	_ =	strace $0x9000004B  }
0xbe: {  	_ =	sfence  }
0xbf: {  	s30 =	sld [smem:$0x0];
	_ =	sdelay $0x2  }
0xc0: {  	s31 =	sshll.u32 s1, $0xD;
	s1 =	sshrl.u32 s1, $0x2  }
0xc1: {  	s3 =	sand.u32 $0x4000, s31;
	s1 =	sadd.s32 s1, s30  }
0xc2: {  	s0 =	sor.u32 s3, s0;
	s1 =	sshll.u32 s1, $0x11  }
0xc3: {  	s0 =	sor.u32 s1, s0  }
0xc4: {  	s0 =	sadd.s32 $0x8F2B, s0  }
0xc5: {  	[sflag:s0] =	ssyncadd.remote.s32 $0x1  }
0xc6: {  	_ =	sfence.sel $0xFFFF  }
0xc7: {  	[dreg:$0x0] =	wrdreg $0xFFFFFFFF;
	(pc) =	sbr.abs _section_cstart, $3  }
0xc8: {  	[dreg:$0x1] =	wrdreg $0xFFFFFFFF  }
0xc9: {  	_ =	task.clear_ibuf [dreg:s8], $0x2FFFF;
	_ =	strace $0x9FFFFFFF  }
0xca: {  	(tm) =	ssettm $0x7FFFFFFF  }
0xcb: {  	_ =	shalt  }
tec
execute0_lowered:
.L_overlay_start_1:
0x0: {  	(tag) =	ssettag $0x1  }
0x1: {  	s0 =	rddreg [dreg:$0x0]  }
0x2: {  	s17 =	rddreg [dreg:$0x1]  }
0x3: {  	s20 =	rddreg [dreg:$0x2]  }
0x4: {  	s4 =	rddreg [dreg:$0x3];
	s9 =	stileid.u32  }
0x5: {  	s1 =	srdreg.scid;
	s14 =	simm.s32 $0x0;
	s15 =	simm.s32 $0x9  }
0x6: {  	s16 =	simm.s32 $0x14000;
	s18 =	simm.s32 $0x80;
	s19 =	simm.s32 $0x16800  }
0x7: {  	s21 =	simm.s32 $0x18800;
	s28 =	simm.s32 $0x2;
	s29 =	simm.s32 $0x3  }
0x8: {  	s30 =	simm.s32 $0x4;
	s31 =	simm.s32 $0x5;
	s11 =	simm.s32 $0x8  }
0x9: {  	s12 =	simm.s32 $0x16600;
	s13 =	simm.s32 $0x16680;
	s2 =	smul.u32 $0x500, s9  }
0xa: {  	s1 =	sand.u32 $0x1, s1;
	[smem:$0x7FF] =	sst s14;
	s5 =	smul.u32 $0x14000, s9  }
0xb: {  	s6 =	sadd.s32 $0xF4A00, s0;
	s7 =	sadd.s32 $0xA4A00, s0;
	s10 =	smul.u32 $0x5000, s9  }
0xc: {  	s24 =	sshll.u32 s9, $0x6;
	s9 =	simm.s32 $0x16780;
	s3 =	smul.u32 $0x5000, s1  }
0xd: {  	_ =	strace $0x8000004A;
	s1 =	ssub.s32 $0x2, s1;
	s8 =	sshrl.u32 s5, $0x3  }
0xe: {  	s22 =	sshrl.u32 s1, $0x1;
	s23 =	sadd.s32 s5, s4;
	s5 =	sor.u32 $0x1C09, s24  }
0xf: {  	s24 =	simm.s32 $0x14180;
	s2 =	sadd.s32 s2, s3;
	s8 =	sadd.s32 s8, s0  }
0x10: {  	s1 =	ssub.s32 s1, s22;
	[dreg:$0x7] =	wrdreg s5;
	s2 =	sshll.u32 s2, $0x3  }
0x11: {  	s22 =	sadd.s32 $0x4000, s8;
	s26 =	smax.u32 s1, $0x1;
	s1 =	simm.s32 $0x7  }
0x12: {  	s8 =	simm.s32 $0x16700;
	s0 =	sadd.s32 s2, s0;
	[dreg:$0xa] =	wrdreg s26  }
0x13: {  	s2 =	sshrl.u32 s23, $0x3;
	[dreg:$0x6] =	wrdreg s22;
	s25 =	sadd.s32 $0x2C000, s0  }
0x14: {  	s23 =	simm.s32 $0x1A800;
	s0 =	sadd.s32 $0x144A00, s0;
	[dreg:$0x8] =	wrdreg s25  }
0x15: {  	v0 =	vmov s3;
	s26 =	simm.s32 $0x1;
	s3 =	smov.u32 s2;
	[dreg:$0x9] =	wrdreg s0  }
0x16: {  	s25 =	simm.s32 $0x1C800;
	s0 =	simm.s32 $0x6;
	[dreg:$0xb] =	wrdreg s3  }
.LBB2_1:
0x17: {  	[dreg:$0x5] =	wrdreg s14  }
0x18: {  	[spmem:s3], [sflag:s5] =	dma.local [hbm:s22], $0x2800  }
0x19: {  	_ =	swait.ge [sflag:s15], $0x2800  }
0x1a: {  	[sflag:s15] =	ssyncset.done $0x0  }
0x1b: {  	[sflag:s15] =	ssyncadd.s32 $0xFFFFD800  }
0x1c: {  	s14 =	simm.s32 $0x0;
	[bflag:$0x0] =	sbarrier.arrive $0xFFFF  }
.LBB2_2:
0x1d: {  	s2 =	smul.u32 $0x1400, s14;
	_ =	sdelay $0x1  }
0x1e: {  	s2 =	sadd.s32 s10, s2  }
0x1f: {  	s2 =	sshrl.u32 s2, $0x3  }
0x20: {  	s5 =	simm.s32 $0x0;
	s3 =	sadd.s32 s17, s2  }
0x21: {  	[tilespmem:s16], [sflag:$0x9] =	stream.linear.gather [hbm4b:s3+s5], $0x1400, $0x38;
	[tilespmem:$0x1E800] =	vst v63  }
0x22: {  	_ =	swait.ge [sflag:s15], $0x1400  }
0x23: {  	[sflag:s15] =	ssyncset.done $0x0  }
0x24: {  	s2 =	sadd.s32 s20, s2;
	s3 =	simm.s32 $0x15400;
	[sflag:s15] =	ssyncadd.s32 $0xFFFFEC00  }
0x25: {  	[tilespmem:s3], [sflag:$0x9] =	stream.linear.gather [hbm4b:s2+s5], $0x1400, $0x38;
	[tilespmem:$0x1E800] =	vst v63  }
0x26: {  	_ =	swait.ge [sflag:s15], $0x1400  }
0x27: {  	[sflag:s15] =	ssyncset.done $0x0  }
0x28: {  	s2 =	simm.s32 $0x0;
	s3 =	simm.s32 $0x40;
	[sflag:s15] =	ssyncadd.s32 $0xFFFFEC00  }
.LBB2_3:
0x29: {  	p0 =	sne.s32 s3, $0x4FC0;
	v1 =	vld [tilespmem:s2+$0x14000];
	_ =	sdelay $0x1  }
.Ltmp0:
0x2a: {  	(pc) =	sbr.rel @p0 .LBB2_3-.Ltmp0, $3  }
0x2b: {  	_ =	sdelay $0x1  }
0x2c: {  	v1 =	vadd.s32 v0, v1  }
0x2d: {  	[tilespmem:s2+$0x14000] =	vst v1;
	s2 =	sshra.s32 s3, $0x2;
	s3 =	sadd.s32 $0x40, s3  }
0x2e: {  	v1 =	vld [tilespmem:s2+$0x14000];
	_ =	sdelay $0x4  }
0x2f: {  	v1 =	vadd.s32 v0, v1  }
0x30: {  	[tilespmem:s2+$0x14000] =	vst v1  }
0x31: {  	[tilespmem:s19], [sflag:$0x1] =	stream.indirect.gather [hbm4b:s6+s18], $0x40, s16, s18, $0xb8;
	[tilespmem:$0x1E800] =	vst v63  }
0x32: {  	s5 =	simm.s32 $0x14080  }
0x33: {  	[tilespmem:s21], [sflag:$0x2] =	stream.indirect.gather [hbm4b:s6+s18], $0x40, s5, s18, $0xb8;
	[tilespmem:$0x1E800] =	vst v63  }
0x34: {  	s3 =	simm.s32 $0x14100  }
0x35: {  	[tilespmem:s23], [sflag:$0x3] =	stream.indirect.gather [hbm4b:s6+s18], $0x40, s3, s18, $0xb8;
	[tilespmem:$0x1E800] =	vst v63  }
0x36: {  	_ = 	snop  }
0x37: {  	[tilespmem:s25], [sflag:$0x4] =	stream.indirect.gather [hbm4b:s6+s18], $0x40, s24, s18, $0xb8;
	[tilespmem:$0x1E800] =	vst v63  }
0x38: {  	_ =	swait.ge [sflag:s26], $0x2000  }
0x39: {  	[sflag:s26] =	ssyncset.done $0x0  }
0x3a: {  	s5 =	simm.s32 $0x15400;
	[sflag:s26] =	ssyncadd.s32 $0xFFFFE000  }
0x3b: {  	[spmem:s4] =	stream.indirect.scatter.add.f32 [tilespmem:s19], [sflag:$0x5], $0x40, s5, s18, $0xb8;
	[tilespmem:$0x1E800] =	vst v63  }
0x3c: {  	_ =	swait.ge [sflag:s28], $0x2000  }
0x3d: {  	[sflag:s28] =	ssyncset.done $0x0  }
0x3e: {  	s3 =	simm.s32 $0x15480;
	[sflag:s28] =	ssyncadd.s32 $0xFFFFE000  }
0x3f: {  	[spmem:s4] =	stream.indirect.scatter.add.f32 [tilespmem:s21], [sflag:$0x6], $0x40, s3, s18, $0xb8;
	[tilespmem:$0x1E800] =	vst v63  }
0x40: {  	_ =	swait.ge [sflag:s29], $0x2000  }
0x41: {  	[sflag:s29] =	ssyncset.done $0x0  }
0x42: {  	s5 =	simm.s32 $0x15500;
	[sflag:s29] =	ssyncadd.s32 $0xFFFFE000  }
0x43: {  	[spmem:s4] =	stream.indirect.scatter.add.f32 [tilespmem:s23], [sflag:$0x7], $0x40, s5, s18, $0xb8;
	[tilespmem:$0x1E800] =	vst v63  }
0x44: {  	_ =	swait.ge [sflag:s30], $0x2000  }
0x45: {  	[sflag:s30] =	ssyncset.done $0x0  }
0x46: {  	s3 =	simm.s32 $0x15580;
	[sflag:s30] =	ssyncadd.s32 $0xFFFFE000  }
0x47: {  	[spmem:s4] =	stream.indirect.scatter.add.f32 [tilespmem:s25], [sflag:$0x8], $0x40, s3, s18, $0xb8;
	[tilespmem:$0x1E800] =	vst v63  }
0x48: {  	_ =	swait.ge [sflag:s31], $0x2000  }
0x49: {  	[sflag:s31] =	ssyncset.done $0x0  }
0x4a: {  	s5 =	simm.s32 $0x14200;
	[sflag:s31] =	ssyncadd.s32 $0xFFFFE000  }
0x4b: {  	[tilespmem:s19], [sflag:$0x1] =	stream.indirect.gather [hbm4b:s6+s18], $0x40, s5, s18, $0xb8;
	[tilespmem:$0x1E800] =	vst v63  }
0x4c: {  	_ =	swait.ge [sflag:s0], $0x2000  }
0x4d: {  	[sflag:s0] =	ssyncset.done $0x0  }
0x4e: {  	s3 =	simm.s32 $0x14280;
	[sflag:s0] =	ssyncadd.s32 $0xFFFFE000  }
0x4f: {  	[tilespmem:s21], [sflag:$0x2] =	stream.indirect.gather [hbm4b:s6+s18], $0x40, s3, s18, $0xb8;
	[tilespmem:$0x1E800] =	vst v63  }
0x50: {  	_ =	swait.ge [sflag:s1], $0x2000  }
0x51: {  	[sflag:s1] =	ssyncset.done $0x0  }
0x52: {  	s5 =	simm.s32 $0x14300;
	[sflag:s1] =	ssyncadd.s32 $0xFFFFE000  }
0x53: {  	[tilespmem:s23], [sflag:$0x3] =	stream.indirect.gather [hbm4b:s6+s18], $0x40, s5, s18, $0xb8;
	[tilespmem:$0x1E800] =	vst v63  }
0x54: {  	_ =	swait.ge [sflag:s11], $0x2000  }
0x55: {  	[sflag:s11] =	ssyncset.done $0x0  }
0x56: {  	s2 =	simm.s32 $0x14380;
	s5 =	simm.s32 $0x800;
	[sflag:s11] =	ssyncadd.s32 $0xFFFFE000  }
.LBB2_5:
0x57: {  	[tilespmem:s25], [sflag:$0x4] =	stream.indirect.gather [hbm4b:s6+s18], $0x40, s2, s18, $0xb8;
	[tilespmem:$0x1E800] =	vst v63  }
0x58: {  	s2 =	smov.u32 s5  }
0x59: {  	p0 =	sne.s32 s5, $0x4000;
	s5 =	sadd.s32 $0x800, s5;
	_ =	swait.ge [sflag:s26], $0x2000  }
0x5a: {  	s2 =	sshra.s32 s2, $0x2;
	[sflag:s26] =	ssyncset.done $0x0  }
0x5b: {  	s3 =	sadd.s32 $0x15400, s2;
	[sflag:s26] =	ssyncadd.s32 $0xFFFFE000  }
0x5c: {  	[spmem:s4] =	stream.indirect.scatter.add.f32 [tilespmem:s19], [sflag:$0x5], $0x40, s3, s18, $0xb8;
	[tilespmem:$0x1E800] =	vst v63  }
0x5d: {  	_ =	swait.ge [sflag:s28], $0x2000  }
0x5e: {  	[sflag:s28] =	ssyncset.done $0x0  }
0x5f: {  	s3 =	sadd.s32 $0x15480, s2;
	[sflag:s28] =	ssyncadd.s32 $0xFFFFE000  }
0x60: {  	[spmem:s4] =	stream.indirect.scatter.add.f32 [tilespmem:s21], [sflag:$0x6], $0x40, s3, s18, $0xb8;
	[tilespmem:$0x1E800] =	vst v63  }
0x61: {  	_ =	swait.ge [sflag:s29], $0x2000  }
0x62: {  	[sflag:s29] =	ssyncset.done $0x0  }
0x63: {  	s3 =	sadd.s32 $0x15500, s2;
	[sflag:s29] =	ssyncadd.s32 $0xFFFFE000  }
0x64: {  	[spmem:s4] =	stream.indirect.scatter.add.f32 [tilespmem:s23], [sflag:$0x7], $0x40, s3, s18, $0xb8;
	[tilespmem:$0x1E800] =	vst v63  }
0x65: {  	_ =	swait.ge [sflag:s30], $0x2000  }
0x66: {  	[sflag:s30] =	ssyncset.done $0x0  }
0x67: {  	s3 =	sadd.s32 $0x15580, s2;
	[sflag:s30] =	ssyncadd.s32 $0xFFFFE000  }
0x68: {  	[spmem:s4] =	stream.indirect.scatter.add.f32 [tilespmem:s25], [sflag:$0x8], $0x40, s3, s18, $0xb8;
	[tilespmem:$0x1E800] =	vst v63  }
0x69: {  	_ =	swait.ge [sflag:s31], $0x2000  }
0x6a: {  	[sflag:s31] =	ssyncset.done $0x0  }
0x6b: {  	s3 =	sadd.s32 $0x14200, s2;
	[sflag:s31] =	ssyncadd.s32 $0xFFFFE000  }
0x6c: {  	[tilespmem:s19], [sflag:$0x1] =	stream.indirect.gather [hbm4b:s6+s18], $0x40, s3, s18, $0xb8;
	[tilespmem:$0x1E800] =	vst v63  }
0x6d: {  	_ =	swait.ge [sflag:s0], $0x2000  }
0x6e: {  	[sflag:s0] =	ssyncset.done $0x0  }
0x6f: {  	s3 =	sadd.s32 $0x14280, s2;
	[sflag:s0] =	ssyncadd.s32 $0xFFFFE000  }
0x70: {  	[tilespmem:s21], [sflag:$0x2] =	stream.indirect.gather [hbm4b:s6+s18], $0x40, s3, s18, $0xb8;
	[tilespmem:$0x1E800] =	vst v63  }
0x71: {  	_ =	swait.ge [sflag:s1], $0x2000  }
0x72: {  	[sflag:s1] =	ssyncset.done $0x0  }
.Ltmp1:
0x73: {  	s3 =	sadd.s32 $0x14300, s2;
	[sflag:s1] =	ssyncadd.s32 $0xFFFFE000;
	(pc) =	sbr.rel @p0 .LBB2_5-.Ltmp1, $4  }
0x74: {  	[tilespmem:s23], [sflag:$0x3] =	stream.indirect.gather [hbm4b:s6+s18], $0x40, s3, s18, $0xb8;
	[tilespmem:$0x1E800] =	vst v63  }
0x75: {  	_ =	swait.ge [sflag:s11], $0x2000  }
0x76: {  	[sflag:s11] =	ssyncset.done $0x0  }
0x77: {  	s2 =	sadd.s32 $0x14380, s2;
	[sflag:s11] =	ssyncadd.s32 $0xFFFFE000  }
0x78: {  	[tilespmem:s25], [sflag:$0x4] =	stream.indirect.gather [hbm4b:s6+s18], $0x40, s2, s18, $0xb8;
	[tilespmem:$0x1E800] =	vst v63  }
0x79: {  	_ =	swait.ge [sflag:s26], $0x2000  }
0x7a: {  	[sflag:s26] =	ssyncset.done $0x0  }
0x7b: {  	[sflag:s26] =	ssyncadd.s32 $0xFFFFE000  }
0x7c: {  	[spmem:s4] =	stream.indirect.scatter.add.f32 [tilespmem:s19], [sflag:$0x5], $0x40, s12, s18, $0xb8;
	[tilespmem:$0x1E800] =	vst v63  }
0x7d: {  	_ =	swait.ge [sflag:s28], $0x2000  }
0x7e: {  	[sflag:s28] =	ssyncset.done $0x0  }
0x7f: {  	[sflag:s28] =	ssyncadd.s32 $0xFFFFE000  }
0x80: {  	[spmem:s4] =	stream.indirect.scatter.add.f32 [tilespmem:s21], [sflag:$0x6], $0x40, s13, s18, $0xb8;
	[tilespmem:$0x1E800] =	vst v63  }
0x81: {  	_ =	swait.ge [sflag:s29], $0x2000  }
0x82: {  	[sflag:s29] =	ssyncset.done $0x0  }
0x83: {  	[sflag:s29] =	ssyncadd.s32 $0xFFFFE000  }
0x84: {  	[spmem:s4] =	stream.indirect.scatter.add.f32 [tilespmem:s23], [sflag:$0x7], $0x40, s8, s18, $0xb8;
	[tilespmem:$0x1E800] =	vst v63  }
0x85: {  	_ =	swait.ge [sflag:s30], $0x2000  }
0x86: {  	[sflag:s30] =	ssyncset.done $0x0  }
0x87: {  	[sflag:s30] =	ssyncadd.s32 $0xFFFFE000  }
0x88: {  	[spmem:s4] =	stream.indirect.scatter.add.f32 [tilespmem:s25], [sflag:$0x8], $0x40, s9, s18, $0xb8;
	[tilespmem:$0x1E800] =	vst v63  }
0x89: {  	_ =	swait.ge [sflag:s31], $0x2000  }
0x8a: {  	[sflag:s31] =	ssyncset.done $0x0  }
0x8b: {  	[sflag:s31] =	ssyncadd.s32 $0xFFFFE000  }
0x8c: {  	_ =	swait.ge [sflag:s0], $0x2000  }
0x8d: {  	[sflag:s0] =	ssyncset.done $0x0  }
0x8e: {  	s14 =	sadd.s32 $0x1, s14;
	[sflag:s0] =	ssyncadd.s32 $0xFFFFE000  }
0x8f: {  	p0 =	sne.s32 s14, $0x4;
	_ =	swait.ge [sflag:s1], $0x2000  }
.Ltmp2:
0x90: {  	[sflag:s1] =	ssyncset.done $0x0;
	(pc) =	sbr.rel @p0 .LBB2_2-.Ltmp2, $4  }
0x91: {  	[sflag:s1] =	ssyncadd.s32 $0xFFFFE000  }
0x92: {  	_ =	swait.ge [sflag:s11], $0x2000  }
0x93: {  	[sflag:s11] =	ssyncset.done $0x0  }
0x94: {  	[sflag:s11] =	ssyncadd.s32 $0xFFFFE000  }
0x95: {  	[bflag:$0x0] =	sbarrier.arrive $0xFFFF  }
0x96: {  	s2 =	rddreg [dreg:$0x7]  }
0x97: {  	s3 =	rddreg [dreg:$0x8]  }
0x98: {  	s5 =	rddreg [dreg:$0xb]  }
0x99: {  	[hbm:s3], [sflag:s2] =	dma.local [spmem:s5], $0x2800  }
0x9a: {  	_ =	swait.ge [sflag:s15], $0x2800  }
0x9b: {  	[sflag:s15] =	ssyncset.done $0x0  }
0x9c: {  	[sflag:s15] =	ssyncadd.s32 $0xFFFFD800  }
0x9d: {  	[bflag:$0x0] =	sbarrier.arrive $0xFFFF  }
0x9e: {  	[spmem:s5], [sflag:s2] =	dma.local [hbm:s22], $0x2800  }
0x9f: {  	_ =	swait.ge [sflag:s15], $0x2800  }
0xa0: {  	[sflag:s15] =	ssyncset.done $0x0  }
0xa1: {  	[sflag:s15] =	ssyncadd.s32 $0xFFFFD800  }
0xa2: {  	s14 =	simm.s32 $0x0;
	s5 =	simm.s32 $0x0;
	[bflag:$0x0] =	sbarrier.arrive $0xFFFF  }
.LBB2_8:
0xa3: {  	s2 =	smul.u32 $0x1400, s5;
	_ =	sdelay $0x1  }
0xa4: {  	s2 =	sadd.s32 s10, s2  }
0xa5: {  	s2 =	sshrl.u32 s2, $0x3  }
0xa6: {  	s3 =	sadd.s32 s20, s2  }
0xa7: {  	[tilespmem:s16], [sflag:$0x9] =	stream.linear.gather [hbm4b:s3+s14], $0x1400, $0x38;
	[tilespmem:$0x1E800] =	vst v63  }
0xa8: {  	_ =	swait.ge [sflag:s15], $0x1400  }
0xa9: {  	s22 =	smov.u32 s20;
	s20 =	smov.u32 s17;
	[sflag:s15] =	ssyncset.done $0x0  }
0xaa: {  	s2 =	sadd.s32 s17, s2;
	s17 =	simm.s32 $0x15400;
	[sflag:s15] =	ssyncadd.s32 $0xFFFFEC00  }
0xab: {  	[tilespmem:s17], [sflag:$0x9] =	stream.linear.gather [hbm4b:s2+s14], $0x1400, $0x38;
	[tilespmem:$0x1E800] =	vst v63  }
0xac: {  	_ =	swait.ge [sflag:s15], $0x1400  }
0xad: {  	[sflag:s15] =	ssyncset.done $0x0  }
0xae: {  	s3 =	simm.s32 $0x40;
	s2 =	simm.s32 $0x0;
	[sflag:s15] =	ssyncadd.s32 $0xFFFFEC00  }
.LBB2_9:
0xaf: {  	p0 =	sne.s32 s3, $0x4FC0;
	v1 =	vld [tilespmem:s2+$0x14000];
	_ =	sdelay $0x1  }
.Ltmp3:
0xb0: {  	(pc) =	sbr.rel @p0 .LBB2_9-.Ltmp3, $3  }
0xb1: {  	_ =	sdelay $0x1  }
0xb2: {  	v1 =	vadd.s32 v0, v1  }
0xb3: {  	[tilespmem:s2+$0x14000] =	vst v1;
	s2 =	sshra.s32 s3, $0x2;
	s3 =	sadd.s32 $0x40, s3  }
0xb4: {  	v1 =	vld [tilespmem:s2+$0x14000];
	_ =	sdelay $0x4  }
0xb5: {  	v1 =	vadd.s32 v0, v1  }
0xb6: {  	[tilespmem:s2+$0x14000] =	vst v1  }
0xb7: {  	[tilespmem:s19], [sflag:$0x1] =	stream.indirect.gather [hbm4b:s7+s18], $0x40, s16, s18, $0xb8;
	[tilespmem:$0x1E800] =	vst v63  }
0xb8: {  	s17 =	simm.s32 $0x14080  }
0xb9: {  	[tilespmem:s21], [sflag:$0x2] =	stream.indirect.gather [hbm4b:s7+s18], $0x40, s17, s18, $0xb8;
	[tilespmem:$0x1E800] =	vst v63  }
0xba: {  	s3 =	simm.s32 $0x14100  }
0xbb: {  	[tilespmem:s23], [sflag:$0x3] =	stream.indirect.gather [hbm4b:s7+s18], $0x40, s3, s18, $0xb8;
	[tilespmem:$0x1E800] =	vst v63  }
0xbc: {  	_ = 	snop  }
0xbd: {  	[tilespmem:s25], [sflag:$0x4] =	stream.indirect.gather [hbm4b:s7+s18], $0x40, s24, s18, $0xb8;
	[tilespmem:$0x1E800] =	vst v63  }
0xbe: {  	_ =	swait.ge [sflag:s26], $0x2000  }
0xbf: {  	[sflag:s26] =	ssyncset.done $0x0  }
0xc0: {  	s17 =	simm.s32 $0x15400;
	[sflag:s26] =	ssyncadd.s32 $0xFFFFE000  }
0xc1: {  	[spmem:s4] =	stream.indirect.scatter.add.f32 [tilespmem:s19], [sflag:$0x5], $0x40, s17, s18, $0xb8;
	[tilespmem:$0x1E800] =	vst v63  }
0xc2: {  	_ =	swait.ge [sflag:s28], $0x2000  }
0xc3: {  	[sflag:s28] =	ssyncset.done $0x0  }
0xc4: {  	s3 =	simm.s32 $0x15480;
	[sflag:s28] =	ssyncadd.s32 $0xFFFFE000  }
0xc5: {  	[spmem:s4] =	stream.indirect.scatter.add.f32 [tilespmem:s21], [sflag:$0x6], $0x40, s3, s18, $0xb8;
	[tilespmem:$0x1E800] =	vst v63  }
0xc6: {  	_ =	swait.ge [sflag:s29], $0x2000  }
0xc7: {  	[sflag:s29] =	ssyncset.done $0x0  }
0xc8: {  	s17 =	simm.s32 $0x15500;
	[sflag:s29] =	ssyncadd.s32 $0xFFFFE000  }
0xc9: {  	[spmem:s4] =	stream.indirect.scatter.add.f32 [tilespmem:s23], [sflag:$0x7], $0x40, s17, s18, $0xb8;
	[tilespmem:$0x1E800] =	vst v63  }
0xca: {  	_ =	swait.ge [sflag:s30], $0x2000  }
0xcb: {  	[sflag:s30] =	ssyncset.done $0x0  }
0xcc: {  	s3 =	simm.s32 $0x15580;
	[sflag:s30] =	ssyncadd.s32 $0xFFFFE000  }
0xcd: {  	[spmem:s4] =	stream.indirect.scatter.add.f32 [tilespmem:s25], [sflag:$0x8], $0x40, s3, s18, $0xb8;
	[tilespmem:$0x1E800] =	vst v63  }
0xce: {  	_ =	swait.ge [sflag:s31], $0x2000  }
0xcf: {  	[sflag:s31] =	ssyncset.done $0x0  }
0xd0: {  	s17 =	simm.s32 $0x14200;
	[sflag:s31] =	ssyncadd.s32 $0xFFFFE000  }
0xd1: {  	[tilespmem:s19], [sflag:$0x1] =	stream.indirect.gather [hbm4b:s7+s18], $0x40, s17, s18, $0xb8;
	[tilespmem:$0x1E800] =	vst v63  }
0xd2: {  	_ =	swait.ge [sflag:s0], $0x2000  }
0xd3: {  	[sflag:s0] =	ssyncset.done $0x0  }
0xd4: {  	s3 =	simm.s32 $0x14280;
	[sflag:s0] =	ssyncadd.s32 $0xFFFFE000  }
0xd5: {  	[tilespmem:s21], [sflag:$0x2] =	stream.indirect.gather [hbm4b:s7+s18], $0x40, s3, s18, $0xb8;
	[tilespmem:$0x1E800] =	vst v63  }
0xd6: {  	_ =	swait.ge [sflag:s1], $0x2000  }
0xd7: {  	[sflag:s1] =	ssyncset.done $0x0  }
0xd8: {  	s17 =	simm.s32 $0x14300;
	[sflag:s1] =	ssyncadd.s32 $0xFFFFE000  }
0xd9: {  	[tilespmem:s23], [sflag:$0x3] =	stream.indirect.gather [hbm4b:s7+s18], $0x40, s17, s18, $0xb8;
	[tilespmem:$0x1E800] =	vst v63  }
0xda: {  	_ =	swait.ge [sflag:s11], $0x2000  }
0xdb: {  	[sflag:s11] =	ssyncset.done $0x0  }
0xdc: {  	s2 =	simm.s32 $0x800;
	s3 =	simm.s32 $0x14380;
	[sflag:s11] =	ssyncadd.s32 $0xFFFFE000  }
.LBB2_11:
0xdd: {  	[tilespmem:s25], [sflag:$0x4] =	stream.indirect.gather [hbm4b:s7+s18], $0x40, s3, s18, $0xb8;
	[tilespmem:$0x1E800] =	vst v63  }
0xde: {  	s3 =	smov.u32 s2  }
0xdf: {  	p0 =	sne.s32 s2, $0x4000;
	s2 =	sadd.s32 $0x800, s2;
	_ =	swait.ge [sflag:s26], $0x2000  }
0xe0: {  	s3 =	sshra.s32 s3, $0x2;
	[sflag:s26] =	ssyncset.done $0x0  }
0xe1: {  	s17 =	sadd.s32 $0x15400, s3;
	[sflag:s26] =	ssyncadd.s32 $0xFFFFE000  }
0xe2: {  	[spmem:s4] =	stream.indirect.scatter.add.f32 [tilespmem:s19], [sflag:$0x5], $0x40, s17, s18, $0xb8;
	[tilespmem:$0x1E800] =	vst v63  }
0xe3: {  	_ =	swait.ge [sflag:s28], $0x2000  }
0xe4: {  	[sflag:s28] =	ssyncset.done $0x0  }
0xe5: {  	s17 =	sadd.s32 $0x15480, s3;
	[sflag:s28] =	ssyncadd.s32 $0xFFFFE000  }
0xe6: {  	[spmem:s4] =	stream.indirect.scatter.add.f32 [tilespmem:s21], [sflag:$0x6], $0x40, s17, s18, $0xb8;
	[tilespmem:$0x1E800] =	vst v63  }
0xe7: {  	_ =	swait.ge [sflag:s29], $0x2000  }
0xe8: {  	[sflag:s29] =	ssyncset.done $0x0  }
0xe9: {  	s17 =	sadd.s32 $0x15500, s3;
	[sflag:s29] =	ssyncadd.s32 $0xFFFFE000  }
0xea: {  	[spmem:s4] =	stream.indirect.scatter.add.f32 [tilespmem:s23], [sflag:$0x7], $0x40, s17, s18, $0xb8;
	[tilespmem:$0x1E800] =	vst v63  }
0xeb: {  	_ =	swait.ge [sflag:s30], $0x2000  }
0xec: {  	[sflag:s30] =	ssyncset.done $0x0  }
0xed: {  	s17 =	sadd.s32 $0x15580, s3;
	[sflag:s30] =	ssyncadd.s32 $0xFFFFE000  }
0xee: {  	[spmem:s4] =	stream.indirect.scatter.add.f32 [tilespmem:s25], [sflag:$0x8], $0x40, s17, s18, $0xb8;
	[tilespmem:$0x1E800] =	vst v63  }
0xef: {  	_ =	swait.ge [sflag:s31], $0x2000  }
0xf0: {  	[sflag:s31] =	ssyncset.done $0x0  }
0xf1: {  	s17 =	sadd.s32 $0x14200, s3;
	[sflag:s31] =	ssyncadd.s32 $0xFFFFE000  }
0xf2: {  	[tilespmem:s19], [sflag:$0x1] =	stream.indirect.gather [hbm4b:s7+s18], $0x40, s17, s18, $0xb8;
	[tilespmem:$0x1E800] =	vst v63  }
0xf3: {  	_ =	swait.ge [sflag:s0], $0x2000  }
0xf4: {  	[sflag:s0] =	ssyncset.done $0x0  }
0xf5: {  	s17 =	sadd.s32 $0x14280, s3;
	[sflag:s0] =	ssyncadd.s32 $0xFFFFE000  }
0xf6: {  	[tilespmem:s21], [sflag:$0x2] =	stream.indirect.gather [hbm4b:s7+s18], $0x40, s17, s18, $0xb8;
	[tilespmem:$0x1E800] =	vst v63  }
0xf7: {  	_ =	swait.ge [sflag:s1], $0x2000  }
0xf8: {  	[sflag:s1] =	ssyncset.done $0x0  }
.Ltmp4:
0xf9: {  	s17 =	sadd.s32 $0x14300, s3;
	[sflag:s1] =	ssyncadd.s32 $0xFFFFE000;
	(pc) =	sbr.rel @p0 .LBB2_11-.Ltmp4, $4  }
0xfa: {  	[tilespmem:s23], [sflag:$0x3] =	stream.indirect.gather [hbm4b:s7+s18], $0x40, s17, s18, $0xb8;
	[tilespmem:$0x1E800] =	vst v63  }
0xfb: {  	_ =	swait.ge [sflag:s11], $0x2000  }
0xfc: {  	[sflag:s11] =	ssyncset.done $0x0  }
0xfd: {  	s3 =	sadd.s32 $0x14380, s3;
	[sflag:s11] =	ssyncadd.s32 $0xFFFFE000  }
0xfe: {  	[tilespmem:s25], [sflag:$0x4] =	stream.indirect.gather [hbm4b:s7+s18], $0x40, s3, s18, $0xb8;
	[tilespmem:$0x1E800] =	vst v63  }
0xff: {  	_ =	swait.ge [sflag:s26], $0x2000  }
0x100: {  	[sflag:s26] =	ssyncset.done $0x0  }
0x101: {  	[sflag:s26] =	ssyncadd.s32 $0xFFFFE000  }
0x102: {  	[spmem:s4] =	stream.indirect.scatter.add.f32 [tilespmem:s19], [sflag:$0x5], $0x40, s12, s18, $0xb8;
	[tilespmem:$0x1E800] =	vst v63  }
0x103: {  	_ =	swait.ge [sflag:s28], $0x2000  }
0x104: {  	[sflag:s28] =	ssyncset.done $0x0  }
0x105: {  	[sflag:s28] =	ssyncadd.s32 $0xFFFFE000  }
0x106: {  	[spmem:s4] =	stream.indirect.scatter.add.f32 [tilespmem:s21], [sflag:$0x6], $0x40, s13, s18, $0xb8;
	[tilespmem:$0x1E800] =	vst v63  }
0x107: {  	_ =	swait.ge [sflag:s29], $0x2000  }
0x108: {  	[sflag:s29] =	ssyncset.done $0x0  }
0x109: {  	[sflag:s29] =	ssyncadd.s32 $0xFFFFE000  }
0x10a: {  	[spmem:s4] =	stream.indirect.scatter.add.f32 [tilespmem:s23], [sflag:$0x7], $0x40, s8, s18, $0xb8;
	[tilespmem:$0x1E800] =	vst v63  }
0x10b: {  	_ =	swait.ge [sflag:s30], $0x2000  }
0x10c: {  	[sflag:s30] =	ssyncset.done $0x0  }
0x10d: {  	[sflag:s30] =	ssyncadd.s32 $0xFFFFE000  }
0x10e: {  	[spmem:s4] =	stream.indirect.scatter.add.f32 [tilespmem:s25], [sflag:$0x8], $0x40, s9, s18, $0xb8;
	[tilespmem:$0x1E800] =	vst v63  }
0x10f: {  	_ =	swait.ge [sflag:s31], $0x2000  }
0x110: {  	[sflag:s31] =	ssyncset.done $0x0  }
0x111: {  	[sflag:s31] =	ssyncadd.s32 $0xFFFFE000  }
0x112: {  	_ =	swait.ge [sflag:s0], $0x2000  }
0x113: {  	[sflag:s0] =	ssyncset.done $0x0  }
0x114: {  	s5 =	sadd.s32 $0x1, s5;
	[sflag:s0] =	ssyncadd.s32 $0xFFFFE000  }
0x115: {  	p0 =	sne.s32 s5, $0x4;
	_ =	swait.ge [sflag:s1], $0x2000  }
.Ltmp5:
0x116: {  	[sflag:s1] =	ssyncset.done $0x0;
	(pc) =	sbr.rel @p0 .LBB2_8-.Ltmp5, $4  }
0x117: {  	[sflag:s1] =	ssyncadd.s32 $0xFFFFE000  }
0x118: {  	_ =	swait.ge [sflag:s11], $0x2000  }
0x119: {  	[sflag:s11] =	ssyncset.done $0x0  }
0x11a: {  	s17 =	smov.u32 s20;
	s20 =	smov.u32 s22;
	[sflag:s11] =	ssyncadd.s32 $0xFFFFE000  }
0x11b: {  	[bflag:$0x0] =	sbarrier.arrive $0xFFFF  }
0x11c: {  	s5 =	rddreg [dreg:$0x7]  }
0x11d: {  	s2 =	rddreg [dreg:$0x9]  }
0x11e: {  	s3 =	rddreg [dreg:$0xb]  }
0x11f: {  	[hbm:s2], [sflag:s5] =	dma.local [spmem:s3], $0x2800  }
0x120: {  	_ =	swait.ge [sflag:s15], $0x2800  }
0x121: {  	s14 =	rddreg [dreg:$0x5]  }
0x122: {  	s22 =	rddreg [dreg:$0xa];
	s14 =	sadd.s32 $0x1, s14  }
0x123: {  	p0 =	sne.s32 s14, s22  }
.Ltmp6:
0x124: {  	_ = 	snop;
	(pc) =	sbr.rel @p0 .LBB2_1-.Ltmp6, $4  }
0x125: {  	[sflag:s15] =	ssyncset.done $0x0  }
0x126: {  	[sflag:s15] =	ssyncadd.s32 $0xFFFFD800  }
0x127: {  	[bflag:$0x0] =	sbarrier.arrive $0xFFFF  }
0x128: {  	s22 =	rddreg [dreg:$0x6]  }
0x129: {  	_ =	sfence.sel $0x180000  }
0x12a: {  	[bflag:$0x0] =	sbarrier.arrive $0xFFFF  }
0x12b: {  	_ =	strace $0x9000004A  }
0x12c: {  	s0 =	stileid.u32;
	[bflag:$0x2] =	sbarrier.arrive $0xFFFF  }
0x12d: {  	p0 =	sne.s32 s0, $0x0;
	s0 =	rddreg [dreg:$0x4]  }
0x12e: {  	s0 =	sadd.s32 @!p0 $0x100000, s0  }
0x12f: {  	[sflag:s0] =	ssyncadd.tile.s32 @!p0 $0x1;
	_ =	shalt  }
.Lfunc_end2:
_tile_overlayer_lowered:
.L_overlay_start_2:
0x130: {  	(tag) =	ssettag $0x2  }
0x131: {  	s0 =	rddreg [dreg:$0x0];
	s2 =	stileid.u32  }
0x132: {  	s1 =	rddreg [dreg:$0x1];
	p0 =	sne.s32 s2, $0x0  }
0x133: {  	s3 =	rddreg [dreg:$0x2];
	[bflag:$0x3] =	sbarrier.arrive $0xFFFF;
	s2 =	simm.s32 @!p0 $0x1C09  }
0x134: {  	[timem:s3], [sflag:s2] =	dma.local @!p0 [hbm:s0], s1  }
0x135: {  	s0 =	simm.s32 @!p0 $0x9  }
0x136: {  	_ =	swait.ge @!p0 [sflag:s0], s1  }
0x137: {  	s1 =	ssub.s32 @!p0 $0x0, s1;
	[sflag:s0] =	ssyncset.done @!p0 $0x0  }
0x138: {  	[sflag:s0] =	ssyncadd.s32 @!p0 s1  }
0x139: {  	[bflag:$0x3] =	sbarrier.arrive $0xFFFF  }
0x13a: {  	_ =	shalt  }

// kernel: kernel.15.cloned.1.call-start
scs
__scs_entry_jumppad:
0x0: {  	(pc) =	sbr.rel $0x88, $3  }
0x1: {  	(tag) =	ssettag $0x0;
	lr =	simm.s32 $0x1  }
0x2: {  	[smem:$0x3F96] =	sst lr;
	_ =	strace $0xD0000000  }
0x3: {  	_ = 	snop  }
0x4: {  	_ = 	snop  }
0x5: {  	_ = 	snop  }
0x6: {  	_ = 	snop  }
0x7: {  	_ = 	snop  }
__scs_overlays_trampoline_lowered:
0x8: {  	[smem:$0x3FA5] =	sst s0  }
0x9: {  	[smem:$0x3FA6] =	sst s1  }
0xa: {  	[smem:$0x3FA7] =	sst s2  }
0xb: {  	[smem:$0x3FA8] =	sst s3  }
0xc: {  	[smem:$0x3FA9] =	sst s4  }
0xd: {  	[smem:$0x3FAA] =	sst s5  }
0xe: {  	[smem:$0x3FAB] =	sst s6  }
0xf: {  	[smem:$0x3FAC] =	sst s7  }
0x10: {  	[smem:$0x3FAD] =	sst s8  }
0x11: {  	[smem:$0x3FAE] =	sst s9;
	s0 =	simm.s32 @!p0 $0x0  }
0x12: {  	s1 =	sld [smem:$0x3F94];
	s0 =	simm.s32 @p0 $0x1  }
0x13: {  	[smem:$0x3FAF] =	sst s0;
	s0 =	simm.s32 @!p1 $0x0  }
0x14: {  	s2 =	sld [smem:$0x3F93];
	s0 =	simm.s32 @p1 $0x1  }
0x15: {  	[smem:$0x3FB0] =	sst s0;
	s0 =	simm.s32 @!p2 $0x0  }
0x16: {  	s3 =	sld [smem:$0x3FDB];
	s0 =	simm.s32 @p2 $0x1  }
0x17: {  	s4 =	simm.s32 $0x1BF5;
	[smem:$0x3FB2] =	sst s0  }
0x18: {  	s0 =	sld [smem:$0x3F95];
	_ =	swait.ge [sflag:s4], $0x0  }
0x19: {  	s7 =	sld [smem:$0x3F96]  }
0x1a: {  	s8 =	sadd.s32 $0xFFFFE003, lr  }
0x1b: {  	s9 =	sadd.s32 $0xFFFFFEF7, lr;
	s5 =	simm.s32 $0xFFFFFFFF;
	p2 =	slt.u32 s8, $0xFFFFF086  }
0x1c: {  	p1 =	slt.u32 s9, $0xF7A;
	s5 =	simm.s32 @!p2 $0x0  }
0x1d: {  	s5 =	simm.s32 @p1 $0x1;
	p0 =	seq.s32 s7, s2  }
0x1e: {  	s7 =	smul.u32 @!p0 $0xF7A, s2;
	p2 =	seq.s32 @!p0 s5, $0x0  }
0x1f: {  	s9 =	smul.u32 $0xF7A, s1;
	s8 =	simm.s32 @!p0 $0x1BF5;
	p2 =	por !p2, p0  }
0x20: {  	[sflag:s8] =	ssyncset.s32 @!p0 $0xFFFFF086;
	s6 =	sadd.s32 @!p0 s3, s7;
	s7 =	simm.s32 @!p0 $0x108  }
0x21: {  	s3 =	sadd.s32 s3, s9;
	s6 =	sadd.s32 @!p0 $0x88, s6;
	s7 =	simm.s32 @p2 $0x1082  }
0x22: {  	[simem:s7], [sflag:s8] =	dma.local @!p0 [hbm:s6], $0xF7A  }
0x23: {  	s9 =	sor.u32 $0xD0000000, s2;
	s6 =	simm.s32 $0x108;
	_ =	swait.ge @!p0 [sflag:s8], $0x0  }
0x24: {  	s3 =	sadd.s32 $0x88, s3;
	s6 =	simm.s32 @!p1 $0x1082;
	[sflag:s4] =	ssyncset.s32 $0xFFFFF086  }
0x25: {  	[simem:s6], [sflag:s4] =	dma.local [hbm:s3], $0xF7A  }
0x26: {  	[smem:$0x3F96] =	sst s1;
	(tag) =	ssettag s2;
	_ =	strace s9  }
0x27: {  	s1 =	sld [smem:$0x3FA6]  }
0x28: {  	s2 =	sld [smem:$0x3FA7]  }
0x29: {  	s4 =	sld [smem:$0x3FA9]  }
0x2a: {  	p0 =	seq.s32 s5, $0x0;
	s5 =	sld [smem:$0x3FAA]  }
0x2b: {  	s6 =	sld [smem:$0x3FAB]  }
0x2c: {  	s7 =	sld [smem:$0x3FAC]  }
0x2d: {  	s3 =	simm.s32 $0x108;
	s8 =	sld [smem:$0x3FAD]  }
0x2e: {  	s3 =	simm.s32 @!p0 $0x1082;
	s9 =	sld [smem:$0x3FAE]  }
0x2f: {  	lr =	sadd.s32 s0, s3;
	s0 =	sld [smem:$0x3FA5]  }
0x30: {  	s3 =	sld [smem:$0x3FA8]  }
0x31: {  	[smem:$0x3FB1] =	sst s10  }
0x32: {  	s10 =	sld [smem:$0x3FAF];
	_ =	sdelay $0x3  }
0x33: {  	p0 =	seq.s32 s10, $0x1;
	s10 =	sld [smem:$0x3FB1];
	_ =	sdelay $0x3  }
0x34: {  	[smem:$0x3FB1] =	sst s10  }
0x35: {  	s10 =	sld [smem:$0x3FB0];
	_ =	sdelay $0x3  }
0x36: {  	p1 =	seq.s32 s10, $0x1;
	s10 =	sld [smem:$0x3FB1];
	_ =	sdelay $0x3  }
0x37: {  	[smem:$0x3FB1] =	sst s10  }
0x38: {  	s10 =	sld [smem:$0x3FB2]  }
0x39: {  	_ = 	snop;
	(pc) =	sbr.ind lr, $3  }
0x3a: {  	_ = 	snop  }
0x3b: {  	_ = 	snop  }
0x3c: {  	p2 =	seq.s32 s10, $0x1;
	s10 =	sld [smem:$0x3FB1]  }
0x3d: {  	_ =	shalt  }
0x3e: {  	_ =	shalt  }
0x3f: {  	_ =	shalt  }
0x40: {  	_ =	shalt  }
0x41: {  	_ =	shalt  }
0x42: {  	_ =	shalt  }
0x43: {  	_ =	shalt  }
0x44: {  	_ =	shalt  }
0x45: {  	_ =	shalt  }
0x46: {  	_ =	shalt  }
0x47: {  	_ =	shalt  }
0x48: {  	_ =	shalt  }
0x49: {  	_ =	shalt  }
0x4a: {  	_ =	shalt  }
0x4b: {  	_ =	shalt  }
0x4c: {  	_ =	shalt  }
0x4d: {  	_ =	shalt  }
0x4e: {  	_ =	shalt  }
0x4f: {  	_ =	shalt  }
0x50: {  	_ =	shalt  }
0x51: {  	_ =	shalt  }
0x52: {  	_ =	shalt  }
0x53: {  	_ =	shalt  }
0x54: {  	_ =	shalt  }
0x55: {  	_ =	shalt  }
0x56: {  	_ =	shalt  }
0x57: {  	_ =	shalt  }
0x58: {  	_ =	shalt  }
0x59: {  	_ =	shalt  }
0x5a: {  	_ =	shalt  }
0x5b: {  	_ =	shalt  }
0x5c: {  	_ =	shalt  }
0x5d: {  	_ =	shalt  }
0x5e: {  	_ =	shalt  }
0x5f: {  	_ =	shalt  }
0x60: {  	_ =	shalt  }
0x61: {  	_ =	shalt  }
0x62: {  	_ =	shalt  }
0x63: {  	_ =	shalt  }
0x64: {  	_ =	shalt  }
0x65: {  	_ =	shalt  }
0x66: {  	_ =	shalt  }
0x67: {  	_ =	shalt  }
0x68: {  	_ =	shalt  }
0x69: {  	_ =	shalt  }
0x6a: {  	_ =	shalt  }
0x6b: {  	_ =	shalt  }
0x6c: {  	_ =	shalt  }
0x6d: {  	_ =	shalt  }
0x6e: {  	_ =	shalt  }
0x6f: {  	_ =	shalt  }
0x70: {  	_ =	shalt  }
0x71: {  	_ =	shalt  }
0x72: {  	_ =	shalt  }
0x73: {  	_ =	shalt  }
0x74: {  	_ =	shalt  }
0x75: {  	_ =	shalt  }
0x76: {  	_ =	shalt  }
0x77: {  	_ =	shalt  }
0x78: {  	_ =	shalt  }
0x79: {  	_ =	shalt  }
0x7a: {  	_ =	shalt  }
0x7b: {  	_ =	shalt  }
0x7c: {  	_ =	shalt  }
0x7d: {  	_ =	shalt  }
0x7e: {  	_ =	shalt  }
0x7f: {  	_ =	shalt  }
0x80: {  	_ =	shalt  }
0x81: {  	_ =	shalt  }
0x82: {  	_ =	shalt  }
0x83: {  	_ =	shalt  }
0x84: {  	_ =	shalt  }
0x85: {  	_ =	shalt  }
0x86: {  	_ =	shalt  }
0x87: {  	_ =	shalt  }
.Lfunc_end0:
.L_simem_size_0:
called_computation.2_lowered:
.L_overlay_start_0:
0x88: {  	s2 =	sld [smem:$0x3FD9]  }
0x89: {  	s3 =	sld [smem:$0x3FFE];
	_ =	sdelay $0x1  }
0x8a: {  	s1 =	srdreg.scid  }
0x8b: {  	s0 =	sand.u32 $0x1, s1  }
0x8c: {  	s16 =	sshll.u32 s0, $0xA;
	s2 =	sadd.s32 s3, s2  }
0x8d: {  	s2 =	sadd.s32 s2, s16  }
0x8e: {  	[smem:$0x3FBD] =	sst s2  }
0x8f: {  	_ = 	snop  }
0x90: {  	(tm) =	ssettm $0x1  }
0x91: {  	s17 =	sld [smem:$0x3FFB];
	_ =	sdelay $0x3  }
0x92: {  	_ =	strace s17  }
0x93: {  	s2 =	sld [smem:$0x3FFC];
	_ =	sdelay $0x3  }
0x94: {  	_ =	strace s2  }
0x95: {  	s2 =	sld [smem:$0x3FFD];
	_ =	sdelay $0x3  }
0x96: {  	_ =	strace s2  }
0x97: {  	_ =	strace $0x8FFFFFFF  }
0x98: {  	s18 =	sld [smem:$0x3FDB];
	_ =	sdelay $0x1  }
0x99: {  	s19 =	simm.s32 $_scs_section_size  }
0x9a: {  	s4 =	simm.s32 $_size__tile_overlayer_lowered;
	s5 =	simm.s32 $_tile_overlayer_lowered  }
0x9b: {  	s22 =	simm.s32 $0x1BFF;
	s21 =	sshll.u32 s5, $0x1;
	s2 =	sadd.s32 s19, s18  }
0x9c: {  	s6 =	simm.s32 $0x0;
	s20 =	sshll.u32 s4, $0x1;
	s4 =	sadd.s32 s21, s2  }
0x9d: {  	[timem:s6], [sflag:s22] =	dma.local [hbm:s4], s20  }
0x9e: {  	_ =	swait.ge [sflag:s22], s20  }
0x9f: {  	s3 =	ssub.s32 $0x0, s20;
	[sflag:s22] =	ssyncset.done $0x0  }
0xa0: {  	[sflag:s22] =	ssyncadd.s32 s3;
	_ =	sdelay $0x1  }
0xa1: {  	s23 =	simm.s32 $0x1B8B  }
0xa2: {  	_ =	swait.ge [sflag:s23], $0x1  }
0xa3: {  	[sflag:s23] =	ssyncset.done $0x0  }
0xa4: {  	s25 =	simm.s32 $0x1B8E;
	s24 =	sld [smem:$0x3FFE];
	[sflag:s23] =	ssyncadd.s32 $0xFFFFFFFF  }
0xa5: {  	s26 =	simm.s32 $execute0_lowered;
	[smem:$0x3FD2] =	sst s25  }
0xa6: {  	s4 =	sshll.u32 s26, $0x1;
	_ =	strace $0x8000004C;
	[dreg:$0x1] =	wrdreg $0xFFFFFFFF  }
0xa7: {  	s28 =	simm.s32 $_size_execute0_lowered;
	s2 =	sadd.s32 s2, s4;
	[dreg:$0x0] =	wrdreg $0x0  }
0xa8: {  	s4 =	sshll.u32 s28, $0x1;
	[dreg:$0x2] =	wrdreg s2  }
0xa9: {  	[dreg:$0x3] =	wrdreg s4  }
0xaa: {  	[dreg:$0x4] =	wrdreg $0xC0  }
0xab: {  	_ =	task [dreg:s6], $0x5FFFF  }
0xac: {  	[dreg:$0x1] =	wrdreg $0xFFFFFFFF  }
0xad: {  	[dreg:$0x0] =	wrdreg $0x60  }
0xae: {  	[dreg:$0x2] =	wrdreg s24  }
0xaf: {  	[dreg:$0x3] =	wrdreg $0x9  }
0xb0: {  	_ =	task.clear_ibuf [dreg:s6], $0x4FFFF;
	_ =	strace $0x9000004C  }
0xb1: {  	s29 =	simm.s32 $0x9;
	_ =	strace $0x8000004E  }
0xb2: {  	_ =	swait.ge [sflag:s29], $0x1  }
0xb3: {  	[sflag:s29] =	ssyncadd.s32 $0xFFFFFFFF  }
0xb4: {  	_ =	strace $0x9000004E  }
0xb5: {  	_ =	sfence  }
0xb6: {  	s30 =	sld [smem:$0x0];
	_ =	sdelay $0x2  }
0xb7: {  	s31 =	sshll.u32 s1, $0xD;
	s1 =	sshrl.u32 s1, $0x2  }
0xb8: {  	s3 =	sand.u32 $0x4000, s31;
	s1 =	sadd.s32 s1, s30  }
0xb9: {  	s0 =	sor.u32 s3, s0;
	s1 =	sshll.u32 s1, $0x11  }
0xba: {  	s0 =	sor.u32 s1, s0  }
0xbb: {  	s0 =	sadd.s32 $0x8F2B, s0  }
0xbc: {  	[sflag:s0] =	ssyncadd.remote.s32 $0x1  }
0xbd: {  	_ =	sfence.sel $0xFFFF  }
0xbe: {  	[dreg:$0x0] =	wrdreg $0xFFFFFFFF;
	(pc) =	sbr.abs _section_cstart, $3  }
0xbf: {  	[dreg:$0x1] =	wrdreg $0xFFFFFFFF  }
0xc0: {  	_ =	task.clear_ibuf [dreg:s6], $0x2FFFF;
	_ =	strace $0x9FFFFFFF  }
0xc1: {  	(tm) =	ssettm $0x7FFFFFFF  }
tec
execute0_lowered:
.L_overlay_start_1:
0x0: {  	(tag) =	ssettag $0x1  }
0x1: {  	s0 =	rddreg [dreg:$0x0];
	s1 =	srdreg.scid  }
0x2: {  	s2 =	simm.s32 $0x0;
	s4 =	stileid.u32;
	s11 =	simm.s32 $0x7  }
0x3: {  	s12 =	simm.s32 $0x5000;
	s13 =	simm.s32 $0x80;
	s16 =	simm.s32 $0xC000  }
0x4: {  	s17 =	simm.s32 $0x5080;
	s18 =	simm.s32 $0x10000;
	s19 =	simm.s32 $0x1  }
0x5: {  	s20 =	simm.s32 $0x3;
	s21 =	simm.s32 $0x12000;
	s22 =	simm.s32 $0x12400  }
0x6: {  	s23 =	simm.s32 $0x2;
	s24 =	simm.s32 $0x4;
	s25 =	simm.s32 $0x12440  }
0x7: {  	s26 =	simm.s32 $0x5;
	s28 =	simm.s32 $0x6;
	s1 =	sand.u32 $0x1, s1  }
0x8: {  	s29 =	simm.s32 $0x0;
	[smem:$0x7FF] =	sst s2;
	s3 =	sshll.u32 s1, $0x4  }
0x9: {  	_ =	strace $0x8000004D;
	s1 =	ssub.s32 $0x2, s1;
	s5 =	sor.u32 s4, s3  }
0xa: {  	s3 =	sadd.s32 $0x2C000, s0;
	s7 =	sshrl.u32 s1, $0x1;
	s6 =	smul.u32 $0xA00, s5  }
0xb: {  	s4 =	sadd.s32 $0x4000, s0;
	s5 =	smul.u32 $0x2800, s5;
	s31 =	ssub.s32 s1, s7  }
0xc: {  	v0 =	vlaneseq.u32;
	s10 =	smax.u32 s31, $0x1;
	s8 =	sadd.s32 s6, s0;
	s6 =	sadd.s32 $0x54000, s0  }
0xd: {  	v0 =	vmul.u32 $0x10, v0;
	s9 =	sor.u32 $0x40, s5;
	s7 =	sadd.s32 $0x90000, s8;
	s8 =	sadd.s32 $0x7C000, s8  }
.LBB2_1:
0xe: {  	[tilespmem:s2], [sflag:$0x7] =	stream.linear.gather [hbm4b:s7+s2], $0x5000, $0x38;
	[tilespmem:$0x12480] =	vst v63  }
0xf: {  	_ =	swait.ge [sflag:s11], $0x5000  }
0x10: {  	[sflag:s11] =	ssyncset.done $0x0  }
0x11: {  	[sflag:s11] =	ssyncadd.s32 $0xFFFFB000  }
0x12: {  	[tilespmem:s12], [sflag:$0x7] =	stream.linear.gather [hbm4b:s8+s2], $0x5000, $0x38;
	[tilespmem:$0x12480] =	vst v63  }
0x13: {  	_ =	swait.ge [sflag:s11], $0x5000  }
0x14: {  	[sflag:s11] =	ssyncset.done $0x0  }
0x15: {  	s0 =	simm.s32 $0xA000;
	[sflag:s11] =	ssyncadd.s32 $0xFFFFB000  }
0x16: {  	[tilespmem:s0], [sflag:$0x1] =	stream.indirect.gather [hbm4b:s3+s13], $0x40, s2, s13, $0xb8;
	[tilespmem:$0x12480] =	vst v63  }
0x17: {  	s30 =	simm.s32 $0xE000  }
0x18: {  	[tilespmem:s30], [sflag:$0x3] =	stream.indirect.gather [hbm4b:s4+s13], $0x40, s12, s13, $0xb8;
	[tilespmem:$0x12480] =	vst v63  }
0x19: {  	_ = 	snop  }
0x1a: {  	[tilespmem:s16], [sflag:$0x2] =	stream.indirect.gather [hbm4b:s3+s13], $0x40, s13, s13, $0xb8;
	[tilespmem:$0x12480] =	vst v63  }
0x1b: {  	s31 =	simm.s32 $0x0  }
0x1c: {  	[tilespmem:s18], [sflag:$0x4] =	stream.indirect.gather [hbm4b:s4+s13], $0x40, s17, s13, $0xb8;
	[tilespmem:$0x12480] =	vst v63  }
.LBB2_2:
0x1d: {  	_ =	swait.ge [sflag:s19], $0x2000  }
0x1e: {  	[sflag:s19] =	ssyncset.done $0x0  }
0x1f: {  	[sflag:s19] =	ssyncadd.s32 $0xFFFFE000  }
0x20: {  	_ =	swait.ge [sflag:s20], $0x2000  }
0x21: {  	[sflag:s20] =	ssyncset.done $0x0  }
0x22: {  	s0 =	simm.s32 $0x0;
	[sflag:s20] =	ssyncadd.s32 $0xFFFFE000  }
0x23: {  	v1 =	vld [tilespmem:s0+$0xE000]  }
0x24: {  	v2 =	vld [tilespmem:s0+$0xA000]  }
0x25: {  	v3 =	vld [tilespmem:s0+$0xA010]  }
0x26: {  	v4 =	vld [tilespmem:s0+$0xE010]  }
0x27: {  	v5 =	vld [tilespmem:s0+$0xA020]  }
0x28: {  	v6 =	vld [tilespmem:s0+$0xE020]  }
0x29: {  	v7 =	vld [tilespmem:s0+$0xE030];
	v1 =	vmul.f32 v1, v2  }
0x2a: {  	v2 =	vld [tilespmem:s0+$0xA030]  }
0x2b: {  	v58 =	vld [tilespmem:s0+$0xA040];
	v3 =	vmul.f32 v4, v3;
	v1 =	vadd.f32 $0.0e+00, v1  }
0x2c: {  	v8 =	vld [tilespmem:s0+$0xE040]  }
0x2d: {  	v59 =	vld [tilespmem:s0+$0xA050];
	v1 =	vadd.f32 v3, v1;
	v3 =	vmul.f32 v6, v5  }
0x2e: {  	v60 =	vld [tilespmem:s0+$0xE050]  }
0x2f: {  	v61 =	vld [tilespmem:s0+$0xE060];
	v2 =	vmul.f32 v7, v2;
	v1 =	vadd.f32 v3, v1  }
0x30: {  	v3 =	vld [tilespmem:s0+$0xA060]  }
0x31: {  	v62 =	vld [tilespmem:s0+$0xA070];
	v1 =	vadd.f32 v2, v1;
	v2 =	vmul.f32 v8, v58  }
0x32: {  	v63 =	vld [tilespmem:s0+$0xE070]  }
0x33: {  	v1 =	vadd.f32 v2, v1;
	v2 =	vmul.f32 v60, v59;
	_ =	sdelay $0x1  }
0x34: {  	v1 =	vadd.f32 v2, v1;
	v2 =	vmul.f32 v61, v3;
	_ =	sdelay $0x1  }
0x35: {  	v1 =	vadd.f32 v2, v1;
	v2 =	vmul.f32 v63, v62;
	_ =	sdelay $0x1  }
0x36: {  	v1 =	vadd.f32 v2, v1  }
0x37: {  	s0 =	simm.s32 $0x12000  }
0x38: {  	s1 =	simm.s32 $0x80;
	[tilespmem:s0+$0x0] =	vst v1  }
0x39: {  	s14 =	simm.s32 $0x400;
	v1 =	vld [tilespmem:s1+$0xE000]  }
.LBB2_3:
0x3a: {  	p0 =	sne.s32 s14, $0x7E00;
	v2 =	vld [tilespmem:s1+$0xA000]  }
0x3b: {  	v3 =	vld [tilespmem:s1+$0xA010]  }
0x3c: {  	v4 =	vld [tilespmem:s1+$0xE010]  }
0x3d: {  	v5 =	vld [tilespmem:s1+$0xA020]  }
0x3e: {  	v6 =	vld [tilespmem:s1+$0xE020]  }
0x3f: {  	v1 =	vmul.f32 v1, v2;
	v2 =	vld [tilespmem:s1+$0xA030]  }
0x40: {  	v7 =	vld [tilespmem:s1+$0xE030]  }
0x41: {  	v1 =	vadd.f32 $0.0e+00, v1;
	v3 =	vmul.f32 v4, v3;
	v4 =	vld [tilespmem:s1+$0xA040]  }
0x42: {  	v8 =	vld [tilespmem:s1+$0xE040]  }
0x43: {  	v1 =	vadd.f32 v3, v1;
	v3 =	vmul.f32 v6, v5;
	v5 =	vld [tilespmem:s1+$0xA050]  }
0x44: {  	v6 =	vld [tilespmem:s1+$0xE050]  }
0x45: {  	v1 =	vadd.f32 v3, v1;
	v2 =	vmul.f32 v7, v2;
	v3 =	vld [tilespmem:s1+$0xA060]  }
0x46: {  	v7 =	vld [tilespmem:s1+$0xE060]  }
0x47: {  	v1 =	vadd.f32 v2, v1;
	v2 =	vmul.f32 v8, v4;
	v4 =	vld [tilespmem:s1+$0xA070]  }
0x48: {  	v8 =	vld [tilespmem:s1+$0xE070]  }
0x49: {  	v1 =	vadd.f32 v2, v1;
	v2 =	vmul.f32 v6, v5;
	_ =	sdelay $0x1  }
0x4a: {  	v1 =	vadd.f32 v2, v1;
	v2 =	vmul.f32 v7, v3;
	_ =	sdelay $0x1  }
0x4b: {  	v1 =	vadd.f32 v2, v1;
	v2 =	vmul.f32 v8, v4  }
.Ltmp0:
0x4c: {  	(pc) =	sbr.rel @p0 .LBB2_3-.Ltmp0, $4  }
0x4d: {  	v1 =	vadd.f32 v2, v1  }
0x4e: {  	s0 =	sadd.s32 $0x10, s0  }
0x4f: {  	s1 =	sshra.s32 s14, $0x2;
	[tilespmem:s0+$0x0] =	vst v1  }
0x50: {  	s14 =	sadd.s32 $0x200, s14;
	v1 =	vld [tilespmem:s1+$0xE000]  }
0x51: {  	v2 =	vld [tilespmem:s1+$0xA000]  }
0x52: {  	v3 =	vld [tilespmem:s1+$0xA010]  }
0x53: {  	v4 =	vld [tilespmem:s1+$0xE010]  }
0x54: {  	v5 =	vld [tilespmem:s1+$0xA020]  }
0x55: {  	v6 =	vld [tilespmem:s1+$0xE020]  }
0x56: {  	v7 =	vld [tilespmem:s1+$0xE030];
	v1 =	vmul.f32 v1, v2  }
0x57: {  	v2 =	vld [tilespmem:s1+$0xA030]  }
0x58: {  	v8 =	vld [tilespmem:s1+$0xE040];
	v3 =	vmul.f32 v4, v3;
	v1 =	vadd.f32 $0.0e+00, v1  }
0x59: {  	v4 =	vld [tilespmem:s1+$0xA040]  }
0x5a: {  	v1 =	vadd.f32 v3, v1;
	v3 =	vmul.f32 v6, v5;
	v5 =	vld [tilespmem:s1+$0xA050]  }
0x5b: {  	v6 =	vld [tilespmem:s1+$0xE050]  }
0x5c: {  	v2 =	vmul.f32 v7, v2;
	v7 =	vld [tilespmem:s1+$0xE060];
	v1 =	vadd.f32 v3, v1  }
0x5d: {  	v3 =	vld [tilespmem:s1+$0xA060]  }
0x5e: {  	v1 =	vadd.f32 v2, v1;
	v2 =	vmul.f32 v8, v4;
	v4 =	vld [tilespmem:s1+$0xA070]  }
0x5f: {  	v8 =	vld [tilespmem:s1+$0xE070]  }
0x60: {  	v1 =	vadd.f32 v2, v1;
	v2 =	vmul.f32 v6, v5;
	_ =	sdelay $0x1  }
0x61: {  	v1 =	vadd.f32 v2, v1;
	v2 =	vmul.f32 v7, v3;
	_ =	sdelay $0x1  }
0x62: {  	s14 =	simm.s32 $0x0;
	v1 =	vadd.f32 v2, v1;
	v2 =	vmul.f32 v8, v4  }
0x63: {  	v3 =	vmov s14  }
0x64: {  	v1 =	vadd.f32 v2, v1;
	v2 =	vshll.u32 v3, $0x4  }
0x65: {  	s0 =	sadd.s32 $0x10, s0;
	p0 =	seq.s32 s31, $0x0;
	v2 =	vor.u32 v0, v2  }
0x66: {  	[tilespmem:s0+$0x0] =	vst v1;
	s0 =	simm.s32 @!p0 $0x5  }
0x67: {  	v1 =	vor.u32 $0x1, v2;
	_ =	swait.ge @!p0 [sflag:s0], $0x40  }
0x68: {  	[sflag:s0] =	ssyncset.done @!p0 $0x0  }
0x69: {  	v3 =	vor.u32 $0x2, v2;
	[sflag:s0] =	ssyncadd.s32 @!p0 $0xFFFFFFC0  }
0x6a: {  	v4 =	vld.idx.msk [tilespmem:v2+s21+$0x0], $0xffff  }
0x6b: {  	v5 =	vor.u32 $0x3, v2  }
0x6c: {  	v1 =	vld.idx.msk [tilespmem:v1+s21+$0x0], $0xffff  }
0x6d: {  	v6 =	vor.u32 $0x4, v2  }
0x6e: {  	v3 =	vld.idx.msk [tilespmem:v3+s21+$0x0], $0xffff  }
0x6f: {  	v7 =	vor.u32 $0x5, v2;
	v4 =	vadd.f32 $0.0e+00, v4  }
0x70: {  	v5 =	vld.idx.msk [tilespmem:v5+s21+$0x0], $0xffff  }
0x71: {  	v8 =	vor.u32 $0x6, v2;
	v1 =	vadd.f32 v1, v4  }
0x72: {  	v4 =	vld.idx.msk [tilespmem:v6+s21+$0x0], $0xffff  }
0x73: {  	v6 =	vor.u32 $0x7, v2;
	v1 =	vadd.f32 v3, v1  }
0x74: {  	v3 =	vld.idx.msk [tilespmem:v7+s21+$0x0], $0xffff  }
0x75: {  	v7 =	vor.u32 $0x8, v2;
	v1 =	vadd.f32 v5, v1  }
0x76: {  	v5 =	vld.idx.msk [tilespmem:v8+s21+$0x0], $0xffff  }
0x77: {  	v8 =	vor.u32 $0x9, v2;
	v1 =	vadd.f32 v4, v1  }
0x78: {  	v4 =	vld.idx.msk [tilespmem:v6+s21+$0x0], $0xffff  }
0x79: {  	v6 =	vor.u32 $0xA, v2;
	v1 =	vadd.f32 v3, v1  }
0x7a: {  	v3 =	vld.idx.msk [tilespmem:v7+s21+$0x0], $0xffff  }
0x7b: {  	v7 =	vor.u32 $0xB, v2;
	v1 =	vadd.f32 v5, v1  }
0x7c: {  	v5 =	vld.idx.msk [tilespmem:v8+s21+$0x0], $0xffff  }
0x7d: {  	v8 =	vor.u32 $0xC, v2;
	v1 =	vadd.f32 v4, v1  }
0x7e: {  	v4 =	vld.idx.msk [tilespmem:v6+s21+$0x0], $0xffff  }
0x7f: {  	v6 =	vor.u32 $0xD, v2;
	v1 =	vadd.f32 v3, v1  }
0x80: {  	v3 =	vld.idx.msk [tilespmem:v7+s21+$0x0], $0xffff  }
0x81: {  	v7 =	vor.u32 $0xE, v2;
	v1 =	vadd.f32 v5, v1  }
0x82: {  	v5 =	vld.idx.msk [tilespmem:v8+s21+$0x0], $0xffff  }
0x83: {  	v1 =	vadd.f32 v4, v1  }
0x84: {  	v2 =	vor.u32 $0xF, v2;
	v4 =	vld.idx.msk [tilespmem:v6+s21+$0x0], $0xffff  }
0x85: {  	v1 =	vadd.f32 v3, v1  }
0x86: {  	v3 =	vld.idx.msk [tilespmem:v7+s21+$0x0], $0xffff  }
0x87: {  	v1 =	vadd.f32 v5, v1  }
0x88: {  	s15 =	simm.s32 $0x10  }
0x89: {  	v2 =	vld.idx.msk [tilespmem:v2+s21+$0x0], $0xffff;
	v5 =	vmov s15;
	v4 =	vadd.f32 v4, v1  }
0x8a: {  	v1 =	vshll.u32 v5, $0x4  }
0x8b: {  	v1 =	vor.u32 v0, v1;
	v3 =	vadd.f32 v3, v4  }
0x8c: {  	v9 =	vor.u32 $0x1, v1;
	v8 =	vor.u32 $0x2, v1;
	v7 =	vor.u32 $0x3, v1  }
0x8d: {  	v6 =	vor.u32 $0x4, v1;
	v4 =	vor.u32 $0x5, v1;
	v5 =	vor.u32 $0x6, v1  }
0x8e: {  	s30 =	sshll.u32 s31, $0x8;
	s1 =	simm.s32 $0x12400;
	s0 =	simm.s32 $0x20;
	v10 =	vadd.f32 v2, v3;
	v3 =	vor.u32 $0x7, v1;
	v2 =	vor.u32 $0x8, v1  }
.LBB2_5:
0x8f: {  	p1 =	sne.s32 s0, $0x30  }
0x90: {  	v11 =	vor.u32 $0x9, v1;
	v12 =	vor.u32 $0xA, v1;
	v13 =	vor.u32 $0xB, v1;
	[tilespmem:s1+$0x0] =	vst v10;
	s1 =	sadd.s32 $0x10, s1;
	s14 =	smov.u32 s0;
	s0 =	sadd.s32 $0x10, s0  }
0x91: {  	v14 =	vor.u32 $0xC, v1;
	v15 =	vor.u32 $0xD, v1;
	v16 =	vor.u32 $0xE, v1;
	v10 =	vld.idx.msk [tilespmem:v1+s21+$0x0], $0xffff  }
0x92: {  	v1 =	vor.u32 $0xF, v1  }
0x93: {  	v9 =	vld.idx.msk [tilespmem:v9+s21+$0x0], $0xffff;
	_ =	sdelay $0x1  }
0x94: {  	v8 =	vld.idx.msk [tilespmem:v8+s21+$0x0], $0xffff;
	_ =	sdelay $0x1  }
0x95: {  	v10 =	vadd.f32 $0.0e+00, v10;
	v7 =	vld.idx.msk [tilespmem:v7+s21+$0x0], $0xffff;
	_ =	sdelay $0x1  }
0x96: {  	v9 =	vadd.f32 v9, v10;
	v6 =	vld.idx.msk [tilespmem:v6+s21+$0x0], $0xffff;
	_ =	sdelay $0x1  }
0x97: {  	v8 =	vadd.f32 v8, v9;
	v4 =	vld.idx.msk [tilespmem:v4+s21+$0x0], $0xffff;
	_ =	sdelay $0x1  }
0x98: {  	v7 =	vadd.f32 v7, v8;
	v5 =	vld.idx.msk [tilespmem:v5+s21+$0x0], $0xffff;
	_ =	sdelay $0x1  }
0x99: {  	v6 =	vadd.f32 v6, v7;
	v3 =	vld.idx.msk [tilespmem:v3+s21+$0x0], $0xffff;
	_ =	sdelay $0x1  }
0x9a: {  	v4 =	vadd.f32 v4, v6;
	v2 =	vld.idx.msk [tilespmem:v2+s21+$0x0], $0xffff;
	_ =	sdelay $0x1  }
0x9b: {  	v4 =	vadd.f32 v5, v4;
	v5 =	vld.idx.msk [tilespmem:v11+s21+$0x0], $0xffff;
	_ =	sdelay $0x1  }
0x9c: {  	v3 =	vadd.f32 v3, v4;
	v4 =	vld.idx.msk [tilespmem:v12+s21+$0x0], $0xffff;
	_ =	sdelay $0x1  }
0x9d: {  	v2 =	vadd.f32 v2, v3;
	v3 =	vld.idx.msk [tilespmem:v13+s21+$0x0], $0xffff;
	_ =	sdelay $0x1  }
0x9e: {  	v2 =	vadd.f32 v5, v2;
	v5 =	vld.idx.msk [tilespmem:v14+s21+$0x0], $0xffff;
	_ =	sdelay $0x1  }
0x9f: {  	v2 =	vadd.f32 v4, v2;
	v4 =	vld.idx.msk [tilespmem:v15+s21+$0x0], $0xffff;
	_ =	sdelay $0x1  }
0xa0: {  	v2 =	vadd.f32 v3, v2;
	v3 =	vld.idx.msk [tilespmem:v16+s21+$0x0], $0xffff;
	_ =	sdelay $0x1  }
0xa1: {  	v2 =	vadd.f32 v5, v2;
	v5 =	vld.idx.msk [tilespmem:v1+s21+$0x0], $0xffff;
	_ =	sdelay $0x1  }
0xa2: {  	v1 =	vmov s14;
	v2 =	vadd.f32 v4, v2  }
.Ltmp1:
0xa3: {  	v1 =	vshll.u32 v1, $0x4;
	(pc) =	sbr.rel @p1 .LBB2_5-.Ltmp1, $4  }
0xa4: {  	v1 =	vor.u32 v0, v1;
	v2 =	vadd.f32 v3, v2  }
0xa5: {  	v9 =	vor.u32 $0x1, v1;
	v8 =	vor.u32 $0x2, v1;
	v7 =	vor.u32 $0x3, v1  }
0xa6: {  	v6 =	vor.u32 $0x4, v1;
	v4 =	vor.u32 $0x5, v1;
	v10 =	vadd.f32 v5, v2  }
0xa7: {  	v3 =	vor.u32 $0x7, v1;
	v5 =	vor.u32 $0x6, v1;
	v2 =	vor.u32 $0x8, v1  }
0xa8: {  	_ =	sdelay $0x2  }
0xa9: {  	[tilespmem:s1+$0x0] =	vst v10  }
0xaa: {  	v10 =	vld.idx.msk [tilespmem:v1+s21+$0x0], $0xffff;
	_ =	sdelay $0x1  }
0xab: {  	v9 =	vld.idx.msk [tilespmem:v9+s21+$0x0], $0xffff;
	_ =	sdelay $0x1  }
0xac: {  	v8 =	vld.idx.msk [tilespmem:v8+s21+$0x0], $0xffff  }
0xad: {  	v10 =	vadd.f32 $0.0e+00, v10  }
0xae: {  	v7 =	vld.idx.msk [tilespmem:v7+s21+$0x0], $0xffff  }
0xaf: {  	v9 =	vadd.f32 v9, v10  }
0xb0: {  	v6 =	vld.idx.msk [tilespmem:v6+s21+$0x0], $0xffff  }
0xb1: {  	v8 =	vadd.f32 v8, v9  }
0xb2: {  	v4 =	vld.idx.msk [tilespmem:v4+s21+$0x0], $0xffff  }
0xb3: {  	v7 =	vadd.f32 v7, v8  }
0xb4: {  	v5 =	vld.idx.msk [tilespmem:v5+s21+$0x0], $0xffff  }
0xb5: {  	v43 =	vor.u32 $0x9, v1;
	v6 =	vadd.f32 v6, v7  }
0xb6: {  	v3 =	vld.idx.msk [tilespmem:v3+s21+$0x0], $0xffff  }
0xb7: {  	v44 =	vor.u32 $0xA, v1;
	v4 =	vadd.f32 v4, v6  }
0xb8: {  	v2 =	vld.idx.msk [tilespmem:v2+s21+$0x0], $0xffff  }
0xb9: {  	v45 =	vor.u32 $0xB, v1;
	v4 =	vadd.f32 v5, v4  }
0xba: {  	v46 =	vld.idx.msk [tilespmem:v43+s21+$0x0], $0xffff  }
0xbb: {  	v47 =	vor.u32 $0xC, v1;
	v3 =	vadd.f32 v3, v4  }
0xbc: {  	v48 =	vld.idx.msk [tilespmem:v44+s21+$0x0], $0xffff  }
0xbd: {  	v49 =	vor.u32 $0xD, v1;
	v2 =	vadd.f32 v2, v3  }
0xbe: {  	v3 =	vld.idx.msk [tilespmem:v45+s21+$0x0], $0xffff  }
0xbf: {  	v50 =	vor.u32 $0xE, v1;
	v2 =	vadd.f32 v46, v2  }
0xc0: {  	v51 =	vld.idx.msk [tilespmem:v47+s21+$0x0], $0xffff  }
0xc1: {  	v1 =	vor.u32 $0xF, v1;
	v2 =	vadd.f32 v48, v2  }
0xc2: {  	v52 =	vld.idx.msk [tilespmem:v49+s21+$0x0], $0xffff  }
0xc3: {  	v2 =	vadd.f32 v3, v2  }
0xc4: {  	v3 =	vld.idx.msk [tilespmem:v50+s21+$0x0], $0xffff  }
0xc5: {  	v2 =	vadd.f32 v51, v2  }
0xc6: {  	v1 =	vld.idx.msk [tilespmem:v1+s21+$0x0], $0xffff  }
0xc7: {  	v2 =	vadd.f32 v52, v2;
	_ =	sdelay $0x1  }
0xc8: {  	v2 =	vadd.f32 v3, v2  }
0xc9: {  	s0 =	sshll.u32 s31, $0x7  }
0xca: {  	s14 =	sadd.s32 s5, s0;
	v1 =	vadd.f32 v1, v2  }
0xcb: {  	s15 =	sadd.s32 $0x10, s1;
	s14 =	sshrl.u32 s14, $0x3  }
0xcc: {  	p1 =	seq.s32 s31, $0x4F;
	s14 =	sadd.s32 s6, s14;
	[tilespmem:s15+$0x0] =	vst v1  }
0xcd: {  	[hbm4b:s14+s2] =	stream.linear.scatter [tilespmem:s22], [sflag:$0x5], $0x40, $0x38;
	[tilespmem:$0x12480] =	vst v63  }
0xce: {  	s1 =	sadd.s32 @!p1 $0x100, s30;
	s15 =	simm.s32 @!p1 $0xA000;
	s14 =	simm.s32 @!p1 $0x80  }
0xcf: {  	[tilespmem:s15], [sflag:$0x1] =	stream.indirect.gather @!p1 [hbm4b:s3+s14], $0x40, s1, s14, $0xb8;
	[tilespmem:$0x12480] =	vst v63  }
0xd0: {  	s1 =	sadd.s32 @!p1 $0x5100, s30;
	s15 =	simm.s32 @!p1 $0xE000  }
0xd1: {  	[tilespmem:s15], [sflag:$0x3] =	stream.indirect.gather @!p1 [hbm4b:s4+s14], $0x40, s1, s14, $0xb8;
	[tilespmem:$0x12480] =	vst v63  }
0xd2: {  	_ =	swait.ge [sflag:s23], $0x2000  }
0xd3: {  	[sflag:s23] =	ssyncset.done $0x0  }
0xd4: {  	[sflag:s23] =	ssyncadd.s32 $0xFFFFE000  }
0xd5: {  	_ =	swait.ge [sflag:s24], $0x2000  }
0xd6: {  	[sflag:s24] =	ssyncset.done $0x0  }
0xd7: {  	s15 =	simm.s32 $0x0;
	[sflag:s24] =	ssyncadd.s32 $0xFFFFE000  }
0xd8: {  	v1 =	vld [tilespmem:s15+$0x10000]  }
0xd9: {  	v2 =	vld [tilespmem:s15+$0xC000]  }
0xda: {  	v3 =	vld [tilespmem:s15+$0xC010]  }
0xdb: {  	v53 =	vld [tilespmem:s15+$0x10010]  }
0xdc: {  	v54 =	vld [tilespmem:s15+$0xC020]  }
0xdd: {  	v55 =	vld [tilespmem:s15+$0x10020]  }
0xde: {  	v56 =	vld [tilespmem:s15+$0x10030];
	v1 =	vmul.f32 v1, v2  }
0xdf: {  	v2 =	vld [tilespmem:s15+$0xC030]  }
0xe0: {  	v57 =	vld [tilespmem:s15+$0xC040];
	v3 =	vmul.f32 v53, v3;
	v1 =	vadd.f32 $0.0e+00, v1  }
0xe1: {  	v58 =	vld [tilespmem:s15+$0x10040]  }
0xe2: {  	v59 =	vld [tilespmem:s15+$0xC050];
	v1 =	vadd.f32 v3, v1;
	v3 =	vmul.f32 v55, v54  }
0xe3: {  	v60 =	vld [tilespmem:s15+$0x10050]  }
0xe4: {  	v61 =	vld [tilespmem:s15+$0x10060];
	v2 =	vmul.f32 v56, v2;
	v1 =	vadd.f32 v3, v1  }
0xe5: {  	v3 =	vld [tilespmem:s15+$0xC060]  }
0xe6: {  	v62 =	vld [tilespmem:s15+$0xC070];
	v1 =	vadd.f32 v2, v1;
	v2 =	vmul.f32 v58, v57  }
0xe7: {  	v63 =	vld [tilespmem:s15+$0x10070]  }
0xe8: {  	v1 =	vadd.f32 v2, v1;
	v2 =	vmul.f32 v60, v59;
	_ =	sdelay $0x1  }
0xe9: {  	v1 =	vadd.f32 v2, v1;
	v2 =	vmul.f32 v61, v3;
	_ =	sdelay $0x1  }
0xea: {  	v1 =	vadd.f32 v2, v1;
	v2 =	vmul.f32 v63, v62;
	_ =	sdelay $0x1  }
0xeb: {  	v1 =	vadd.f32 v2, v1  }
0xec: {  	s1 =	simm.s32 $0x12000  }
0xed: {  	s14 =	simm.s32 $0x80;
	[tilespmem:s1+$0x0] =	vst v1  }
0xee: {  	s31 =	sadd.s32 $0x1, s31;
	s15 =	simm.s32 $0x400;
	v1 =	vld [tilespmem:s14+$0x10000]  }
.LBB2_7:
0xef: {  	p2 =	sne.s32 s15, $0x7E00;
	v2 =	vld [tilespmem:s14+$0xC000]  }
0xf0: {  	v3 =	vld [tilespmem:s14+$0xC010]  }
0xf1: {  	v4 =	vld [tilespmem:s14+$0x10010]  }
0xf2: {  	v5 =	vld [tilespmem:s14+$0xC020]  }
0xf3: {  	v6 =	vld [tilespmem:s14+$0x10020]  }
0xf4: {  	v1 =	vmul.f32 v1, v2;
	v2 =	vld [tilespmem:s14+$0xC030]  }
0xf5: {  	v7 =	vld [tilespmem:s14+$0x10030]  }
0xf6: {  	v1 =	vadd.f32 $0.0e+00, v1;
	v3 =	vmul.f32 v4, v3;
	v4 =	vld [tilespmem:s14+$0xC040]  }
0xf7: {  	v8 =	vld [tilespmem:s14+$0x10040]  }
0xf8: {  	v1 =	vadd.f32 v3, v1;
	v3 =	vmul.f32 v6, v5;
	v5 =	vld [tilespmem:s14+$0xC050]  }
0xf9: {  	v6 =	vld [tilespmem:s14+$0x10050]  }
0xfa: {  	v1 =	vadd.f32 v3, v1;
	v2 =	vmul.f32 v7, v2;
	v3 =	vld [tilespmem:s14+$0xC060]  }
0xfb: {  	v7 =	vld [tilespmem:s14+$0x10060]  }
0xfc: {  	v1 =	vadd.f32 v2, v1;
	v2 =	vmul.f32 v8, v4;
	v4 =	vld [tilespmem:s14+$0xC070]  }
0xfd: {  	v8 =	vld [tilespmem:s14+$0x10070]  }
0xfe: {  	v1 =	vadd.f32 v2, v1;
	v2 =	vmul.f32 v6, v5;
	_ =	sdelay $0x1  }
0xff: {  	v1 =	vadd.f32 v2, v1;
	v2 =	vmul.f32 v7, v3;
	_ =	sdelay $0x1  }
0x100: {  	v1 =	vadd.f32 v2, v1;
	v2 =	vmul.f32 v8, v4  }
.Ltmp2:
0x101: {  	(pc) =	sbr.rel @p2 .LBB2_7-.Ltmp2, $4  }
0x102: {  	v1 =	vadd.f32 v2, v1  }
0x103: {  	s1 =	sadd.s32 $0x10, s1  }
0x104: {  	s14 =	sshra.s32 s15, $0x2;
	[tilespmem:s1+$0x0] =	vst v1  }
0x105: {  	s15 =	sadd.s32 $0x200, s15;
	v1 =	vld [tilespmem:s14+$0x10000]  }
0x106: {  	v2 =	vld [tilespmem:s14+$0xC000]  }
0x107: {  	v3 =	vld [tilespmem:s14+$0xC010]  }
0x108: {  	v4 =	vld [tilespmem:s14+$0x10010]  }
0x109: {  	v5 =	vld [tilespmem:s14+$0xC020]  }
0x10a: {  	v6 =	vld [tilespmem:s14+$0x10020]  }
0x10b: {  	v7 =	vld [tilespmem:s14+$0x10030];
	v1 =	vmul.f32 v1, v2  }
0x10c: {  	v2 =	vld [tilespmem:s14+$0xC030]  }
0x10d: {  	v8 =	vld [tilespmem:s14+$0x10040];
	v3 =	vmul.f32 v4, v3;
	v1 =	vadd.f32 $0.0e+00, v1  }
0x10e: {  	v4 =	vld [tilespmem:s14+$0xC040]  }
0x10f: {  	v1 =	vadd.f32 v3, v1;
	v3 =	vmul.f32 v6, v5;
	v5 =	vld [tilespmem:s14+$0xC050]  }
0x110: {  	v6 =	vld [tilespmem:s14+$0x10050]  }
0x111: {  	v2 =	vmul.f32 v7, v2;
	v7 =	vld [tilespmem:s14+$0x10060];
	v1 =	vadd.f32 v3, v1  }
0x112: {  	v3 =	vld [tilespmem:s14+$0xC060]  }
0x113: {  	v1 =	vadd.f32 v2, v1;
	v2 =	vmul.f32 v8, v4;
	v4 =	vld [tilespmem:s14+$0xC070]  }
0x114: {  	v8 =	vld [tilespmem:s14+$0x10070]  }
0x115: {  	v1 =	vadd.f32 v2, v1;
	v2 =	vmul.f32 v6, v5;
	_ =	sdelay $0x1  }
0x116: {  	v1 =	vadd.f32 v2, v1;
	v2 =	vmul.f32 v7, v3;
	_ =	sdelay $0x1  }
0x117: {  	s15 =	simm.s32 $0x0;
	v1 =	vadd.f32 v2, v1;
	v2 =	vmul.f32 v8, v4  }
0x118: {  	v3 =	vmov s15  }
0x119: {  	v1 =	vadd.f32 v2, v1;
	v2 =	vshll.u32 v3, $0x4  }
0x11a: {  	s1 =	sadd.s32 $0x10, s1;
	v2 =	vor.u32 v0, v2  }
0x11b: {  	[tilespmem:s1+$0x0] =	vst v1;
	s1 =	simm.s32 @!p0 $0x6  }
0x11c: {  	v1 =	vor.u32 $0x1, v2;
	_ =	swait.ge @!p0 [sflag:s1], $0x40  }
0x11d: {  	[sflag:s1] =	ssyncset.done @!p0 $0x0  }
0x11e: {  	v3 =	vor.u32 $0x2, v2;
	[sflag:s1] =	ssyncadd.s32 @!p0 $0xFFFFFFC0  }
0x11f: {  	v4 =	vld.idx.msk [tilespmem:v2+s21+$0x0], $0xffff  }
0x120: {  	v5 =	vor.u32 $0x3, v2  }
0x121: {  	v1 =	vld.idx.msk [tilespmem:v1+s21+$0x0], $0xffff  }
0x122: {  	v6 =	vor.u32 $0x4, v2  }
0x123: {  	v3 =	vld.idx.msk [tilespmem:v3+s21+$0x0], $0xffff  }
0x124: {  	v7 =	vor.u32 $0x5, v2;
	v4 =	vadd.f32 $0.0e+00, v4  }
0x125: {  	v5 =	vld.idx.msk [tilespmem:v5+s21+$0x0], $0xffff  }
0x126: {  	v8 =	vor.u32 $0x6, v2;
	v1 =	vadd.f32 v1, v4  }
0x127: {  	v4 =	vld.idx.msk [tilespmem:v6+s21+$0x0], $0xffff  }
0x128: {  	v6 =	vor.u32 $0x7, v2;
	v1 =	vadd.f32 v3, v1  }
0x129: {  	v3 =	vld.idx.msk [tilespmem:v7+s21+$0x0], $0xffff  }
0x12a: {  	v7 =	vor.u32 $0x8, v2;
	v1 =	vadd.f32 v5, v1  }
0x12b: {  	v5 =	vld.idx.msk [tilespmem:v8+s21+$0x0], $0xffff  }
0x12c: {  	v8 =	vor.u32 $0x9, v2;
	v1 =	vadd.f32 v4, v1  }
0x12d: {  	v4 =	vld.idx.msk [tilespmem:v6+s21+$0x0], $0xffff  }
0x12e: {  	v6 =	vor.u32 $0xA, v2;
	v1 =	vadd.f32 v3, v1  }
0x12f: {  	v3 =	vld.idx.msk [tilespmem:v7+s21+$0x0], $0xffff  }
0x130: {  	v7 =	vor.u32 $0xB, v2;
	v1 =	vadd.f32 v5, v1  }
0x131: {  	v5 =	vld.idx.msk [tilespmem:v8+s21+$0x0], $0xffff  }
0x132: {  	v8 =	vor.u32 $0xC, v2;
	v1 =	vadd.f32 v4, v1  }
0x133: {  	v4 =	vld.idx.msk [tilespmem:v6+s21+$0x0], $0xffff  }
0x134: {  	v6 =	vor.u32 $0xD, v2;
	v1 =	vadd.f32 v3, v1  }
0x135: {  	v3 =	vld.idx.msk [tilespmem:v7+s21+$0x0], $0xffff  }
0x136: {  	v7 =	vor.u32 $0xE, v2;
	v1 =	vadd.f32 v5, v1  }
0x137: {  	v5 =	vld.idx.msk [tilespmem:v8+s21+$0x0], $0xffff  }
0x138: {  	v1 =	vadd.f32 v4, v1  }
0x139: {  	v2 =	vor.u32 $0xF, v2;
	v4 =	vld.idx.msk [tilespmem:v6+s21+$0x0], $0xffff  }
0x13a: {  	v1 =	vadd.f32 v3, v1  }
0x13b: {  	v3 =	vld.idx.msk [tilespmem:v7+s21+$0x0], $0xffff  }
0x13c: {  	v1 =	vadd.f32 v5, v1  }
0x13d: {  	s15 =	simm.s32 $0x10  }
0x13e: {  	v2 =	vld.idx.msk [tilespmem:v2+s21+$0x0], $0xffff;
	v5 =	vmov s15;
	v4 =	vadd.f32 v4, v1  }
0x13f: {  	v1 =	vshll.u32 v5, $0x4  }
0x140: {  	v1 =	vor.u32 v0, v1;
	v3 =	vadd.f32 v3, v4  }
0x141: {  	v9 =	vor.u32 $0x1, v1;
	v8 =	vor.u32 $0x2, v1;
	v7 =	vor.u32 $0x3, v1  }
0x142: {  	v6 =	vor.u32 $0x4, v1;
	v4 =	vor.u32 $0x5, v1;
	v5 =	vor.u32 $0x6, v1  }
0x143: {  	s14 =	simm.s32 $0x20;
	s1 =	simm.s32 $0x12440;
	v10 =	vadd.f32 v2, v3;
	v3 =	vor.u32 $0x7, v1;
	v2 =	vor.u32 $0x8, v1  }
.LBB2_9:
0x144: {  	p0 =	sne.s32 s14, $0x30  }
0x145: {  	v11 =	vor.u32 $0x9, v1;
	v12 =	vor.u32 $0xA, v1;
	v13 =	vor.u32 $0xB, v1;
	[tilespmem:s1+$0x0] =	vst v10;
	s1 =	sadd.s32 $0x10, s1;
	s15 =	smov.u32 s14;
	s14 =	sadd.s32 $0x10, s14  }
0x146: {  	v14 =	vor.u32 $0xC, v1;
	v15 =	vor.u32 $0xD, v1;
	v16 =	vor.u32 $0xE, v1;
	v10 =	vld.idx.msk [tilespmem:v1+s21+$0x0], $0xffff  }
0x147: {  	v1 =	vor.u32 $0xF, v1  }
0x148: {  	v9 =	vld.idx.msk [tilespmem:v9+s21+$0x0], $0xffff;
	_ =	sdelay $0x1  }
0x149: {  	v8 =	vld.idx.msk [tilespmem:v8+s21+$0x0], $0xffff;
	_ =	sdelay $0x1  }
0x14a: {  	v10 =	vadd.f32 $0.0e+00, v10;
	v7 =	vld.idx.msk [tilespmem:v7+s21+$0x0], $0xffff;
	_ =	sdelay $0x1  }
0x14b: {  	v9 =	vadd.f32 v9, v10;
	v6 =	vld.idx.msk [tilespmem:v6+s21+$0x0], $0xffff;
	_ =	sdelay $0x1  }
0x14c: {  	v8 =	vadd.f32 v8, v9;
	v4 =	vld.idx.msk [tilespmem:v4+s21+$0x0], $0xffff;
	_ =	sdelay $0x1  }
0x14d: {  	v7 =	vadd.f32 v7, v8;
	v5 =	vld.idx.msk [tilespmem:v5+s21+$0x0], $0xffff;
	_ =	sdelay $0x1  }
0x14e: {  	v6 =	vadd.f32 v6, v7;
	v3 =	vld.idx.msk [tilespmem:v3+s21+$0x0], $0xffff;
	_ =	sdelay $0x1  }
0x14f: {  	v4 =	vadd.f32 v4, v6;
	v2 =	vld.idx.msk [tilespmem:v2+s21+$0x0], $0xffff;
	_ =	sdelay $0x1  }
0x150: {  	v4 =	vadd.f32 v5, v4;
	v5 =	vld.idx.msk [tilespmem:v11+s21+$0x0], $0xffff;
	_ =	sdelay $0x1  }
0x151: {  	v3 =	vadd.f32 v3, v4;
	v4 =	vld.idx.msk [tilespmem:v12+s21+$0x0], $0xffff;
	_ =	sdelay $0x1  }
0x152: {  	v2 =	vadd.f32 v2, v3;
	v3 =	vld.idx.msk [tilespmem:v13+s21+$0x0], $0xffff;
	_ =	sdelay $0x1  }
0x153: {  	v2 =	vadd.f32 v5, v2;
	v5 =	vld.idx.msk [tilespmem:v14+s21+$0x0], $0xffff;
	_ =	sdelay $0x1  }
0x154: {  	v2 =	vadd.f32 v4, v2;
	v4 =	vld.idx.msk [tilespmem:v15+s21+$0x0], $0xffff;
	_ =	sdelay $0x1  }
0x155: {  	v2 =	vadd.f32 v3, v2;
	v3 =	vld.idx.msk [tilespmem:v16+s21+$0x0], $0xffff;
	_ =	sdelay $0x1  }
0x156: {  	v2 =	vadd.f32 v5, v2;
	v5 =	vld.idx.msk [tilespmem:v1+s21+$0x0], $0xffff;
	_ =	sdelay $0x1  }
0x157: {  	v1 =	vmov s15;
	v2 =	vadd.f32 v4, v2  }
.Ltmp3:
0x158: {  	v1 =	vshll.u32 v1, $0x4;
	(pc) =	sbr.rel @p0 .LBB2_9-.Ltmp3, $4  }
0x159: {  	v1 =	vor.u32 v0, v1;
	v2 =	vadd.f32 v3, v2  }
0x15a: {  	v9 =	vor.u32 $0x1, v1;
	v8 =	vor.u32 $0x2, v1;
	v7 =	vor.u32 $0x3, v1  }
0x15b: {  	v6 =	vor.u32 $0x4, v1;
	v4 =	vor.u32 $0x5, v1;
	v10 =	vadd.f32 v5, v2  }
0x15c: {  	v3 =	vor.u32 $0x7, v1;
	v5 =	vor.u32 $0x6, v1;
	v2 =	vor.u32 $0x8, v1  }
0x15d: {  	_ =	sdelay $0x2  }
0x15e: {  	[tilespmem:s1+$0x0] =	vst v10  }
0x15f: {  	v10 =	vld.idx.msk [tilespmem:v1+s21+$0x0], $0xffff;
	_ =	sdelay $0x1  }
0x160: {  	v9 =	vld.idx.msk [tilespmem:v9+s21+$0x0], $0xffff;
	_ =	sdelay $0x1  }
0x161: {  	v8 =	vld.idx.msk [tilespmem:v8+s21+$0x0], $0xffff  }
0x162: {  	v10 =	vadd.f32 $0.0e+00, v10  }
0x163: {  	v7 =	vld.idx.msk [tilespmem:v7+s21+$0x0], $0xffff  }
0x164: {  	v9 =	vadd.f32 v9, v10  }
0x165: {  	v6 =	vld.idx.msk [tilespmem:v6+s21+$0x0], $0xffff  }
0x166: {  	v8 =	vadd.f32 v8, v9  }
0x167: {  	v4 =	vld.idx.msk [tilespmem:v4+s21+$0x0], $0xffff  }
0x168: {  	v7 =	vadd.f32 v7, v8  }
0x169: {  	v5 =	vld.idx.msk [tilespmem:v5+s21+$0x0], $0xffff  }
0x16a: {  	v54 =	vor.u32 $0x9, v1;
	v6 =	vadd.f32 v6, v7  }
0x16b: {  	v3 =	vld.idx.msk [tilespmem:v3+s21+$0x0], $0xffff  }
0x16c: {  	v55 =	vor.u32 $0xA, v1;
	v4 =	vadd.f32 v4, v6  }
0x16d: {  	v2 =	vld.idx.msk [tilespmem:v2+s21+$0x0], $0xffff  }
0x16e: {  	v56 =	vor.u32 $0xB, v1;
	v4 =	vadd.f32 v5, v4  }
0x16f: {  	v57 =	vld.idx.msk [tilespmem:v54+s21+$0x0], $0xffff  }
0x170: {  	v58 =	vor.u32 $0xC, v1;
	v3 =	vadd.f32 v3, v4  }
0x171: {  	v59 =	vld.idx.msk [tilespmem:v55+s21+$0x0], $0xffff  }
0x172: {  	v60 =	vor.u32 $0xD, v1;
	v2 =	vadd.f32 v2, v3  }
0x173: {  	v3 =	vld.idx.msk [tilespmem:v56+s21+$0x0], $0xffff  }
0x174: {  	v61 =	vor.u32 $0xE, v1;
	v2 =	vadd.f32 v57, v2  }
0x175: {  	v62 =	vld.idx.msk [tilespmem:v58+s21+$0x0], $0xffff  }
0x176: {  	v1 =	vor.u32 $0xF, v1;
	v2 =	vadd.f32 v59, v2  }
0x177: {  	v63 =	vld.idx.msk [tilespmem:v60+s21+$0x0], $0xffff  }
0x178: {  	v2 =	vadd.f32 v3, v2  }
0x179: {  	v3 =	vld.idx.msk [tilespmem:v61+s21+$0x0], $0xffff  }
0x17a: {  	v2 =	vadd.f32 v62, v2  }
0x17b: {  	v1 =	vld.idx.msk [tilespmem:v1+s21+$0x0], $0xffff  }
0x17c: {  	v2 =	vadd.f32 v63, v2;
	_ =	sdelay $0x1  }
0x17d: {  	v2 =	vadd.f32 v3, v2;
	_ =	sdelay $0x1  }
0x17e: {  	s0 =	sadd.s32 s0, s9;
	v1 =	vadd.f32 v1, v2  }
0x17f: {  	s15 =	sadd.s32 $0x10, s1;
	p0 =	sne.s32 @!p1 s31, $0x50;
	s0 =	sshrl.u32 s0, $0x3  }
0x180: {  	p0 =	por p1, !p0;
	s0 =	sadd.s32 s6, s0;
	[tilespmem:s15+$0x0] =	vst v1  }
0x181: {  	[hbm4b:s0+s2] =	stream.linear.scatter [tilespmem:s25], [sflag:$0x6], $0x40, $0x38;
	[tilespmem:$0x12480] =	vst v63  }
.Ltmp4:
0x182: {  	_ = 	snop;
	(pc) =	sbr.rel @!p0 .LBB2_2-.Ltmp4, $4  }
0x183: {  	s1 =	simm.s32 @!p1 $0x80;
	s14 =	simm.s32 @!p1 $0xC000;
	s0 =	sadd.s32 @!p1 $0x180, s30  }
0x184: {  	[tilespmem:s14], [sflag:$0x2] =	stream.indirect.gather @!p1 [hbm4b:s3+s1], $0x40, s0, s1, $0xb8;
	[tilespmem:$0x12480] =	vst v63  }
0x185: {  	s0 =	sadd.s32 @!p1 $0x5180, s30;
	s14 =	simm.s32 @!p1 $0x10000  }
0x186: {  	[tilespmem:s14], [sflag:$0x4] =	stream.indirect.gather @!p1 [hbm4b:s4+s1], $0x40, s0, s1, $0xb8;
	[tilespmem:$0x12480] =	vst v63  }
0x187: {  	s29 =	sadd.s32 $0x1, s29  }
0x188: {  	_ =	swait.ge [sflag:s26], $0x40;
	p0 =	sne.s32 s29, s10  }
.Ltmp5:
0x189: {  	[sflag:s26] =	ssyncset.done $0x0;
	(pc) =	sbr.rel @p0 .LBB2_1-.Ltmp5, $4  }
0x18a: {  	[sflag:s26] =	ssyncadd.s32 $0xFFFFFFC0  }
0x18b: {  	_ =	swait.ge [sflag:s28], $0x40  }
0x18c: {  	[sflag:s28] =	ssyncset.done $0x0  }
0x18d: {  	[sflag:s28] =	ssyncadd.s32 $0xFFFFFFC0  }
0x18e: {  	_ =	sfence.sel $0x180000  }
0x18f: {  	[bflag:$0x0] =	sbarrier.arrive $0xFFFF  }
0x190: {  	_ =	strace $0x9000004D  }
0x191: {  	s0 =	stileid.u32;
	[bflag:$0x2] =	sbarrier.arrive $0xFFFF  }
0x192: {  	p0 =	sne.s32 s0, $0x0;
	s0 =	rddreg [dreg:$0x1]  }
0x193: {  	s0 =	sadd.s32 @!p0 $0x100000, s0  }
0x194: {  	[sflag:s0] =	ssyncadd.tile.s32 @!p0 $0x1;
	_ =	shalt  }
.Lfunc_end2:
_tile_overlayer_lowered:
.L_overlay_start_2:
0x195: {  	(tag) =	ssettag $0x2  }
0x196: {  	s0 =	rddreg [dreg:$0x0];
	s2 =	stileid.u32  }
0x197: {  	s1 =	rddreg [dreg:$0x1];
	p0 =	sne.s32 s2, $0x0  }
0x198: {  	s3 =	rddreg [dreg:$0x2];
	[bflag:$0x3] =	sbarrier.arrive $0xFFFF;
	s2 =	simm.s32 @!p0 $0x1C07  }
0x199: {  	[timem:s3], [sflag:s2] =	dma.local @!p0 [hbm:s0], s1  }
0x19a: {  	s0 =	simm.s32 @!p0 $0x7  }
0x19b: {  	_ =	swait.ge @!p0 [sflag:s0], s1  }
0x19c: {  	s1 =	ssub.s32 @!p0 $0x0, s1;
	[sflag:s0] =	ssyncset.done @!p0 $0x0  }
0x19d: {  	[sflag:s0] =	ssyncadd.s32 @!p0 s1  }
0x19e: {  	[bflag:$0x3] =	sbarrier.arrive $0xFFFF  }
0x19f: {  	_ =	shalt  }

// kernel: kernel.9.cloned.1.call-start
scs
__scs_entry_jumppad:
0x0: {  	(pc) =	sbr.rel $0x88, $3  }
0x1: {  	(tag) =	ssettag $0x0;
	lr =	simm.s32 $0x1  }
0x2: {  	[smem:$0x3F96] =	sst lr;
	_ =	strace $0xD0000000  }
0x3: {  	_ = 	snop  }
0x4: {  	_ = 	snop  }
0x5: {  	_ = 	snop  }
0x6: {  	_ = 	snop  }
0x7: {  	_ = 	snop  }
__scs_overlays_trampoline_lowered:
0x8: {  	[smem:$0x3FA5] =	sst s0  }
0x9: {  	[smem:$0x3FA6] =	sst s1  }
0xa: {  	[smem:$0x3FA7] =	sst s2  }
0xb: {  	[smem:$0x3FA8] =	sst s3  }
0xc: {  	[smem:$0x3FA9] =	sst s4  }
0xd: {  	[smem:$0x3FAA] =	sst s5  }
0xe: {  	[smem:$0x3FAB] =	sst s6  }
0xf: {  	[smem:$0x3FAC] =	sst s7  }
0x10: {  	[smem:$0x3FAD] =	sst s8  }
0x11: {  	[smem:$0x3FAE] =	sst s9;
	s0 =	simm.s32 @!p0 $0x0  }
0x12: {  	s1 =	sld [smem:$0x3F94];
	s0 =	simm.s32 @p0 $0x1  }
0x13: {  	[smem:$0x3FAF] =	sst s0;
	s0 =	simm.s32 @!p1 $0x0  }
0x14: {  	s2 =	sld [smem:$0x3F93];
	s0 =	simm.s32 @p1 $0x1  }
0x15: {  	[smem:$0x3FB0] =	sst s0;
	s0 =	simm.s32 @!p2 $0x0  }
0x16: {  	s3 =	sld [smem:$0x3FDB];
	s0 =	simm.s32 @p2 $0x1  }
0x17: {  	s4 =	simm.s32 $0x1BF5;
	[smem:$0x3FB2] =	sst s0  }
0x18: {  	s0 =	sld [smem:$0x3F95];
	_ =	swait.ge [sflag:s4], $0x0  }
0x19: {  	s7 =	sld [smem:$0x3F96]  }
0x1a: {  	s8 =	sadd.s32 $0xFFFFE003, lr  }
0x1b: {  	s9 =	sadd.s32 $0xFFFFFEF7, lr;
	s5 =	simm.s32 $0xFFFFFFFF;
	p2 =	slt.u32 s8, $0xFFFFF086  }
0x1c: {  	p1 =	slt.u32 s9, $0xF7A;
	s5 =	simm.s32 @!p2 $0x0  }
0x1d: {  	s5 =	simm.s32 @p1 $0x1;
	p0 =	seq.s32 s7, s2  }
0x1e: {  	s7 =	smul.u32 @!p0 $0xF7A, s2;
	p2 =	seq.s32 @!p0 s5, $0x0  }
0x1f: {  	s9 =	smul.u32 $0xF7A, s1;
	s8 =	simm.s32 @!p0 $0x1BF5;
	p2 =	por !p2, p0  }
0x20: {  	[sflag:s8] =	ssyncset.s32 @!p0 $0xFFFFF086;
	s6 =	sadd.s32 @!p0 s3, s7;
	s7 =	simm.s32 @!p0 $0x108  }
0x21: {  	s3 =	sadd.s32 s3, s9;
	s6 =	sadd.s32 @!p0 $0x88, s6;
	s7 =	simm.s32 @p2 $0x1082  }
0x22: {  	[simem:s7], [sflag:s8] =	dma.local @!p0 [hbm:s6], $0xF7A  }
0x23: {  	s9 =	sor.u32 $0xD0000000, s2;
	s6 =	simm.s32 $0x108;
	_ =	swait.ge @!p0 [sflag:s8], $0x0  }
0x24: {  	s3 =	sadd.s32 $0x88, s3;
	s6 =	simm.s32 @!p1 $0x1082;
	[sflag:s4] =	ssyncset.s32 $0xFFFFF086  }
0x25: {  	[simem:s6], [sflag:s4] =	dma.local [hbm:s3], $0xF7A  }
0x26: {  	[smem:$0x3F96] =	sst s1;
	(tag) =	ssettag s2;
	_ =	strace s9  }
0x27: {  	s1 =	sld [smem:$0x3FA6]  }
0x28: {  	s2 =	sld [smem:$0x3FA7]  }
0x29: {  	s4 =	sld [smem:$0x3FA9]  }
0x2a: {  	p0 =	seq.s32 s5, $0x0;
	s5 =	sld [smem:$0x3FAA]  }
0x2b: {  	s6 =	sld [smem:$0x3FAB]  }
0x2c: {  	s7 =	sld [smem:$0x3FAC]  }
0x2d: {  	s3 =	simm.s32 $0x108;
	s8 =	sld [smem:$0x3FAD]  }
0x2e: {  	s3 =	simm.s32 @!p0 $0x1082;
	s9 =	sld [smem:$0x3FAE]  }
0x2f: {  	lr =	sadd.s32 s0, s3;
	s0 =	sld [smem:$0x3FA5]  }
0x30: {  	s3 =	sld [smem:$0x3FA8]  }
0x31: {  	[smem:$0x3FB1] =	sst s10  }
0x32: {  	s10 =	sld [smem:$0x3FAF];
	_ =	sdelay $0x3  }
0x33: {  	p0 =	seq.s32 s10, $0x1;
	s10 =	sld [smem:$0x3FB1];
	_ =	sdelay $0x3  }
0x34: {  	[smem:$0x3FB1] =	sst s10  }
0x35: {  	s10 =	sld [smem:$0x3FB0];
	_ =	sdelay $0x3  }
0x36: {  	p1 =	seq.s32 s10, $0x1;
	s10 =	sld [smem:$0x3FB1];
	_ =	sdelay $0x3  }
0x37: {  	[smem:$0x3FB1] =	sst s10  }
0x38: {  	s10 =	sld [smem:$0x3FB2]  }
0x39: {  	_ = 	snop;
	(pc) =	sbr.ind lr, $3  }
0x3a: {  	_ = 	snop  }
0x3b: {  	_ = 	snop  }
0x3c: {  	p2 =	seq.s32 s10, $0x1;
	s10 =	sld [smem:$0x3FB1]  }
0x3d: {  	_ =	shalt  }
0x3e: {  	_ =	shalt  }
0x3f: {  	_ =	shalt  }
0x40: {  	_ =	shalt  }
0x41: {  	_ =	shalt  }
0x42: {  	_ =	shalt  }
0x43: {  	_ =	shalt  }
0x44: {  	_ =	shalt  }
0x45: {  	_ =	shalt  }
0x46: {  	_ =	shalt  }
0x47: {  	_ =	shalt  }
0x48: {  	_ =	shalt  }
0x49: {  	_ =	shalt  }
0x4a: {  	_ =	shalt  }
0x4b: {  	_ =	shalt  }
0x4c: {  	_ =	shalt  }
0x4d: {  	_ =	shalt  }
0x4e: {  	_ =	shalt  }
0x4f: {  	_ =	shalt  }
0x50: {  	_ =	shalt  }
0x51: {  	_ =	shalt  }
0x52: {  	_ =	shalt  }
0x53: {  	_ =	shalt  }
0x54: {  	_ =	shalt  }
0x55: {  	_ =	shalt  }
0x56: {  	_ =	shalt  }
0x57: {  	_ =	shalt  }
0x58: {  	_ =	shalt  }
0x59: {  	_ =	shalt  }
0x5a: {  	_ =	shalt  }
0x5b: {  	_ =	shalt  }
0x5c: {  	_ =	shalt  }
0x5d: {  	_ =	shalt  }
0x5e: {  	_ =	shalt  }
0x5f: {  	_ =	shalt  }
0x60: {  	_ =	shalt  }
0x61: {  	_ =	shalt  }
0x62: {  	_ =	shalt  }
0x63: {  	_ =	shalt  }
0x64: {  	_ =	shalt  }
0x65: {  	_ =	shalt  }
0x66: {  	_ =	shalt  }
0x67: {  	_ =	shalt  }
0x68: {  	_ =	shalt  }
0x69: {  	_ =	shalt  }
0x6a: {  	_ =	shalt  }
0x6b: {  	_ =	shalt  }
0x6c: {  	_ =	shalt  }
0x6d: {  	_ =	shalt  }
0x6e: {  	_ =	shalt  }
0x6f: {  	_ =	shalt  }
0x70: {  	_ =	shalt  }
0x71: {  	_ =	shalt  }
0x72: {  	_ =	shalt  }
0x73: {  	_ =	shalt  }
0x74: {  	_ =	shalt  }
0x75: {  	_ =	shalt  }
0x76: {  	_ =	shalt  }
0x77: {  	_ =	shalt  }
0x78: {  	_ =	shalt  }
0x79: {  	_ =	shalt  }
0x7a: {  	_ =	shalt  }
0x7b: {  	_ =	shalt  }
0x7c: {  	_ =	shalt  }
0x7d: {  	_ =	shalt  }
0x7e: {  	_ =	shalt  }
0x7f: {  	_ =	shalt  }
0x80: {  	_ =	shalt  }
0x81: {  	_ =	shalt  }
0x82: {  	_ =	shalt  }
0x83: {  	_ =	shalt  }
0x84: {  	_ =	shalt  }
0x85: {  	_ =	shalt  }
0x86: {  	_ =	shalt  }
0x87: {  	_ =	shalt  }
.Lfunc_end0:
.L_simem_size_0:
called_computation_lowered:
.L_overlay_start_0:
0x88: {  	s2 =	sld [smem:$0x3FD9]  }
0x89: {  	s3 =	sld [smem:$0x3FFE];
	_ =	sdelay $0x1  }
0x8a: {  	s1 =	srdreg.scid  }
0x8b: {  	s0 =	sand.u32 $0x1, s1  }
0x8c: {  	s14 =	sshll.u32 s0, $0xA;
	s2 =	sadd.s32 s3, s2  }
0x8d: {  	s2 =	sadd.s32 s2, s14  }
0x8e: {  	[smem:$0x3FBD] =	sst s2  }
0x8f: {  	_ = 	snop  }
0x90: {  	s2 =	sld [smem:$0x3FD0];
	_ =	sdelay $0x2  }
0x91: {  	s15 =	simm.s32 $0xA;
	s4 =	simm.s32 $0x10  }
0x92: {  	[smem:s4], [sflag:s15] =	dma.local [hbm:s2], $0x1  }
0x93: {  	_ =	swait.eq [sflag:s15], $0x1  }
0x94: {  	s16 =	sld [smem:$0x10];
	[sflag:s15] =	ssyncset.done $0x0  }
0x95: {  	s17 =	sld [smem:$0x11];
	[sflag:s15] =	ssyncadd.s32 $0xFFFFFFFF  }
0x96: {  	s18 =	sld [smem:$0x12];
	(tm) =	ssettm $0x1  }
0x97: {  	s5 =	sld [smem:$0x3FFB];
	_ =	sdelay $0x3  }
0x98: {  	_ =	strace s5  }
0x99: {  	s5 =	sld [smem:$0x3FFC];
	_ =	sdelay $0x3  }
0x9a: {  	_ =	strace s5  }
0x9b: {  	s5 =	sld [smem:$0x3FFD];
	_ =	sdelay $0x3  }
0x9c: {  	_ =	strace s5  }
0x9d: {  	_ =	strace $0x8FFFFFFF  }
0x9e: {  	s19 =	sld [smem:$0x3FDB];
	_ =	sdelay $0x1  }
0x9f: {  	s6 =	simm.s32 $_scs_section_size  }
0xa0: {  	s7 =	simm.s32 $_size__tile_overlayer_lowered;
	s8 =	simm.s32 $_tile_overlayer_lowered  }
0xa1: {  	s22 =	simm.s32 $0x1BFF;
	s21 =	sshll.u32 s8, $0x1;
	s5 =	sadd.s32 s6, s19  }
0xa2: {  	s9 =	simm.s32 $0x0;
	s20 =	sshll.u32 s7, $0x1;
	s7 =	sadd.s32 s21, s5  }
0xa3: {  	[timem:s9], [sflag:s22] =	dma.local [hbm:s7], s20  }
0xa4: {  	_ =	swait.ge [sflag:s22], s20  }
0xa5: {  	s6 =	ssub.s32 $0x0, s20;
	[sflag:s22] =	ssyncset.done $0x0  }
0xa6: {  	[sflag:s22] =	ssyncadd.s32 s6;
	_ =	sdelay $0x1  }
0xa7: {  	s23 =	simm.s32 $0x1B8B  }
0xa8: {  	_ =	swait.ge [sflag:s23], $0x1  }
0xa9: {  	[sflag:s23] =	ssyncset.done $0x0  }
0xaa: {  	s25 =	simm.s32 $0x1B8E;
	s24 =	sld [smem:$0x3FFE];
	[sflag:s23] =	ssyncadd.s32 $0xFFFFFFFF  }
0xab: {  	s26 =	simm.s32 $execute0_lowered;
	[smem:$0x3FD2] =	sst s25  }
0xac: {  	s7 =	sshll.u32 s26, $0x1;
	_ =	strace $0x80000046;
	[dreg:$0x1] =	wrdreg $0xFFFFFFFF  }
0xad: {  	s28 =	simm.s32 $_size_execute0_lowered;
	s5 =	sadd.s32 s5, s7;
	[dreg:$0x0] =	wrdreg $0x0  }
0xae: {  	s7 =	sshll.u32 s28, $0x1;
	[dreg:$0x2] =	wrdreg s5  }
0xaf: {  	[dreg:$0x3] =	wrdreg s7  }
0xb0: {  	[dreg:$0x4] =	wrdreg $0xC0  }
0xb1: {  	_ =	task [dreg:s9], $0x5FFFF  }
0xb2: {  	[dreg:$0x1] =	wrdreg $0xFFFFFFFF  }
0xb3: {  	[dreg:$0x0] =	wrdreg $0x60  }
0xb4: {  	[dreg:$0x2] =	wrdreg s18  }
0xb5: {  	[dreg:$0x3] =	wrdreg s17  }
0xb6: {  	[dreg:$0x4] =	wrdreg s24  }
0xb7: {  	[dreg:$0x5] =	wrdreg s16  }
0xb8: {  	[dreg:$0x6] =	wrdreg $0x0  }
0xb9: {  	[dreg:$0x7] =	wrdreg $0x9  }
0xba: {  	_ =	task.clear_ibuf [dreg:s9], $0x8FFFF;
	_ =	strace $0x90000046  }
0xbb: {  	s29 =	simm.s32 $0x9;
	_ =	strace $0x80000048  }
0xbc: {  	_ =	swait.ge [sflag:s29], $0x1  }
0xbd: {  	[sflag:s29] =	ssyncadd.s32 $0xFFFFFFFF  }
0xbe: {  	_ =	strace $0x90000048  }
0xbf: {  	_ =	sfence  }
0xc0: {  	s30 =	sld [smem:$0x0];
	_ =	sdelay $0x2  }
0xc1: {  	s31 =	sshll.u32 s1, $0xD;
	s1 =	sshrl.u32 s1, $0x2  }
0xc2: {  	s3 =	sand.u32 $0x4000, s31;
	s1 =	sadd.s32 s1, s30  }
0xc3: {  	s0 =	sor.u32 s3, s0;
	s1 =	sshll.u32 s1, $0x11  }
0xc4: {  	s0 =	sor.u32 s1, s0  }
0xc5: {  	s0 =	sadd.s32 $0x8F2B, s0  }
0xc6: {  	[sflag:s0] =	ssyncadd.remote.s32 $0x1  }
0xc7: {  	_ =	sfence.sel $0xFFFF  }
0xc8: {  	[dreg:$0x0] =	wrdreg $0xFFFFFFFF;
	(pc) =	sbr.abs _section_cstart, $3  }
0xc9: {  	[dreg:$0x1] =	wrdreg $0xFFFFFFFF  }
0xca: {  	_ =	task.clear_ibuf [dreg:s9], $0x2FFFF;
	_ =	strace $0x9FFFFFFF  }
0xcb: {  	(tm) =	ssettm $0x7FFFFFFF  }
tec
execute0_lowered:
.L_overlay_start_1:
0x0: {  	(tag) =	ssettag $0x1  }
0x1: {  	s6 =	rddreg [dreg:$0x0]  }
0x2: {  	s7 =	rddreg [dreg:$0x1]  }
0x3: {  	s4 =	rddreg [dreg:$0x2]  }
0x4: {  	s8 =	rddreg [dreg:$0x3]  }
0x5: {  	s2 =	rddreg [dreg:$0x4]  }
0x6: {  	s0 =	rddreg [dreg:$0x5]  }
0x7: {  	s1 =	stileid.u32;
	s3 =	simm.s32 $0x0;
	s5 =	srdreg.scid  }
0x8: {  	s14 =	simm.s32 $0x80;
	s15 =	simm.s32 $0x5A00;
	s16 =	simm.s32 $0xA80  }
0x9: {  	s17 =	simm.s32 $0x3280;
	s18 =	simm.s32 $0x1;
	s19 =	simm.s32 $0x2  }
0xa: {  	s20 =	simm.s32 $0x3;
	s21 =	simm.s32 $0x4;
	s22 =	simm.s32 $0x0  }
0xb: {  	s9 =	smul.u32 $0xA00, s1;
	[smem:$0x7FF] =	sst s3;
	s5 =	sand.u32 $0x1, s5  }
0xc: {  	s31 =	sshll.u32 s1, $0x6;
	_ =	strace $0x80000047;
	s11 =	ssub.s32 $0x2, s5  }
0xd: {  	s12 =	sshll.u32 s5, $0x4;
	s30 =	smul.u32 $0xA000, s5;
	s5 =	sor.u32 $0x1C05, s31  }
0xe: {  	s10 =	sshrl.u32 s9, $0x3;
	s28 =	sshrl.u32 s11, $0x1;
	s29 =	sor.u32 s1, s12  }
0xf: {  	s4 =	sadd.s32 s10, s4;
	s10 =	ssub.s32 s11, s28;
	s11 =	smul.u32 $0x500, s29  }
0x10: {  	s13 =	sadd.s32 s9, s2;
	s12 =	simm.s32 $0xA00;
	s9 =	sadd.s32 s9, s30  }
0x11: {  	s4 =	sadd.s32 $0x4000, s4;
	s9 =	sshrl.u32 s9, $0x3;
	s6 =	sadd.s32 s6, s11  }
0x12: {  	s7 =	sadd.s32 s7, s11;
	s8 =	sadd.s32 s8, s9;
	s9 =	smax.u32 s10, $0x1  }
0x13: {  	v0 =	vimm.f32 $1.000000000e+00;
	s10 =	sshrl.u32 s13, $0x3;
	s11 =	simm.s32 $0x5;
	s13 =	simm.s32 $0x3200  }
.LBB2_1:
0x14: {  	[tilespmem:$0x5A00] =	vst v0  }
0x15: {  	[tilespmem:$0x5A10] =	vst v0  }
0x16: {  	[tilespmem:$0x5A20] =	vst v0  }
0x17: {  	[tilespmem:$0x5A30] =	vst v0  }
0x18: {  	[tilespmem:$0x5A40] =	vst v0  }
0x19: {  	[tilespmem:$0x5A50] =	vst v0  }
0x1a: {  	[tilespmem:$0x5A60] =	vst v0  }
0x1b: {  	[tilespmem:$0x5A70] =	vst v0  }
0x1c: {  	[spmem:s10], [sflag:s5] =	dma.local [hbm:s4], $0x140  }
0x1d: {  	_ =	swait.ge [sflag:s11], $0x140  }
0x1e: {  	[sflag:s11] =	ssyncset.done $0x0  }
0x1f: {  	[sflag:s11] =	ssyncadd.s32 $0xFFFFFEC0  }
0x20: {  	[tilespmem:s12], [sflag:$0x5] =	stream.linear.gather [hbm4b:s6+s3], $0x2800, $0x38;
	[tilespmem:$0x5A80] =	vst v63  }
0x21: {  	_ =	swait.ge [sflag:s11], $0x2800  }
0x22: {  	[sflag:s11] =	ssyncset.done $0x0  }
0x23: {  	[sflag:s11] =	ssyncadd.s32 $0xFFFFD800  }
0x24: {  	[tilespmem:s13], [sflag:$0x5] =	stream.linear.gather [hbm4b:s7+s3], $0x2800, $0x38;
	[tilespmem:$0x5A80] =	vst v63  }
0x25: {  	_ =	swait.ge [sflag:s11], $0x2800  }
0x26: {  	[sflag:s11] =	ssyncset.done $0x0  }
0x27: {  	s23 =	simm.s32 $0x0;
	s24 =	simm.s32 $0x40;
	[sflag:s11] =	ssyncadd.s32 $0xFFFFD800  }
.LBB2_2:
0x28: {  	p0 =	sne.s32 s24, $0x9FC0;
	v1 =	vld [tilespmem:s23+$0x3200];
	_ =	sdelay $0x1  }
.Ltmp0:
0x29: {  	(pc) =	sbr.rel @p0 .LBB2_2-.Ltmp0, $3  }
0x2a: {  	_ =	sdelay $0x1  }
0x2b: {  	v1 =	vadd.s32 $0x5000, v1  }
0x2c: {  	[tilespmem:s23+$0x3200] =	vst v1;
	s23 =	sshra.s32 s24, $0x2;
	s24 =	sadd.s32 $0x40, s24  }
0x2d: {  	v1 =	vld [tilespmem:s23+$0x3200];
	_ =	sdelay $0x4  }
0x2e: {  	v1 =	vadd.s32 $0x5000, v1  }
0x2f: {  	[tilespmem:s23+$0x3200] =	vst v1  }
0x30: {  	[bflag:$0x0] =	sbarrier.arrive $0xFFFF  }
0x31: {  	[spmem:s2] =	stream.indirect.scatter.add.f32 [tilespmem:s15], [sflag:$0x1], $0x1, s12, s14, $0xb8;
	[tilespmem:$0x5A80] =	vst v63  }
0x32: {  	_ = 	snop  }
0x33: {  	[spmem:s2] =	stream.indirect.scatter.add.f32 [tilespmem:s15], [sflag:$0x2], $0x1, s13, s14, $0xb8;
	[tilespmem:$0x5A80] =	vst v63  }
0x34: {  	_ = 	snop  }
0x35: {  	[spmem:s2] =	stream.indirect.scatter.add.f32 [tilespmem:s15], [sflag:$0x3], $0x1, s16, s14, $0xb8;
	[tilespmem:$0x5A80] =	vst v63  }
0x36: {  	_ = 	snop  }
0x37: {  	[spmem:s2] =	stream.indirect.scatter.add.f32 [tilespmem:s15], [sflag:$0x4], $0x1, s17, s14, $0xb8;
	[tilespmem:$0x5A80] =	vst v63  }
0x38: {  	_ =	swait.ge [sflag:s18], $0x80  }
0x39: {  	[sflag:s18] =	ssyncset.done $0x0  }
0x3a: {  	[sflag:s18] =	ssyncadd.s32 $0xFFFFFF80  }
0x3b: {  	_ =	swait.ge [sflag:s19], $0x80  }
0x3c: {  	[sflag:s19] =	ssyncset.done $0x0  }
0x3d: {  	s29 =	simm.s32 $0xB00;
	[sflag:s19] =	ssyncadd.s32 $0xFFFFFF80  }
0x3e: {  	[spmem:s2] =	stream.indirect.scatter.add.f32 [tilespmem:s15], [sflag:$0x1], $0x1, s29, s14, $0xb8;
	[tilespmem:$0x5A80] =	vst v63  }
0x3f: {  	s30 =	simm.s32 $0x3300  }
0x40: {  	[spmem:s2] =	stream.indirect.scatter.add.f32 [tilespmem:s15], [sflag:$0x2], $0x1, s30, s14, $0xb8;
	[tilespmem:$0x5A80] =	vst v63  }
0x41: {  	_ =	swait.ge [sflag:s20], $0x80  }
0x42: {  	[sflag:s20] =	ssyncset.done $0x0  }
0x43: {  	[sflag:s20] =	ssyncadd.s32 $0xFFFFFF80  }
0x44: {  	_ =	swait.ge [sflag:s21], $0x80  }
0x45: {  	s31 =	simm.s32 $0xB80;
	[sflag:s21] =	ssyncset.done $0x0  }
0x46: {  	s24 =	simm.s32 $0x3380;
	s23 =	simm.s32 $0xFFFF6800;
	[sflag:s21] =	ssyncadd.s32 $0xFFFFFF80  }
0x47: {  	[spmem:s2] =	stream.indirect.scatter.add.f32 [tilespmem:s15], [sflag:$0x3], $0x1, s31, s14, $0xb8;
	[tilespmem:$0x5A80] =	vst v63  }
.LBB2_4:
0x48: {  	[spmem:s2] =	stream.indirect.scatter.add.f32 [tilespmem:s15], [sflag:$0x4], $0x1, s24, s14, $0xb8;
	[tilespmem:$0x5A80] =	vst v63  }
0x49: {  	s24 =	smov.u32 s23  }
0x4a: {  	p0 =	sne.s32 s23, $0xFFFFFC00;
	s23 =	sadd.s32 $0x400, s23;
	_ =	swait.ge [sflag:s18], $0x80  }
0x4b: {  	[sflag:s18] =	ssyncset.done $0x0  }
0x4c: {  	[sflag:s18] =	ssyncadd.s32 $0xFFFFFF80  }
0x4d: {  	_ =	swait.ge [sflag:s19], $0x80  }
0x4e: {  	s24 =	sshra.s32 s24, $0x2;
	[sflag:s19] =	ssyncset.done $0x0  }
0x4f: {  	s25 =	sadd.s32 $0x3200, s24;
	[sflag:s19] =	ssyncadd.s32 $0xFFFFFF80  }
0x50: {  	[spmem:s2] =	stream.indirect.scatter.add.f32 [tilespmem:s15], [sflag:$0x1], $0x1, s25, s14, $0xb8;
	[tilespmem:$0x5A80] =	vst v63  }
0x51: {  	s25 =	sadd.s32 $0x5A00, s24  }
0x52: {  	[spmem:s2] =	stream.indirect.scatter.add.f32 [tilespmem:s15], [sflag:$0x2], $0x1, s25, s14, $0xb8;
	[tilespmem:$0x5A80] =	vst v63  }
0x53: {  	_ =	swait.ge [sflag:s20], $0x80  }
0x54: {  	[sflag:s20] =	ssyncset.done $0x0  }
0x55: {  	[sflag:s20] =	ssyncadd.s32 $0xFFFFFF80  }
.Ltmp1:
0x56: {  	_ =	swait.ge [sflag:s21], $0x80;
	(pc) =	sbr.rel @p0 .LBB2_4-.Ltmp1, $4  }
0x57: {  	[sflag:s21] =	ssyncset.done $0x0  }
0x58: {  	s25 =	sadd.s32 $0x3280, s24;
	[sflag:s21] =	ssyncadd.s32 $0xFFFFFF80  }
0x59: {  	[spmem:s2] =	stream.indirect.scatter.add.f32 [tilespmem:s15], [sflag:$0x3], $0x1, s25, s14, $0xb8;
	[tilespmem:$0x5A80] =	vst v63  }
0x5a: {  	s24 =	sadd.s32 $0x5A80, s24  }
0x5b: {  	[spmem:s2] =	stream.indirect.scatter.add.f32 [tilespmem:s15], [sflag:$0x4], $0x1, s24, s14, $0xb8;
	[tilespmem:$0x5A80] =	vst v63  }
0x5c: {  	_ =	swait.ge [sflag:s18], $0x80  }
0x5d: {  	[sflag:s18] =	ssyncset.done $0x0  }
0x5e: {  	[sflag:s18] =	ssyncadd.s32 $0xFFFFFF80  }
0x5f: {  	_ =	swait.ge [sflag:s19], $0x80  }
0x60: {  	[sflag:s19] =	ssyncset.done $0x0  }
0x61: {  	[sflag:s19] =	ssyncadd.s32 $0xFFFFFF80  }
0x62: {  	_ =	swait.ge [sflag:s20], $0x80  }
0x63: {  	[sflag:s20] =	ssyncset.done $0x0  }
0x64: {  	[sflag:s20] =	ssyncadd.s32 $0xFFFFFF80  }
0x65: {  	_ =	swait.ge [sflag:s21], $0x80  }
0x66: {  	s22 =	sadd.s32 $0x1, s22;
	[sflag:s21] =	ssyncset.done $0x0  }
0x67: {  	p0 =	sne.s32 s22, s9;
	[sflag:s21] =	ssyncadd.s32 $0xFFFFFF80  }
.Ltmp2:
0x68: {  	[bflag:$0x0] =	sbarrier.arrive $0xFFFF;
	(pc) =	sbr.rel @p0 .LBB2_1-.Ltmp2, $4  }
0x69: {  	[hbm:s8], [sflag:s5] =	dma.local [spmem:s10], $0x140  }
0x6a: {  	_ =	swait.ge [sflag:s11], $0x140  }
0x6b: {  	[sflag:s11] =	ssyncset.done $0x0  }
0x6c: {  	[sflag:s11] =	ssyncadd.s32 $0xFFFFFEC0  }
0x6d: {  	_ =	sfence.sel $0x180000  }
0x6e: {  	[bflag:$0x0] =	sbarrier.arrive $0xFFFF  }
0x6f: {  	p0 =	sne.s32 s1, $0x0;
	_ =	strace $0x90000047  }
0x70: {  	s0 =	sadd.s32 @!p0 $0x100000, s0;
	[bflag:$0x2] =	sbarrier.arrive $0xFFFF  }
0x71: {  	[sflag:s0] =	ssyncadd.tile.s32 @!p0 $0x1;
	_ =	shalt  }
.Lfunc_end2:
_tile_overlayer_lowered:
.L_overlay_start_2:
0x72: {  	(tag) =	ssettag $0x2  }
0x73: {  	s0 =	rddreg [dreg:$0x0];
	s2 =	stileid.u32  }
0x74: {  	s1 =	rddreg [dreg:$0x1];
	p0 =	sne.s32 s2, $0x0  }
0x75: {  	s3 =	rddreg [dreg:$0x2];
	[bflag:$0x3] =	sbarrier.arrive $0xFFFF;
	s2 =	simm.s32 @!p0 $0x1C05  }
0x76: {  	[timem:s3], [sflag:s2] =	dma.local @!p0 [hbm:s0], s1  }
0x77: {  	s0 =	simm.s32 @!p0 $0x5  }
0x78: {  	_ =	swait.ge @!p0 [sflag:s0], s1  }
0x79: {  	s1 =	ssub.s32 @!p0 $0x0, s1;
	[sflag:s0] =	ssyncset.done @!p0 $0x0  }
0x7a: {  	[sflag:s0] =	ssyncadd.s32 @!p0 s1  }
0x7b: {  	[bflag:$0x3] =	sbarrier.arrive $0xFFFF  }
0x7c: {  	_ =	shalt  }

</sc_bundles>
